<compile_context>
chip_gen: v7x
topology: tpu7x:2x2x1
jax: 0.10.2.dev20260603
libtpu: 0.0.44.dev20260713+nightly
codegen_flags: <defaults>
</compile_context>

<pallas_src>
import functools

import jax
import jax.numpy as jnp
from jax import lax
from jax.experimental import pallas as pl
from jax.experimental.pallas import tpu as pltpu, tpu_sc as plsc

_B = 4096
_F = 26
_D = 16
_TOT = _B * _F
_NW = 32
_PER_W = _TOT // _NW
_CH = 128
_NCH = _PER_W // _CH


_VOCAB = 1000000
_RP_C = 8192
_RP_G = -(-_VOCAB // _RP_C)
_VOCAB_PAD = _RP_G * _RP_C


def _repack_body(t_ref, o_ref):
    t = t_ref[...]
    u = jnp.concatenate(
        [t[:, a * 1024:(a + 1) * 1024] for a in range(8)], axis=0)
    o_ref[...] = u.T


def _repack_table(table_t):
    return pl.pallas_call(
        _repack_body,
        grid=(_RP_G,),
        in_specs=[pl.BlockSpec((16, _RP_C), lambda g: (0, g))],
        out_specs=pl.BlockSpec((_RP_C // 8, 128), lambda g: (g, 0)),
        out_shape=jax.ShapeDtypeStruct((_VOCAB_PAD * 16 // 128, 128),
                                       jnp.float32),
    )(table_t)


def _sc_gather(table, idx3d):
    mesh = plsc.VectorSubcoreMesh(core_axis_name="c", subcore_axis_name="s")

    @functools.partial(
        pl.kernel,
        mesh=mesh,
        out_type=jax.ShapeDtypeStruct((_TOT, _D), jnp.float32),
        compiler_params=pltpu.CompilerParams(use_tc_tiling_on_sc=False),
        scratch_types=[
            pltpu.VMEM((_NCH, _CH), jnp.int32),
            pltpu.VMEM((_PER_W, _D), jnp.float32),
            pltpu.SemaphoreType.DMA,
        ],
    )
    def gather_kernel(table_hbm, idx_hbm, out_hbm, idx_v, rows_v, sem):
        wid = lax.axis_index("s") * 2 + lax.axis_index("c")
        pltpu.sync_copy(idx_hbm.at[wid], idx_v)
        copies = [
            pltpu.async_copy(
                table_hbm.at[idx_v.at[j]],
                rows_v.at[pl.ds(j * _CH, _CH)],
                sem,
            )
            for j in range(_NCH)
        ]
        for c in copies:
            c.wait()
        pltpu.sync_copy(rows_v, out_hbm.at[pl.ds(wid * _PER_W, _PER_W)])

    return gather_kernel(table, idx3d)


def _bn(h):
    mu = jnp.mean(h, axis=0, keepdims=True)
    var = jnp.mean((h - mu) ** 2, axis=0, keepdims=True)
    return (h - mu) / jnp.sqrt(var + 1e-5)


def _mm(h, w, b):
    return jnp.dot(h, w, preferred_element_type=jnp.float32) + b


def _dense_body(emb_ref, *refs):
    vals = [r[...] for r in refs[:54]]
    outs = refs[54:]
    d1w, d1b, d2w, d2b = vals[:4]
    hvals = vals[4:]

    h = _bn(emb_ref[...])
    h = jax.nn.relu(_bn(_mm(h, d1w, d1b)))
    fused = jax.nn.relu(_bn(_mm(h, d2w, d2b)))
    fn = _bn(fused)

    for i in range(7):
        w1, b1, w2, b2, w3, b3 = hvals[6 * i: 6 * i + 6]
        g = jax.nn.relu(_bn(_mm(fn, w1, b1)))
        g = jax.nn.relu(_bn(_mm(g, w2, b2)))
        g = _bn(_mm(g, w3, b3))
        if i < 6:
            g = jax.nn.sigmoid(g)
        outs[i][...] = g

    base = 42
    uw1, ub1, uw2, ub2 = hvals[base: base + 4]
    g = jax.nn.relu(_bn(_mm(fn, uw1, ub1)))
    g = jax.nn.sigmoid(_bn(_mm(g, uw2, ub2)))
    outs[7][...] = g

    tw1, tb1, tw2, tb2 = hvals[base + 4: base + 8]
    g = jax.nn.relu(_bn(_mm(fn, tw1, tb1)))
    logits = _bn(_mm(g, tw2, tb2))
    m = jnp.max(logits, axis=-1, keepdims=True)
    e = jnp.exp(logits - m)
    outs[8][...] = e / jnp.sum(e, axis=-1, keepdims=True)


def kernel(x, table, dnn_params, main_params, aux_params, time_params,
           unc_params, tw_params):
    xv = (x & ~8191) | ((x & 1023) << 3) | ((x >> 10) & 7)
    idx3d = xv.reshape(_NW, _NCH, _CH)
    table_rm = _repack_table(table.T).reshape(_VOCAB_PAD, _D)
    emb = _sc_gather(table_rm, idx3d).reshape(_B, _F * _D)

    def prep(params):
        out = []
        for i in range(0, len(params), 2):
            out.append(params[i])
            out.append(params[i + 1].reshape(1, -1))
        return out

    flat = (prep(dnn_params) + prep(main_params)
            + sum((prep(p) for p in aux_params), [])
            + prep(time_params) + prep(unc_params) + prep(tw_params))

    out_shapes = ([jax.ShapeDtypeStruct((_B, 1), jnp.float32)] * 8
                  + [jax.ShapeDtypeStruct((_B, 7), jnp.float32)])
    outs = pl.pallas_call(
        _dense_body,
        out_shape=out_shapes,
    )(emb, *flat)
    return tuple(outs)

# --- scband reference (transcript-rebuilt; emitter-appended) ---
"""Pipeline reference for scband-aux-event-fused-model-86955907875116 (READ-ONLY COPY).

The authoritative reference and input builder live on the scoring server;
editing this copy changes nothing except your own understanding.
"""

import jax, jax.numpy as jnp
import numpy as np

VOCAB = 1000000
N_FIELDS = 26
EMBED_DIM = 16
BATCH = 4096
NUM_AUX = 5


def _bn(h):
    mu = jnp.mean(h, axis=0, keepdims=True)
    var = jnp.var(h, axis=0, keepdims=True)
    return (h - mu) / jnp.sqrt(var + 1e-5)


def _mlp(h, params, final_act, input_norm=True):
    if input_norm:
        h = _bn(h)
    n = len(params) // 2
    for i in range(n):
        W, b = params[2 * i], params[2 * i + 1]
        h = h @ W + b
        h = _bn(h)
        if i < n - 1:
            h = jax.nn.relu(h)
        elif final_act == 'relu':
            h = jax.nn.relu(h)
        elif final_act == 'sigmoid':
            h = jax.nn.sigmoid(h)
    return h


def _make_mlp(key, dims):
    params = []
    for i in range(len(dims) - 1):
        key, k1 = jax.random.split(key)
        params.append(jax.random.normal(k1, (dims[i], dims[i + 1]), dtype=jnp.float32) * 0.05)
        params.append(jnp.zeros((dims[i + 1],), dtype=jnp.float32))
    return params, key


def setup_inputs(seed: int = 0):
    key = jax.random.key(seed)
    key, k1, k2 = jax.random.split(key, 3)
    x = jax.random.randint(k1, (BATCH, N_FIELDS), 0, VOCAB, dtype=jnp.int32)
    table = jax.random.normal(k2, (VOCAB, EMBED_DIM), dtype=jnp.float32) * 0.1
    dnn_params, key = _make_mlp(key, [N_FIELDS * EMBED_DIM, 256, 128])
    main_params, key = _make_mlp(key, [128, 64, 32, 1])
    aux_params = []
    for _ in range(NUM_AUX):
        p, key = _make_mlp(key, [128, 64, 32, 1])
        aux_params.append(p)
    time_params, key = _make_mlp(key, [128, 64, 32, 1])
    unc_params, key = _make_mlp(key, [128, 32, 1])
    tw_params, key = _make_mlp(key, [128, 64, 2 + NUM_AUX])
    return {"x": x, "table": table, "dnn_params": dnn_params, "main_params": main_params,
            "aux_params": aux_params, "time_params": time_params, "unc_params": unc_params,
            "tw_params": tw_params}


def reference(x, table, dnn_params, main_params, aux_params, time_params, unc_params, tw_params):
    # EmbeddingSumConcat: per-field embedding lookup (sum over in-field values is
    # identity with one id per field), then concat across fields.
    emb = jnp.take(table, x, axis=0)  # [B, F, D]
    all_out = emb.reshape(-1, N_FIELDS * EMBED_DIM)
    fused = _mlp(all_out, dnn_params, 'relu', input_norm=True)
    main_pred = _mlp(fused, main_params, 'sigmoid')
    aux_preds = [_mlp(fused, p, 'sigmoid') for p in aux_params]
    time_pred = _mlp(fused, time_params, None)
    uncertainty = _mlp(fused, unc_params, 'sigmoid')
    tw_logits = _mlp(fused, tw_params, None)
    task_weights = jax.nn.softmax(tw_logits, axis=-1)
    return (main_pred, *aux_preds, time_pred, uncertainty, task_weights)

if __name__ == "__main__":
    import jax
    _d = setup_inputs()
    print(jax.jit(kernel)(*tuple(_d.values())))

</pallas_src>

<mosaic_0001>
#map = affine_map<(d0, d1) -> (0, 0)>
#map1 = affine_map<(d0, d1) -> (0, 0, 0)>
module attributes {stable_mosaic.version = 14 : i64} {
  func.func @gather_kernel(%arg0: i32, %arg1: i32, %arg2: memref<1007616x16xf32, #tpu.memory_space<hbm>>, %arg3: memref<32x26x128xi32, #tpu.memory_space<hbm>>, %arg4: memref<106496x16xf32, #tpu.memory_space<hbm>>, %arg5: memref<26x128xi32, #tpu.memory_space<vmem>>, %arg6: memref<3328x16xf32, #tpu.memory_space<vmem>>, %arg7: memref<!tpu.dma_semaphore, #tpu.memory_space<semaphore_mem>>) attributes {dimension_semantics = [#tpu.dimension_semantics<core_parallel>, #tpu.dimension_semantics<subcore_parallel>], iteration_bounds = array<i64: 2, 16>, scalar_prefetch = 0 : i64, scratch_operands = 3 : i64, tpu.core_type = #tpu.core_type<sc_vector_subcore>, window_params = [{transform_indices = #map}, {transform_indices = #map1}, {transform_indices = #map}]} {
    %mul3A = arith.constant 2 : i32
    %mul3A_0 = arith.muli %arg1, %mul3A : i32
    %add3A = arith.addi %mul3A_0, %arg0 : i32
    "tpu.region"() ({
      %run_scoped3A = tpu.sem_alloc : memref<!tpu.dma_semaphore, #tpu.memory_space<semaphore_mem>>
      %dma_start3A_521 = arith.constant 0 : i32
      %dma_start3A_522 = arith.constant 0 : i32
      %dma_start3A_523 = tpu.memref_slice %arg3[%add3A, %dma_start3A_521, %dma_start3A_522] : memref<32x26x128xi32, #tpu.memory_space<hbm>> -> memref<1x26x128xi32, #tpu.memory_space<hbm>>
      %dma_start3A_524 = tpu.memref_squeeze %dma_start3A_523 : memref<1x26x128xi32, #tpu.memory_space<hbm>> -> memref<26x128xi32, #tpu.memory_space<hbm>>
      %dma_start3A_525 = arith.constant 0 : i32
      %dma_start3A_526 = arith.constant 0 : i32
      %dma_start3A_527 = tpu.memref_slice %arg3[%add3A, %dma_start3A_525, %dma_start3A_526] : memref<32x26x128xi32, #tpu.memory_space<hbm>> -> memref<1x26x128xi32, #tpu.memory_space<hbm>>
      %dma_start3A_528 = tpu.memref_squeeze %dma_start3A_527 : memref<1x26x128xi32, #tpu.memory_space<hbm>> -> memref<26x128xi32, #tpu.memory_space<hbm>>
      tpu.enqueue_dma source(%dma_start3A_528 : memref<26x128xi32, #tpu.memory_space<hbm>>) target(%arg5 : memref<26x128xi32, #tpu.memory_space<vmem>>) target_semaphore(%run_scoped3A : memref<!tpu.dma_semaphore, #tpu.memory_space<semaphore_mem>>)
      %dma_wait3A_529 = arith.constant 0 : i32
      %dma_wait3A_530 = arith.constant 0 : i32
      %dma_wait3A_531 = tpu.memref_slice %arg3[%add3A, %dma_wait3A_529, %dma_wait3A_530] : memref<32x26x128xi32, #tpu.memory_space<hbm>> -> memref<1x26x128xi32, #tpu.memory_space<hbm>>
      %dma_wait3A_532 = tpu.memref_squeeze %dma_wait3A_531 : memref<1x26x128xi32, #tpu.memory_space<hbm>> -> memref<26x128xi32, #tpu.memory_space<hbm>>
      %dma_wait3A_533 = arith.constant 0 : i32
      %dma_wait3A_534 = arith.constant 0 : i32
      %dma_wait3A_535 = tpu.memref_slice %arg3[%add3A, %dma_wait3A_533, %dma_wait3A_534] : memref<32x26x128xi32, #tpu.memory_space<hbm>> -> memref<1x26x128xi32, #tpu.memory_space<hbm>>
      %dma_wait3A_536 = tpu.memref_squeeze %dma_wait3A_535 : memref<1x26x128xi32, #tpu.memory_space<hbm>> -> memref<26x128xi32, #tpu.memory_space<hbm>>
      tpu.wait_dma2 semaphore(%run_scoped3A : memref<!tpu.dma_semaphore, #tpu.memory_space<semaphore_mem>>) src(%dma_wait3A_536 : memref<26x128xi32, #tpu.memory_space<hbm>>) dst(%arg5 : memref<26x128xi32, #tpu.memory_space<vmem>>)
      tpu.yield
    }) : () -> ()
    %dma_start3A = arith.constant 0 : i32
    %dma_start3A_1 = arith.constant 0 : i32
    %dma_start3A_2 = arith.constant 0 : i32
    %dma_start3A_3 = tpu.memref_slice %arg6[%dma_start3A_1, %dma_start3A_2] : memref<3328x16xf32, #tpu.memory_space<vmem>> -> memref<128x16xf32, #tpu.memory_space<vmem>>
    %dma_start3A_4 = arith.constant 0 : i32
    %dma_start3A_5 = tpu.memref_slice %arg5[%dma_start3A, %dma_start3A_4] : memref<26x128xi32, #tpu.memory_space<vmem>> -> memref<1x128xi32, #tpu.memory_space<vmem>>
    %dma_start3A_6 = tpu.memref_squeeze %dma_start3A_5 : memref<1x128xi32, #tpu.memory_space<vmem>> -> memref<128xi32, #tpu.memory_space<vmem>>
    %dma_start3A_7 = arith.constant 0 : i32
    %dma_start3A_8 = arith.constant 0 : i32
    %dma_start3A_9 = tpu.memref_slice %arg2[%dma_start3A_7, %dma_start3A_8] : memref<1007616x16xf32, #tpu.memory_space<hbm>> -> memref<1007616x16xf32, #tpu.memory_space<hbm>>
    tpu.enqueue_indirect_dma source(%dma_start3A_9 : memref<1007616x16xf32, #tpu.memory_space<hbm>>) target(%dma_start3A_3 : memref<128x16xf32, #tpu.memory_space<vmem>>) offsets(%dma_start3A_6 : memref<128xi32, #tpu.memory_space<vmem>>) semaphore(%arg7 : memref<!tpu.dma_semaphore, #tpu.memory_space<semaphore_mem>>)
    %dma_start3A_10 = arith.constant 1 : i32
    %dma_start3A_11 = arith.constant 128 : i32
    %dma_start3A_12 = arith.constant 0 : i32
    %dma_start3A_13 = tpu.memref_slice %arg6[%dma_start3A_11, %dma_start3A_12] : memref<3328x16xf32, #tpu.memory_space<vmem>> -> memref<128x16xf32, #tpu.memory_space<vmem>>
    %dma_start3A_14 = arith.constant 0 : i32
    %dma_start3A_15 = tpu.memref_slice %arg5[%dma_start3A_10, %dma_start3A_14] : memref<26x128xi32, #tpu.memory_space<vmem>> -> memref<1x128xi32, #tpu.memory_space<vmem>>
    %dma_start3A_16 = tpu.memref_squeeze %dma_start3A_15 : memref<1x128xi32, #tpu.memory_space<vmem>> -> memref<128xi32, #tpu.memory_space<vmem>>
    %dma_start3A_17 = arith.constant 0 : i32
    %dma_start3A_18 = arith.constant 0 : i32
    %dma_start3A_19 = tpu.memref_slice %arg2[%dma_start3A_17, %dma_start3A_18] : memref<1007616x16xf32, #tpu.memory_space<hbm>> -> memref<1007616x16xf32, #tpu.memory_space<hbm>>
    tpu.enqueue_indirect_dma source(%dma_start3A_19 : memref<1007616x16xf32, #tpu.memory_space<hbm>>) target(%dma_start3A_13 : memref<128x16xf32, #tpu.memory_space<vmem>>) offsets(%dma_start3A_16 : memref<128xi32, #tpu.memory_space<vmem>>) semaphore(%arg7 : memref<!tpu.dma_semaphore, #tpu.memory_space<semaphore_mem>>)
    %dma_start3A_20 = arith.constant 2 : i32
    %dma_start3A_21 = arith.constant 256 : i32
    %dma_start3A_22 = arith.constant 0 : i32
    %dma_start3A_23 = tpu.memref_slice %arg6[%dma_start3A_21, %dma_start3A_22] : memref<3328x16xf32, #tpu.memory_space<vmem>> -> memref<128x16xf32, #tpu.memory_space<vmem>>
    %dma_start3A_24 = arith.constant 0 : i32
    %dma_start3A_25 = tpu.memref_slice %arg5[%dma_start3A_20, %dma_start3A_24] : memref<26x128xi32, #tpu.memory_space<vmem>> -> memref<1x128xi32, #tpu.memory_space<vmem>>
    %dma_start3A_26 = tpu.memref_squeeze %dma_start3A_25 : memref<1x128xi32, #tpu.memory_space<vmem>> -> memref<128xi32, #tpu.memory_space<vmem>>
    %dma_start3A_27 = arith.constant 0 : i32
    %dma_start3A_28 = arith.constant 0 : i32
    %dma_start3A_29 = tpu.memref_slice %arg2[%dma_start3A_27, %dma_start3A_28] : memref<1007616x16xf32, #tpu.memory_space<hbm>> -> memref<1007616x16xf32, #tpu.memory_space<hbm>>
    tpu.enqueue_indirect_dma source(%dma_start3A_29 : memref<1007616x16xf32, #tpu.memory_space<hbm>>) target(%dma_start3A_23 : memref<128x16xf32, #tpu.memory_space<vmem>>) offsets(%dma_start3A_26 : memref<128xi32, #tpu.memory_space<vmem>>) semaphore(%arg7 : memref<!tpu.dma_semaphore, #tpu.memory_space<semaphore_mem>>)
    %dma_start3A_30 = arith.constant 3 : i32
    %dma_start3A_31 = arith.constant 384 : i32
    %dma_start3A_32 = arith.constant 0 : i32
    %dma_start3A_33 = tpu.memref_slice %arg6[%dma_start3A_31, %dma_start3A_32] : memref<3328x16xf32, #tpu.memory_space<vmem>> -> memref<128x16xf32, #tpu.memory_space<vmem>>
    %dma_start3A_34 = arith.constant 0 : i32
    %dma_start3A_35 = tpu.memref_slice %arg5[%dma_start3A_30, %dma_start3A_34] : memref<26x128xi32, #tpu.memory_space<vmem>> -> memref<1x128xi32, #tpu.memory_space<vmem>>
    %dma_start3A_36 = tpu.memref_squeeze %dma_start3A_35 : memref<1x128xi32, #tpu.memory_space<vmem>> -> memref<128xi32, #tpu.memory_space<vmem>>
    %dma_start3A_37 = arith.constant 0 : i32
    %dma_start3A_38 = arith.constant 0 : i32
    %dma_start3A_39 = tpu.memref_slice %arg2[%dma_start3A_37, %dma_start3A_38] : memref<1007616x16xf32, #tpu.memory_space<hbm>> -> memref<1007616x16xf32, #tpu.memory_space<hbm>>
    tpu.enqueue_indirect_dma source(%dma_start3A_39 : memref<1007616x16xf32, #tpu.memory_space<hbm>>) target(%dma_start3A_33 : memref<128x16xf32, #tpu.memory_space<vmem>>) offsets(%dma_start3A_36 : memref<128xi32, #tpu.memory_space<vmem>>) semaphore(%arg7 : memref<!tpu.dma_semaphore, #tpu.memory_space<semaphore_mem>>)
    %dma_start3A_40 = arith.constant 4 : i32
    %dma_start3A_41 = arith.constant 512 : i32
    %dma_start3A_42 = arith.constant 0 : i32
    %dma_start3A_43 = tpu.memref_slice %arg6[%dma_start3A_41, %dma_start3A_42] : memref<3328x16xf32, #tpu.memory_space<vmem>> -> memref<128x16xf32, #tpu.memory_space<vmem>>
    %dma_start3A_44 = arith.constant 0 : i32
    %dma_start3A_45 = tpu.memref_slice %arg5[%dma_start3A_40, %dma_start3A_44] : memref<26x128xi32, #tpu.memory_space<vmem>> -> memref<1x128xi32, #tpu.memory_space<vmem>>
    %dma_start3A_46 = tpu.memref_squeeze %dma_start3A_45 : memref<1x128xi32, #tpu.memory_space<vmem>> -> memref<128xi32, #tpu.memory_space<vmem>>
    %dma_start3A_47 = arith.constant 0 : i32
    %dma_start3A_48 = arith.constant 0 : i32
    %dma_start3A_49 = tpu.memref_slice %arg2[%dma_start3A_47, %dma_start3A_48] : memref<1007616x16xf32, #tpu.memory_space<hbm>> -> memref<1007616x16xf32, #tpu.memory_space<hbm>>
    tpu.enqueue_indirect_dma source(%dma_start3A_49 : memref<1007616x16xf32, #tpu.memory_space<hbm>>) target(%dma_start3A_43 : memref<128x16xf32, #tpu.memory_space<vmem>>) offsets(%dma_start3A_46 : memref<128xi32, #tpu.memory_space<vmem>>) semaphore(%arg7 : memref<!tpu.dma_semaphore, #tpu.memory_space<semaphore_mem>>)
    %dma_start3A_50 = arith.constant 5 : i32
    %dma_start3A_51 = arith.constant 640 : i32
    %dma_start3A_52 = arith.constant 0 : i32
    %dma_start3A_53 = tpu.memref_slice %arg6[%dma_start3A_51, %dma_start3A_52] : memref<3328x16xf32, #tpu.memory_space<vmem>> -> memref<128x16xf32, #tpu.memory_space<vmem>>
    %dma_start3A_54 = arith.constant 0 : i32
    %dma_start3A_55 = tpu.memref_slice %arg5[%dma_start3A_50, %dma_start3A_54] : memref<26x128xi32, #tpu.memory_space<vmem>> -> memref<1x128xi32, #tpu.memory_space<vmem>>
    %dma_start3A_56 = tpu.memref_squeeze %dma_start3A_55 : memref<1x128xi32, #tpu.memory_space<vmem>> -> memref<128xi32, #tpu.memory_space<vmem>>
    %dma_start3A_57 = arith.constant 0 : i32
    %dma_start3A_58 = arith.constant 0 : i32
    %dma_start3A_59 = tpu.memref_slice %arg2[%dma_start3A_57, %dma_start3A_58] : memref<1007616x16xf32, #tpu.memory_space<hbm>> -> memref<1007616x16xf32, #tpu.memory_space<hbm>>
    tpu.enqueue_indirect_dma source(%dma_start3A_59 : memref<1007616x16xf32, #tpu.memory_space<hbm>>) target(%dma_start3A_53 : memref<128x16xf32, #tpu.memory_space<vmem>>) offsets(%dma_start3A_56 : memref<128xi32, #tpu.memory_space<vmem>>) semaphore(%arg7 : memref<!tpu.dma_semaphore, #tpu.memory_space<semaphore_mem>>)
    %dma_start3A_60 = arith.constant 6 : i32
    %dma_start3A_61 = arith.constant 768 : i32
    %dma_start3A_62 = arith.constant 0 : i32
    %dma_start3A_63 = tpu.memref_slice %arg6[%dma_start3A_61, %dma_start3A_62] : memref<3328x16xf32, #tpu.memory_space<vmem>> -> memref<128x16xf32, #tpu.memory_space<vmem>>
    %dma_start3A_64 = arith.constant 0 : i32
    %dma_start3A_65 = tpu.memref_slice %arg5[%dma_start3A_60, %dma_start3A_64] : memref<26x128xi32, #tpu.memory_space<vmem>> -> memref<1x128xi32, #tpu.memory_space<vmem>>
    %dma_start3A_66 = tpu.memref_squeeze %dma_start3A_65 : memref<1x128xi32, #tpu.memory_space<vmem>> -> memref<128xi32, #tpu.memory_space<vmem>>
    %dma_start3A_67 = arith.constant 0 : i32
    %dma_start3A_68 = arith.constant 0 : i32
    %dma_start3A_69 = tpu.memref_slice %arg2[%dma_start3A_67, %dma_start3A_68] : memref<1007616x16xf32, #tpu.memory_space<hbm>> -> memref<1007616x16xf32, #tpu.memory_space<hbm>>
    tpu.enqueue_indirect_dma source(%dma_start3A_69 : memref<1007616x16xf32, #tpu.memory_space<hbm>>) target(%dma_start3A_63 : memref<128x16xf32, #tpu.memory_space<vmem>>) offsets(%dma_start3A_66 : memref<128xi32, #tpu.memory_space<vmem>>) semaphore(%arg7 : memref<!tpu.dma_semaphore, #tpu.memory_space<semaphore_mem>>)
    %dma_start3A_70 = arith.constant 7 : i32
    %dma_start3A_71 = arith.constant 896 : i32
    %dma_start3A_72 = arith.constant 0 : i32
    %dma_start3A_73 = tpu.memref_slice %arg6[%dma_start3A_71, %dma_start3A_72] : memref<3328x16xf32, #tpu.memory_space<vmem>> -> memref<128x16xf32, #tpu.memory_space<vmem>>
    %dma_start3A_74 = arith.constant 0 : i32
    %dma_start3A_75 = tpu.memref_slice %arg5[%dma_start3A_70, %dma_start3A_74] : memref<26x128xi32, #tpu.memory_space<vmem>> -> memref<1x128xi32, #tpu.memory_space<vmem>>
    %dma_start3A_76 = tpu.memref_squeeze %dma_start3A_75 : memref<1x128xi32, #tpu.memory_space<vmem>> -> memref<128xi32, #tpu.memory_space<vmem>>
    %dma_start3A_77 = arith.constant 0 : i32
    %dma_start3A_78 = arith.constant 0 : i32
    %dma_start3A_79 = tpu.memref_slice %arg2[%dma_start3A_77, %dma_start3A_78] : memref<1007616x16xf32, #tpu.memory_space<hbm>> -> memref<1007616x16xf32, #tpu.memory_space<hbm>>
    tpu.enqueue_indirect_dma source(%dma_start3A_79 : memref<1007616x16xf32, #tpu.memory_space<hbm>>) target(%dma_start3A_73 : memref<128x16xf32, #tpu.memory_space<vmem>>) offsets(%dma_start3A_76 : memref<128xi32, #tpu.memory_space<vmem>>) semaphore(%arg7 : memref<!tpu.dma_semaphore, #tpu.memory_space<semaphore_mem>>)
    %dma_start3A_80 = arith.constant 8 : i32
    %dma_start3A_81 = arith.constant 1024 : i32
    %dma_start3A_82 = arith.constant 0 : i32
    %dma_start3A_83 = tpu.memref_slice %arg6[%dma_start3A_81, %dma_start3A_82] : memref<3328x16xf32, #tpu.memory_space<vmem>> -> memref<128x16xf32, #tpu.memory_space<vmem>>
    %dma_start3A_84 = arith.constant 0 : i32
    %dma_start3A_85 = tpu.memref_slice %arg5[%dma_start3A_80, %dma_start3A_84] : memref<26x128xi32, #tpu.memory_space<vmem>> -> memref<1x128xi32, #tpu.memory_space<vmem>>
    %dma_start3A_86 = tpu.memref_squeeze %dma_start3A_85 : memref<1x128xi32, #tpu.memory_space<vmem>> -> memref<128xi32, #tpu.memory_space<vmem>>
    %dma_start3A_87 = arith.constant 0 : i32
    %dma_start3A_88 = arith.constant 0 : i32
    %dma_start3A_89 = tpu.memref_slice %arg2[%dma_start3A_87, %dma_start3A_88] : memref<1007616x16xf32, #tpu.memory_space<hbm>> -> memref<1007616x16xf32, #tpu.memory_space<hbm>>
    tpu.enqueue_indirect_dma source(%dma_start3A_89 : memref<1007616x16xf32, #tpu.memory_space<hbm>>) target(%dma_start3A_83 : memref<128x16xf32, #tpu.memory_space<vmem>>) offsets(%dma_start3A_86 : memref<128xi32, #tpu.memory_space<vmem>>) semaphore(%arg7 : memref<!tpu.dma_semaphore, #tpu.memory_space<semaphore_mem>>)
    %dma_start3A_90 = arith.constant 9 : i32
    %dma_start3A_91 = arith.constant 1152 : i32
    %dma_start3A_92 = arith.constant 0 : i32
    %dma_start3A_93 = tpu.memref_slice %arg6[%dma_start3A_91, %dma_start3A_92] : memref<3328x16xf32, #tpu.memory_space<vmem>> -> memref<128x16xf32, #tpu.memory_space<vmem>>
    %dma_start3A_94 = arith.constant 0 : i32
    %dma_start3A_95 = tpu.memref_slice %arg5[%dma_start3A_90, %dma_start3A_94] : memref<26x128xi32, #tpu.memory_space<vmem>> -> memref<1x128xi32, #tpu.memory_space<vmem>>
    %dma_start3A_96 = tpu.memref_squeeze %dma_start3A_95 : memref<1x128xi32, #tpu.memory_space<vmem>> -> memref<128xi32, #tpu.memory_space<vmem>>
    %dma_start3A_97 = arith.constant 0 : i32
    %dma_start3A_98 = arith.constant 0 : i32
    %dma_start3A_99 = tpu.memref_slice %arg2[%dma_start3A_97, %dma_start3A_98] : memref<1007616x16xf32, #tpu.memory_space<hbm>> -> memref<1007616x16xf32, #tpu.memory_space<hbm>>
    tpu.enqueue_indirect_dma source(%dma_start3A_99 : memref<1007616x16xf32, #tpu.memory_space<hbm>>) target(%dma_start3A_93 : memref<128x16xf32, #tpu.memory_space<vmem>>) offsets(%dma_start3A_96 : memref<128xi32, #tpu.memory_space<vmem>>) semaphore(%arg7 : memref<!tpu.dma_semaphore, #tpu.memory_space<semaphore_mem>>)
    %dma_start3A_100 = arith.constant 10 : i32
    %dma_start3A_101 = arith.constant 1280 : i32
    %dma_start3A_102 = arith.constant 0 : i32
    %dma_start3A_103 = tpu.memref_slice %arg6[%dma_start3A_101, %dma_start3A_102] : memref<3328x16xf32, #tpu.memory_space<vmem>> -> memref<128x16xf32, #tpu.memory_space<vmem>>
    %dma_start3A_104 = arith.constant 0 : i32
    %dma_start3A_105 = tpu.memref_slice %arg5[%dma_start3A_100, %dma_start3A_104] : memref<26x128xi32, #tpu.memory_space<vmem>> -> memref<1x128xi32, #tpu.memory_space<vmem>>
    %dma_start3A_106 = tpu.memref_squeeze %dma_start3A_105 : memref<1x128xi32, #tpu.memory_space<vmem>> -> memref<128xi32, #tpu.memory_space<vmem>>
    %dma_start3A_107 = arith.constant 0 : i32
    %dma_start3A_108 = arith.constant 0 : i32
    %dma_start3A_109 = tpu.memref_slice %arg2[%dma_start3A_107, %dma_start3A_108] : memref<1007616x16xf32, #tpu.memory_space<hbm>> -> memref<1007616x16xf32, #tpu.memory_space<hbm>>
    tpu.enqueue_indirect_dma source(%dma_start3A_109 : memref<1007616x16xf32, #tpu.memory_space<hbm>>) target(%dma_start3A_103 : memref<128x16xf32, #tpu.memory_space<vmem>>) offsets(%dma_start3A_106 : memref<128xi32, #tpu.memory_space<vmem>>) semaphore(%arg7 : memref<!tpu.dma_semaphore, #tpu.memory_space<semaphore_mem>>)
    %dma_start3A_110 = arith.constant 11 : i32
    %dma_start3A_111 = arith.constant 1408 : i32
    %dma_start3A_112 = arith.constant 0 : i32
    %dma_start3A_113 = tpu.memref_slice %arg6[%dma_start3A_111, %dma_start3A_112] : memref<3328x16xf32, #tpu.memory_space<vmem>> -> memref<128x16xf32, #tpu.memory_space<vmem>>
    %dma_start3A_114 = arith.constant 0 : i32
    %dma_start3A_115 = tpu.memref_slice %arg5[%dma_start3A_110, %dma_start3A_114] : memref<26x128xi32, #tpu.memory_space<vmem>> -> memref<1x128xi32, #tpu.memory_space<vmem>>
    %dma_start3A_116 = tpu.memref_squeeze %dma_start3A_115 : memref<1x128xi32, #tpu.memory_space<vmem>> -> memref<128xi32, #tpu.memory_space<vmem>>
    %dma_start3A_117 = arith.constant 0 : i32
    %dma_start3A_118 = arith.constant 0 : i32
    %dma_start3A_119 = tpu.memref_slice %arg2[%dma_start3A_117, %dma_start3A_118] : memref<1007616x16xf32, #tpu.memory_space<hbm>> -> memref<1007616x16xf32, #tpu.memory_space<hbm>>
    tpu.enqueue_indirect_dma source(%dma_start3A_119 : memref<1007616x16xf32, #tpu.memory_space<hbm>>) target(%dma_start3A_113 : memref<128x16xf32, #tpu.memory_space<vmem>>) offsets(%dma_start3A_116 : memref<128xi32, #tpu.memory_space<vmem>>) semaphore(%arg7 : memref<!tpu.dma_semaphore, #tpu.memory_space<semaphore_mem>>)
    %dma_start3A_120 = arith.constant 12 : i32
    %dma_start3A_121 = arith.constant 1536 : i32
    %dma_start3A_122 = arith.constant 0 : i32
    %dma_start3A_123 = tpu.memref_slice %arg6[%dma_start3A_121, %dma_start3A_122] : memref<3328x16xf32, #tpu.memory_space<vmem>> -> memref<128x16xf32, #tpu.memory_space<vmem>>
    %dma_start3A_124 = arith.constant 0 : i32
    %dma_start3A_125 = tpu.memref_slice %arg5[%dma_start3A_120, %dma_start3A_124] : memref<26x128xi32, #tpu.memory_space<vmem>> -> memref<1x128xi32, #tpu.memory_space<vmem>>
    %dma_start3A_126 = tpu.memref_squeeze %dma_start3A_125 : memref<1x128xi32, #tpu.memory_space<vmem>> -> memref<128xi32, #tpu.memory_space<vmem>>
    %dma_start3A_127 = arith.constant 0 : i32
    %dma_start3A_128 = arith.constant 0 : i32
    %dma_start3A_129 = tpu.memref_slice %arg2[%dma_start3A_127, %dma_start3A_128] : memref<1007616x16xf32, #tpu.memory_space<hbm>> -> memref<1007616x16xf32, #tpu.memory_space<hbm>>
    tpu.enqueue_indirect_dma source(%dma_start3A_129 : memref<1007616x16xf32, #tpu.memory_space<hbm>>) target(%dma_start3A_123 : memref<128x16xf32, #tpu.memory_space<vmem>>) offsets(%dma_start3A_126 : memref<128xi32, #tpu.memory_space<vmem>>) semaphore(%arg7 : memref<!tpu.dma_semaphore, #tpu.memory_space<semaphore_mem>>)
    %dma_start3A_130 = arith.constant 13 : i32
    %dma_start3A_131 = arith.constant 1664 : i32
    %dma_start3A_132 = arith.constant 0 : i32
    %dma_start3A_133 = tpu.memref_slice %arg6[%dma_start3A_131, %dma_start3A_132] : memref<3328x16xf32, #tpu.memory_space<vmem>> -> memref<128x16xf32, #tpu.memory_space<vmem>>
    %dma_start3A_134 = arith.constant 0 : i32
    %dma_start3A_135 = tpu.memref_slice %arg5[%dma_start3A_130, %dma_start3A_134] : memref<26x128xi32, #tpu.memory_space<vmem>> -> memref<1x128xi32, #tpu.memory_space<vmem>>
    %dma_start3A_136 = tpu.memref_squeeze %dma_start3A_135 : memref<1x128xi32, #tpu.memory_space<vmem>> -> memref<128xi32, #tpu.memory_space<vmem>>
    %dma_start3A_137 = arith.constant 0 : i32
    %dma_start3A_138 = arith.constant 0 : i32
    %dma_start3A_139 = tpu.memref_slice %arg2[%dma_start3A_137, %dma_start3A_138] : memref<1007616x16xf32, #tpu.memory_space<hbm>> -> memref<1007616x16xf32, #tpu.memory_space<hbm>>
    tpu.enqueue_indirect_dma source(%dma_start3A_139 : memref<1007616x16xf32, #tpu.memory_space<hbm>>) target(%dma_start3A_133 : memref<128x16xf32, #tpu.memory_space<vmem>>) offsets(%dma_start3A_136 : memref<128xi32, #tpu.memory_space<vmem>>) semaphore(%arg7 : memref<!tpu.dma_semaphore, #tpu.memory_space<semaphore_mem>>)
    %dma_start3A_140 = arith.constant 14 : i32
    %dma_start3A_141 = arith.constant 1792 : i32
    %dma_start3A_142 = arith.constant 0 : i32
    %dma_start3A_143 = tpu.memref_slice %arg6[%dma_start3A_141, %dma_start3A_142] : memref<3328x16xf32, #tpu.memory_space<vmem>> -> memref<128x16xf32, #tpu.memory_space<vmem>>
    %dma_start3A_144 = arith.constant 0 : i32
    %dma_start3A_145 = tpu.memref_slice %arg5[%dma_start3A_140, %dma_start3A_144] : memref<26x128xi32, #tpu.memory_space<vmem>> -> memref<1x128xi32, #tpu.memory_space<vmem>>
    %dma_start3A_146 = tpu.memref_squeeze %dma_start3A_145 : memref<1x128xi32, #tpu.memory_space<vmem>> -> memref<128xi32, #tpu.memory_space<vmem>>
    %dma_start3A_147 = arith.constant 0 : i32
    %dma_start3A_148 = arith.constant 0 : i32
    %dma_start3A_149 = tpu.memref_slice %arg2[%dma_start3A_147, %dma_start3A_148] : memref<1007616x16xf32, #tpu.memory_space<hbm>> -> memref<1007616x16xf32, #tpu.memory_space<hbm>>
    tpu.enqueue_indirect_dma source(%dma_start3A_149 : memref<1007616x16xf32, #tpu.memory_space<hbm>>) target(%dma_start3A_143 : memref<128x16xf32, #tpu.memory_space<vmem>>) offsets(%dma_start3A_146 : memref<128xi32, #tpu.memory_space<vmem>>) semaphore(%arg7 : memref<!tpu.dma_semaphore, #tpu.memory_space<semaphore_mem>>)
    %dma_start3A_150 = arith.constant 15 : i32
    %dma_start3A_151 = arith.constant 1920 : i32
    %dma_start3A_152 = arith.constant 0 : i32
    %dma_start3A_153 = tpu.memref_slice %arg6[%dma_start3A_151, %dma_start3A_152] : memref<3328x16xf32, #tpu.memory_space<vmem>> -> memref<128x16xf32, #tpu.memory_space<vmem>>
    %dma_start3A_154 = arith.constant 0 : i32
    %dma_start3A_155 = tpu.memref_slice %arg5[%dma_start3A_150, %dma_start3A_154] : memref<26x128xi32, #tpu.memory_space<vmem>> -> memref<1x128xi32, #tpu.memory_space<vmem>>
    %dma_start3A_156 = tpu.memref_squeeze %dma_start3A_155 : memref<1x128xi32, #tpu.memory_space<vmem>> -> memref<128xi32, #tpu.memory_space<vmem>>
    %dma_start3A_157 = arith.constant 0 : i32
    %dma_start3A_158 = arith.constant 0 : i32
    %dma_start3A_159 = tpu.memref_slice %arg2[%dma_start3A_157, %dma_start3A_158] : memref<1007616x16xf32, #tpu.memory_space<hbm>> -> memref<1007616x16xf32, #tpu.memory_space<hbm>>
    tpu.enqueue_indirect_dma source(%dma_start3A_159 : memref<1007616x16xf32, #tpu.memory_space<hbm>>) target(%dma_start3A_153 : memref<128x16xf32, #tpu.memory_space<vmem>>) offsets(%dma_start3A_156 : memref<128xi32, #tpu.memory_space<vmem>>) semaphore(%arg7 : memref<!tpu.dma_semaphore, #tpu.memory_space<semaphore_mem>>)
    %dma_start3A_160 = arith.constant 16 : i32
    %dma_start3A_161 = arith.constant 2048 : i32
    %dma_start3A_162 = arith.constant 0 : i32
    %dma_start3A_163 = tpu.memref_slice %arg6[%dma_start3A_161, %dma_start3A_162] : memref<3328x16xf32, #tpu.memory_space<vmem>> -> memref<128x16xf32, #tpu.memory_space<vmem>>
    %dma_start3A_164 = arith.constant 0 : i32
    %dma_start3A_165 = tpu.memref_slice %arg5[%dma_start3A_160, %dma_start3A_164] : memref<26x128xi32, #tpu.memory_space<vmem>> -> memref<1x128xi32, #tpu.memory_space<vmem>>
    %dma_start3A_166 = tpu.memref_squeeze %dma_start3A_165 : memref<1x128xi32, #tpu.memory_space<vmem>> -> memref<128xi32, #tpu.memory_space<vmem>>
    %dma_start3A_167 = arith.constant 0 : i32
    %dma_start3A_168 = arith.constant 0 : i32
    %dma_start3A_169 = tpu.memref_slice %arg2[%dma_start3A_167, %dma_start3A_168] : memref<1007616x16xf32, #tpu.memory_space<hbm>> -> memref<1007616x16xf32, #tpu.memory_space<hbm>>
    tpu.enqueue_indirect_dma source(%dma_start3A_169 : memref<1007616x16xf32, #tpu.memory_space<hbm>>) target(%dma_start3A_163 : memref<128x16xf32, #tpu.memory_space<vmem>>) offsets(%dma_start3A_166 : memref<128xi32, #tpu.memory_space<vmem>>) semaphore(%arg7 : memref<!tpu.dma_semaphore, #tpu.memory_space<semaphore_mem>>)
    %dma_start3A_170 = arith.constant 17 : i32
    %dma_start3A_171 = arith.constant 2176 : i32
    %dma_start3A_172 = arith.constant 0 : i32
    %dma_start3A_173 = tpu.memref_slice %arg6[%dma_start3A_171, %dma_start3A_172] : memref<3328x16xf32, #tpu.memory_space<vmem>> -> memref<128x16xf32, #tpu.memory_space<vmem>>
    %dma_start3A_174 = arith.constant 0 : i32
    %dma_start3A_175 = tpu.memref_slice %arg5[%dma_start3A_170, %dma_start3A_174] : memref<26x128xi32, #tpu.memory_space<vmem>> -> memref<1x128xi32, #tpu.memory_space<vmem>>
    %dma_start3A_176 = tpu.memref_squeeze %dma_start3A_175 : memref<1x128xi32, #tpu.memory_space<vmem>> -> memref<128xi32, #tpu.memory_space<vmem>>
    %dma_start3A_177 = arith.constant 0 : i32
    %dma_start3A_178 = arith.constant 0 : i32
    %dma_start3A_179 = tpu.memref_slice %arg2[%dma_start3A_177, %dma_start3A_178] : memref<1007616x16xf32, #tpu.memory_space<hbm>> -> memref<1007616x16xf32, #tpu.memory_space<hbm>>
    tpu.enqueue_indirect_dma source(%dma_start3A_179 : memref<1007616x16xf32, #tpu.memory_space<hbm>>) target(%dma_start3A_173 : memref<128x16xf32, #tpu.memory_space<vmem>>) offsets(%dma_start3A_176 : memref<128xi32, #tpu.memory_space<vmem>>) semaphore(%arg7 : memref<!tpu.dma_semaphore, #tpu.memory_space<semaphore_mem>>)
    %dma_start3A_180 = arith.constant 18 : i32
    %dma_start3A_181 = arith.constant 2304 : i32
    %dma_start3A_182 = arith.constant 0 : i32
    %dma_start3A_183 = tpu.memref_slice %arg6[%dma_start3A_181, %dma_start3A_182] : memref<3328x16xf32, #tpu.memory_space<vmem>> -> memref<128x16xf32, #tpu.memory_space<vmem>>
    %dma_start3A_184 = arith.constant 0 : i32
    %dma_start3A_185 = tpu.memref_slice %arg5[%dma_start3A_180, %dma_start3A_184] : memref<26x128xi32, #tpu.memory_space<vmem>> -> memref<1x128xi32, #tpu.memory_space<vmem>>
    %dma_start3A_186 = tpu.memref_squeeze %dma_start3A_185 : memref<1x128xi32, #tpu.memory_space<vmem>> -> memref<128xi32, #tpu.memory_space<vmem>>
    %dma_start3A_187 = arith.constant 0 : i32
    %dma_start3A_188 = arith.constant 0 : i32
    %dma_start3A_189 = tpu.memref_slice %arg2[%dma_start3A_187, %dma_start3A_188] : memref<1007616x16xf32, #tpu.memory_space<hbm>> -> memref<1007616x16xf32, #tpu.memory_space<hbm>>
    tpu.enqueue_indirect_dma source(%dma_start3A_189 : memref<1007616x16xf32, #tpu.memory_space<hbm>>) target(%dma_start3A_183 : memref<128x16xf32, #tpu.memory_space<vmem>>) offsets(%dma_start3A_186 : memref<128xi32, #tpu.memory_space<vmem>>) semaphore(%arg7 : memref<!tpu.dma_semaphore, #tpu.memory_space<semaphore_mem>>)
    %dma_start3A_190 = arith.constant 19 : i32
    %dma_start3A_191 = arith.constant 2432 : i32
    %dma_start3A_192 = arith.constant 0 : i32
    %dma_start3A_193 = tpu.memref_slice %arg6[%dma_start3A_191, %dma_start3A_192] : memref<3328x16xf32, #tpu.memory_space<vmem>> -> memref<128x16xf32, #tpu.memory_space<vmem>>
    %dma_start3A_194 = arith.constant 0 : i32
    %dma_start3A_195 = tpu.memref_slice %arg5[%dma_start3A_190, %dma_start3A_194] : memref<26x128xi32, #tpu.memory_space<vmem>> -> memref<1x128xi32, #tpu.memory_space<vmem>>
    %dma_start3A_196 = tpu.memref_squeeze %dma_start3A_195 : memref<1x128xi32, #tpu.memory_space<vmem>> -> memref<128xi32, #tpu.memory_space<vmem>>
    %dma_start3A_197 = arith.constant 0 : i32
    %dma_start3A_198 = arith.constant 0 : i32
    %dma_start3A_199 = tpu.memref_slice %arg2[%dma_start3A_197, %dma_start3A_198] : memref<1007616x16xf32, #tpu.memory_space<hbm>> -> memref<1007616x16xf32, #tpu.memory_space<hbm>>
    tpu.enqueue_indirect_dma source(%dma_start3A_199 : memref<1007616x16xf32, #tpu.memory_space<hbm>>) target(%dma_start3A_193 : memref<128x16xf32, #tpu.memory_space<vmem>>) offsets(%dma_start3A_196 : memref<128xi32, #tpu.memory_space<vmem>>) semaphore(%arg7 : memref<!tpu.dma_semaphore, #tpu.memory_space<semaphore_mem>>)
    %dma_start3A_200 = arith.constant 20 : i32
    %dma_start3A_201 = arith.constant 2560 : i32
    %dma_start3A_202 = arith.constant 0 : i32
    %dma_start3A_203 = tpu.memref_slice %arg6[%dma_start3A_201, %dma_start3A_202] : memref<3328x16xf32, #tpu.memory_space<vmem>> -> memref<128x16xf32, #tpu.memory_space<vmem>>
    %dma_start3A_204 = arith.constant 0 : i32
    %dma_start3A_205 = tpu.memref_slice %arg5[%dma_start3A_200, %dma_start3A_204] : memref<26x128xi32, #tpu.memory_space<vmem>> -> memref<1x128xi32, #tpu.memory_space<vmem>>
    %dma_start3A_206 = tpu.memref_squeeze %dma_start3A_205 : memref<1x128xi32, #tpu.memory_space<vmem>> -> memref<128xi32, #tpu.memory_space<vmem>>
    %dma_start3A_207 = arith.constant 0 : i32
    %dma_start3A_208 = arith.constant 0 : i32
    %dma_start3A_209 = tpu.memref_slice %arg2[%dma_start3A_207, %dma_start3A_208] : memref<1007616x16xf32, #tpu.memory_space<hbm>> -> memref<1007616x16xf32, #tpu.memory_space<hbm>>
    tpu.enqueue_indirect_dma source(%dma_start3A_209 : memref<1007616x16xf32, #tpu.memory_space<hbm>>) target(%dma_start3A_203 : memref<128x16xf32, #tpu.memory_space<vmem>>) offsets(%dma_start3A_206 : memref<128xi32, #tpu.memory_space<vmem>>) semaphore(%arg7 : memref<!tpu.dma_semaphore, #tpu.memory_space<semaphore_mem>>)
    %dma_start3A_210 = arith.constant 21 : i32
    %dma_start3A_211 = arith.constant 2688 : i32
    %dma_start3A_212 = arith.constant 0 : i32
    %dma_start3A_213 = tpu.memref_slice %arg6[%dma_start3A_211, %dma_start3A_212] : memref<3328x16xf32, #tpu.memory_space<vmem>> -> memref<128x16xf32, #tpu.memory_space<vmem>>
    %dma_start3A_214 = arith.constant 0 : i32
    %dma_start3A_215 = tpu.memref_slice %arg5[%dma_start3A_210, %dma_start3A_214] : memref<26x128xi32, #tpu.memory_space<vmem>> -> memref<1x128xi32, #tpu.memory_space<vmem>>
    %dma_start3A_216 = tpu.memref_squeeze %dma_start3A_215 : memref<1x128xi32, #tpu.memory_space<vmem>> -> memref<128xi32, #tpu.memory_space<vmem>>
    %dma_start3A_217 = arith.constant 0 : i32
    %dma_start3A_218 = arith.constant 0 : i32
    %dma_start3A_219 = tpu.memref_slice %arg2[%dma_start3A_217, %dma_start3A_218] : memref<1007616x16xf32, #tpu.memory_space<hbm>> -> memref<1007616x16xf32, #tpu.memory_space<hbm>>
    tpu.enqueue_indirect_dma source(%dma_start3A_219 : memref<1007616x16xf32, #tpu.memory_space<hbm>>) target(%dma_start3A_213 : memref<128x16xf32, #tpu.memory_space<vmem>>) offsets(%dma_start3A_216 : memref<128xi32, #tpu.memory_space<vmem>>) semaphore(%arg7 : memref<!tpu.dma_semaphore, #tpu.memory_space<semaphore_mem>>)
    %dma_start3A_220 = arith.constant 22 : i32
    %dma_start3A_221 = arith.constant 2816 : i32
    %dma_start3A_222 = arith.constant 0 : i32
    %dma_start3A_223 = tpu.memref_slice %arg6[%dma_start3A_221, %dma_start3A_222] : memref<3328x16xf32, #tpu.memory_space<vmem>> -> memref<128x16xf32, #tpu.memory_space<vmem>>
    %dma_start3A_224 = arith.constant 0 : i32
    %dma_start3A_225 = tpu.memref_slice %arg5[%dma_start3A_220, %dma_start3A_224] : memref<26x128xi32, #tpu.memory_space<vmem>> -> memref<1x128xi32, #tpu.memory_space<vmem>>
    %dma_start3A_226 = tpu.memref_squeeze %dma_start3A_225 : memref<1x128xi32, #tpu.memory_space<vmem>> -> memref<128xi32, #tpu.memory_space<vmem>>
    %dma_start3A_227 = arith.constant 0 : i32
    %dma_start3A_228 = arith.constant 0 : i32
    %dma_start3A_229 = tpu.memref_slice %arg2[%dma_start3A_227, %dma_start3A_228] : memref<1007616x16xf32, #tpu.memory_space<hbm>> -> memref<1007616x16xf32, #tpu.memory_space<hbm>>
    tpu.enqueue_indirect_dma source(%dma_start3A_229 : memref<1007616x16xf32, #tpu.memory_space<hbm>>) target(%dma_start3A_223 : memref<128x16xf32, #tpu.memory_space<vmem>>) offsets(%dma_start3A_226 : memref<128xi32, #tpu.memory_space<vmem>>) semaphore(%arg7 : memref<!tpu.dma_semaphore, #tpu.memory_space<semaphore_mem>>)
    %dma_start3A_230 = arith.constant 23 : i32
    %dma_start3A_231 = arith.constant 2944 : i32
    %dma_start3A_232 = arith.constant 0 : i32
    %dma_start3A_233 = tpu.memref_slice %arg6[%dma_start3A_231, %dma_start3A_232] : memref<3328x16xf32, #tpu.memory_space<vmem>> -> memref<128x16xf32, #tpu.memory_space<vmem>>
    %dma_start3A_234 = arith.constant 0 : i32
    %dma_start3A_235 = tpu.memref_slice %arg5[%dma_start3A_230, %dma_start3A_234] : memref<26x128xi32, #tpu.memory_space<vmem>> -> memref<1x128xi32, #tpu.memory_space<vmem>>
    %dma_start3A_236 = tpu.memref_squeeze %dma_start3A_235 : memref<1x128xi32, #tpu.memory_space<vmem>> -> memref<128xi32, #tpu.memory_space<vmem>>
    %dma_start3A_237 = arith.constant 0 : i32
    %dma_start3A_238 = arith.constant 0 : i32
    %dma_start3A_239 = tpu.memref_slice %arg2[%dma_start3A_237, %dma_start3A_238] : memref<1007616x16xf32, #tpu.memory_space<hbm>> -> memref<1007616x16xf32, #tpu.memory_space<hbm>>
    tpu.enqueue_indirect_dma source(%dma_start3A_239 : memref<1007616x16xf32, #tpu.memory_space<hbm>>) target(%dma_start3A_233 : memref<128x16xf32, #tpu.memory_space<vmem>>) offsets(%dma_start3A_236 : memref<128xi32, #tpu.memory_space<vmem>>) semaphore(%arg7 : memref<!tpu.dma_semaphore, #tpu.memory_space<semaphore_mem>>)
    %dma_start3A_240 = arith.constant 24 : i32
    %dma_start3A_241 = arith.constant 3072 : i32
    %dma_start3A_242 = arith.constant 0 : i32
    %dma_start3A_243 = tpu.memref_slice %arg6[%dma_start3A_241, %dma_start3A_242] : memref<3328x16xf32, #tpu.memory_space<vmem>> -> memref<128x16xf32, #tpu.memory_space<vmem>>
    %dma_start3A_244 = arith.constant 0 : i32
    %dma_start3A_245 = tpu.memref_slice %arg5[%dma_start3A_240, %dma_start3A_244] : memref<26x128xi32, #tpu.memory_space<vmem>> -> memref<1x128xi32, #tpu.memory_space<vmem>>
    %dma_start3A_246 = tpu.memref_squeeze %dma_start3A_245 : memref<1x128xi32, #tpu.memory_space<vmem>> -> memref<128xi32, #tpu.memory_space<vmem>>
    %dma_start3A_247 = arith.constant 0 : i32
    %dma_start3A_248 = arith.constant 0 : i32
    %dma_start3A_249 = tpu.memref_slice %arg2[%dma_start3A_247, %dma_start3A_248] : memref<1007616x16xf32, #tpu.memory_space<hbm>> -> memref<1007616x16xf32, #tpu.memory_space<hbm>>
    tpu.enqueue_indirect_dma source(%dma_start3A_249 : memref<1007616x16xf32, #tpu.memory_space<hbm>>) target(%dma_start3A_243 : memref<128x16xf32, #tpu.memory_space<vmem>>) offsets(%dma_start3A_246 : memref<128xi32, #tpu.memory_space<vmem>>) semaphore(%arg7 : memref<!tpu.dma_semaphore, #tpu.memory_space<semaphore_mem>>)
    %dma_start3A_250 = arith.constant 25 : i32
    %dma_start3A_251 = arith.constant 3200 : i32
    %dma_start3A_252 = arith.constant 0 : i32
    %dma_start3A_253 = tpu.memref_slice %arg6[%dma_start3A_251, %dma_start3A_252] : memref<3328x16xf32, #tpu.memory_space<vmem>> -> memref<128x16xf32, #tpu.memory_space<vmem>>
    %dma_start3A_254 = arith.constant 0 : i32
    %dma_start3A_255 = tpu.memref_slice %arg5[%dma_start3A_250, %dma_start3A_254] : memref<26x128xi32, #tpu.memory_space<vmem>> -> memref<1x128xi32, #tpu.memory_space<vmem>>
    %dma_start3A_256 = tpu.memref_squeeze %dma_start3A_255 : memref<1x128xi32, #tpu.memory_space<vmem>> -> memref<128xi32, #tpu.memory_space<vmem>>
    %dma_start3A_257 = arith.constant 0 : i32
    %dma_start3A_258 = arith.constant 0 : i32
    %dma_start3A_259 = tpu.memref_slice %arg2[%dma_start3A_257, %dma_start3A_258] : memref<1007616x16xf32, #tpu.memory_space<hbm>> -> memref<1007616x16xf32, #tpu.memory_space<hbm>>
    tpu.enqueue_indirect_dma source(%dma_start3A_259 : memref<1007616x16xf32, #tpu.memory_space<hbm>>) target(%dma_start3A_253 : memref<128x16xf32, #tpu.memory_space<vmem>>) offsets(%dma_start3A_256 : memref<128xi32, #tpu.memory_space<vmem>>) semaphore(%arg7 : memref<!tpu.dma_semaphore, #tpu.memory_space<semaphore_mem>>)
    %dma_wait3A = arith.constant 0 : i32
    %dma_wait3A_260 = arith.constant 0 : i32
    %dma_wait3A_261 = arith.constant 0 : i32
    %dma_wait3A_262 = tpu.memref_slice %arg6[%dma_wait3A_260, %dma_wait3A_261] : memref<3328x16xf32, #tpu.memory_space<vmem>> -> memref<128x16xf32, #tpu.memory_space<vmem>>
    %dma_wait3A_263 = arith.constant 0 : i32
    %dma_wait3A_264 = tpu.memref_slice %arg5[%dma_wait3A, %dma_wait3A_263] : memref<26x128xi32, #tpu.memory_space<vmem>> -> memref<1x128xi32, #tpu.memory_space<vmem>>
    %dma_wait3A_265 = tpu.memref_squeeze %dma_wait3A_264 : memref<1x128xi32, #tpu.memory_space<vmem>> -> memref<128xi32, #tpu.memory_space<vmem>>
    %dma_wait3A_266 = arith.constant 0 : i32
    %dma_wait3A_267 = arith.constant 0 : i32
    %dma_wait3A_268 = tpu.memref_slice %arg2[%dma_wait3A_266, %dma_wait3A_267] : memref<1007616x16xf32, #tpu.memory_space<hbm>> -> memref<1007616x16xf32, #tpu.memory_space<hbm>>
    tpu.wait_indirect_dma semaphore(%arg7 : memref<!tpu.dma_semaphore, #tpu.memory_space<semaphore_mem>>) src(%dma_wait3A_268 : memref<1007616x16xf32, #tpu.memory_space<hbm>>) dst(%dma_wait3A_262 : memref<128x16xf32, #tpu.memory_space<vmem>>)
    %dma_wait3A_269 = arith.constant 1 : i32
    %dma_wait3A_270 = arith.constant 128 : i32
    %dma_wait3A_271 = arith.constant 0 : i32
    %dma_wait3A_272 = tpu.memref_slice %arg6[%dma_wait3A_270, %dma_wait3A_271] : memref<3328x16xf32, #tpu.memory_space<vmem>> -> memref<128x16xf32, #tpu.memory_space<vmem>>
    %dma_wait3A_273 = arith.constant 0 : i32
    %dma_wait3A_274 = tpu.memref_slice %arg5[%dma_wait3A_269, %dma_wait3A_273] : memref<26x128xi32, #tpu.memory_space<vmem>> -> memref<1x128xi32, #tpu.memory_space<vmem>>
    %dma_wait3A_275 = tpu.memref_squeeze %dma_wait3A_274 : memref<1x128xi32, #tpu.memory_space<vmem>> -> memref<128xi32, #tpu.memory_space<vmem>>
    %dma_wait3A_276 = arith.constant 0 : i32
    %dma_wait3A_277 = arith.constant 0 : i32
    %dma_wait3A_278 = tpu.memref_slice %arg2[%dma_wait3A_276, %dma_wait3A_277] : memref<1007616x16xf32, #tpu.memory_space<hbm>> -> memref<1007616x16xf32, #tpu.memory_space<hbm>>
    tpu.wait_indirect_dma semaphore(%arg7 : memref<!tpu.dma_semaphore, #tpu.memory_space<semaphore_mem>>) src(%dma_wait3A_278 : memref<1007616x16xf32, #tpu.memory_space<hbm>>) dst(%dma_wait3A_272 : memref<128x16xf32, #tpu.memory_space<vmem>>)
    %dma_wait3A_279 = arith.constant 2 : i32
    %dma_wait3A_280 = arith.constant 256 : i32
    %dma_wait3A_281 = arith.constant 0 : i32
    %dma_wait3A_282 = tpu.memref_slice %arg6[%dma_wait3A_280, %dma_wait3A_281] : memref<3328x16xf32, #tpu.memory_space<vmem>> -> memref<128x16xf32, #tpu.memory_space<vmem>>
    %dma_wait3A_283 = arith.constant 0 : i32
    %dma_wait3A_284 = tpu.memref_slice %arg5[%dma_wait3A_279, %dma_wait3A_283] : memref<26x128xi32, #tpu.memory_space<vmem>> -> memref<1x128xi32, #tpu.memory_space<vmem>>
    %dma_wait3A_285 = tpu.memref_squeeze %dma_wait3A_284 : memref<1x128xi32, #tpu.memory_space<vmem>> -> memref<128xi32, #tpu.memory_space<vmem>>
    %dma_wait3A_286 = arith.constant 0 : i32
    %dma_wait3A_287 = arith.constant 0 : i32
    %dma_wait3A_288 = tpu.memref_slice %arg2[%dma_wait3A_286, %dma_wait3A_287] : memref<1007616x16xf32, #tpu.memory_space<hbm>> -> memref<1007616x16xf32, #tpu.memory_space<hbm>>
    tpu.wait_indirect_dma semaphore(%arg7 : memref<!tpu.dma_semaphore, #tpu.memory_space<semaphore_mem>>) src(%dma_wait3A_288 : memref<1007616x16xf32, #tpu.memory_space<hbm>>) dst(%dma_wait3A_282 : memref<128x16xf32, #tpu.memory_space<vmem>>)
    %dma_wait3A_289 = arith.constant 3 : i32
    %dma_wait3A_290 = arith.constant 384 : i32
    %dma_wait3A_291 = arith.constant 0 : i32
    %dma_wait3A_292 = tpu.memref_slice %arg6[%dma_wait3A_290, %dma_wait3A_291] : memref<3328x16xf32, #tpu.memory_space<vmem>> -> memref<128x16xf32, #tpu.memory_space<vmem>>
    %dma_wait3A_293 = arith.constant 0 : i32
    %dma_wait3A_294 = tpu.memref_slice %arg5[%dma_wait3A_289, %dma_wait3A_293] : memref<26x128xi32, #tpu.memory_space<vmem>> -> memref<1x128xi32, #tpu.memory_space<vmem>>
    %dma_wait3A_295 = tpu.memref_squeeze %dma_wait3A_294 : memref<1x128xi32, #tpu.memory_space<vmem>> -> memref<128xi32, #tpu.memory_space<vmem>>
    %dma_wait3A_296 = arith.constant 0 : i32
    %dma_wait3A_297 = arith.constant 0 : i32
    %dma_wait3A_298 = tpu.memref_slice %arg2[%dma_wait3A_296, %dma_wait3A_297] : memref<1007616x16xf32, #tpu.memory_space<hbm>> -> memref<1007616x16xf32, #tpu.memory_space<hbm>>
    tpu.wait_indirect_dma semaphore(%arg7 : memref<!tpu.dma_semaphore, #tpu.memory_space<semaphore_mem>>) src(%dma_wait3A_298 : memref<1007616x16xf32, #tpu.memory_space<hbm>>) dst(%dma_wait3A_292 : memref<128x16xf32, #tpu.memory_space<vmem>>)
    %dma_wait3A_299 = arith.constant 4 : i32
    %dma_wait3A_300 = arith.constant 512 : i32
    %dma_wait3A_301 = arith.constant 0 : i32
    %dma_wait3A_302 = tpu.memref_slice %arg6[%dma_wait3A_300, %dma_wait3A_301] : memref<3328x16xf32, #tpu.memory_space<vmem>> -> memref<128x16xf32, #tpu.memory_space<vmem>>
    %dma_wait3A_303 = arith.constant 0 : i32
    %dma_wait3A_304 = tpu.memref_slice %arg5[%dma_wait3A_299, %dma_wait3A_303] : memref<26x128xi32, #tpu.memory_space<vmem>> -> memref<1x128xi32, #tpu.memory_space<vmem>>
    %dma_wait3A_305 = tpu.memref_squeeze %dma_wait3A_304 : memref<1x128xi32, #tpu.memory_space<vmem>> -> memref<128xi32, #tpu.memory_space<vmem>>
    %dma_wait3A_306 = arith.constant 0 : i32
    %dma_wait3A_307 = arith.constant 0 : i32
    %dma_wait3A_308 = tpu.memref_slice %arg2[%dma_wait3A_306, %dma_wait3A_307] : memref<1007616x16xf32, #tpu.memory_space<hbm>> -> memref<1007616x16xf32, #tpu.memory_space<hbm>>
    tpu.wait_indirect_dma semaphore(%arg7 : memref<!tpu.dma_semaphore, #tpu.memory_space<semaphore_mem>>) src(%dma_wait3A_308 : memref<1007616x16xf32, #tpu.memory_space<hbm>>) dst(%dma_wait3A_302 : memref<128x16xf32, #tpu.memory_space<vmem>>)
    %dma_wait3A_309 = arith.constant 5 : i32
    %dma_wait3A_310 = arith.constant 640 : i32
    %dma_wait3A_311 = arith.constant 0 : i32
    %dma_wait3A_312 = tpu.memref_slice %arg6[%dma_wait3A_310, %dma_wait3A_311] : memref<3328x16xf32, #tpu.memory_space<vmem>> -> memref<128x16xf32, #tpu.memory_space<vmem>>
    %dma_wait3A_313 = arith.constant 0 : i32
    %dma_wait3A_314 = tpu.memref_slice %arg5[%dma_wait3A_309, %dma_wait3A_313] : memref<26x128xi32, #tpu.memory_space<vmem>> -> memref<1x128xi32, #tpu.memory_space<vmem>>
    %dma_wait3A_315 = tpu.memref_squeeze %dma_wait3A_314 : memref<1x128xi32, #tpu.memory_space<vmem>> -> memref<128xi32, #tpu.memory_space<vmem>>
    %dma_wait3A_316 = arith.constant 0 : i32
    %dma_wait3A_317 = arith.constant 0 : i32
    %dma_wait3A_318 = tpu.memref_slice %arg2[%dma_wait3A_316, %dma_wait3A_317] : memref<1007616x16xf32, #tpu.memory_space<hbm>> -> memref<1007616x16xf32, #tpu.memory_space<hbm>>
    tpu.wait_indirect_dma semaphore(%arg7 : memref<!tpu.dma_semaphore, #tpu.memory_space<semaphore_mem>>) src(%dma_wait3A_318 : memref<1007616x16xf32, #tpu.memory_space<hbm>>) dst(%dma_wait3A_312 : memref<128x16xf32, #tpu.memory_space<vmem>>)
    %dma_wait3A_319 = arith.constant 6 : i32
    %dma_wait3A_320 = arith.constant 768 : i32
    %dma_wait3A_321 = arith.constant 0 : i32
    %dma_wait3A_322 = tpu.memref_slice %arg6[%dma_wait3A_320, %dma_wait3A_321] : memref<3328x16xf32, #tpu.memory_space<vmem>> -> memref<128x16xf32, #tpu.memory_space<vmem>>
    %dma_wait3A_323 = arith.constant 0 : i32
    %dma_wait3A_324 = tpu.memref_slice %arg5[%dma_wait3A_319, %dma_wait3A_323] : memref<26x128xi32, #tpu.memory_space<vmem>> -> memref<1x128xi32, #tpu.memory_space<vmem>>
    %dma_wait3A_325 = tpu.memref_squeeze %dma_wait3A_324 : memref<1x128xi32, #tpu.memory_space<vmem>> -> memref<128xi32, #tpu.memory_space<vmem>>
    %dma_wait3A_326 = arith.constant 0 : i32
    %dma_wait3A_327 = arith.constant 0 : i32
    %dma_wait3A_328 = tpu.memref_slice %arg2[%dma_wait3A_326, %dma_wait3A_327] : memref<1007616x16xf32, #tpu.memory_space<hbm>> -> memref<1007616x16xf32, #tpu.memory_space<hbm>>
    tpu.wait_indirect_dma semaphore(%arg7 : memref<!tpu.dma_semaphore, #tpu.memory_space<semaphore_mem>>) src(%dma_wait3A_328 : memref<1007616x16xf32, #tpu.memory_space<hbm>>) dst(%dma_wait3A_322 : memref<128x16xf32, #tpu.memory_space<vmem>>)
    %dma_wait3A_329 = arith.constant 7 : i32
    %dma_wait3A_330 = arith.constant 896 : i32
    %dma_wait3A_331 = arith.constant 0 : i32
    %dma_wait3A_332 = tpu.memref_slice %arg6[%dma_wait3A_330, %dma_wait3A_331] : memref<3328x16xf32, #tpu.memory_space<vmem>> -> memref<128x16xf32, #tpu.memory_space<vmem>>
    %dma_wait3A_333 = arith.constant 0 : i32
    %dma_wait3A_334 = tpu.memref_slice %arg5[%dma_wait3A_329, %dma_wait3A_333] : memref<26x128xi32, #tpu.memory_space<vmem>> -> memref<1x128xi32, #tpu.memory_space<vmem>>
    %dma_wait3A_335 = tpu.memref_squeeze %dma_wait3A_334 : memref<1x128xi32, #tpu.memory_space<vmem>> -> memref<128xi32, #tpu.memory_space<vmem>>
    %dma_wait3A_336 = arith.constant 0 : i32
    %dma_wait3A_337 = arith.constant 0 : i32
    %dma_wait3A_338 = tpu.memref_slice %arg2[%dma_wait3A_336, %dma_wait3A_337] : memref<1007616x16xf32, #tpu.memory_space<hbm>> -> memref<1007616x16xf32, #tpu.memory_space<hbm>>
    tpu.wait_indirect_dma semaphore(%arg7 : memref<!tpu.dma_semaphore, #tpu.memory_space<semaphore_mem>>) src(%dma_wait3A_338 : memref<1007616x16xf32, #tpu.memory_space<hbm>>) dst(%dma_wait3A_332 : memref<128x16xf32, #tpu.memory_space<vmem>>)
    %dma_wait3A_339 = arith.constant 8 : i32
    %dma_wait3A_340 = arith.constant 1024 : i32
    %dma_wait3A_341 = arith.constant 0 : i32
    %dma_wait3A_342 = tpu.memref_slice %arg6[%dma_wait3A_340, %dma_wait3A_341] : memref<3328x16xf32, #tpu.memory_space<vmem>> -> memref<128x16xf32, #tpu.memory_space<vmem>>
    %dma_wait3A_343 = arith.constant 0 : i32
    %dma_wait3A_344 = tpu.memref_slice %arg5[%dma_wait3A_339, %dma_wait3A_343] : memref<26x128xi32, #tpu.memory_space<vmem>> -> memref<1x128xi32, #tpu.memory_space<vmem>>
    %dma_wait3A_345 = tpu.memref_squeeze %dma_wait3A_344 : memref<1x128xi32, #tpu.memory_space<vmem>> -> memref<128xi32, #tpu.memory_space<vmem>>
    %dma_wait3A_346 = arith.constant 0 : i32
    %dma_wait3A_347 = arith.constant 0 : i32
    %dma_wait3A_348 = tpu.memref_slice %arg2[%dma_wait3A_346, %dma_wait3A_347] : memref<1007616x16xf32, #tpu.memory_space<hbm>> -> memref<1007616x16xf32, #tpu.memory_space<hbm>>
    tpu.wait_indirect_dma semaphore(%arg7 : memref<!tpu.dma_semaphore, #tpu.memory_space<semaphore_mem>>) src(%dma_wait3A_348 : memref<1007616x16xf32, #tpu.memory_space<hbm>>) dst(%dma_wait3A_342 : memref<128x16xf32, #tpu.memory_space<vmem>>)
    %dma_wait3A_349 = arith.constant 9 : i32
    %dma_wait3A_350 = arith.constant 1152 : i32
    %dma_wait3A_351 = arith.constant 0 : i32
    %dma_wait3A_352 = tpu.memref_slice %arg6[%dma_wait3A_350, %dma_wait3A_351] : memref<3328x16xf32, #tpu.memory_space<vmem>> -> memref<128x16xf32, #tpu.memory_space<vmem>>
    %dma_wait3A_353 = arith.constant 0 : i32
    %dma_wait3A_354 = tpu.memref_slice %arg5[%dma_wait3A_349, %dma_wait3A_353] : memref<26x128xi32, #tpu.memory_space<vmem>> -> memref<1x128xi32, #tpu.memory_space<vmem>>
    %dma_wait3A_355 = tpu.memref_squeeze %dma_wait3A_354 : memref<1x128xi32, #tpu.memory_space<vmem>> -> memref<128xi32, #tpu.memory_space<vmem>>
    %dma_wait3A_356 = arith.constant 0 : i32
    %dma_wait3A_357 = arith.constant 0 : i32
    %dma_wait3A_358 = tpu.memref_slice %arg2[%dma_wait3A_356, %dma_wait3A_357] : memref<1007616x16xf32, #tpu.memory_space<hbm>> -> memref<1007616x16xf32, #tpu.memory_space<hbm>>
    tpu.wait_indirect_dma semaphore(%arg7 : memref<!tpu.dma_semaphore, #tpu.memory_space<semaphore_mem>>) src(%dma_wait3A_358 : memref<1007616x16xf32, #tpu.memory_space<hbm>>) dst(%dma_wait3A_352 : memref<128x16xf32, #tpu.memory_space<vmem>>)
    %dma_wait3A_359 = arith.constant 10 : i32
    %dma_wait3A_360 = arith.constant 1280 : i32
    %dma_wait3A_361 = arith.constant 0 : i32
    %dma_wait3A_362 = tpu.memref_slice %arg6[%dma_wait3A_360, %dma_wait3A_361] : memref<3328x16xf32, #tpu.memory_space<vmem>> -> memref<128x16xf32, #tpu.memory_space<vmem>>
    %dma_wait3A_363 = arith.constant 0 : i32
    %dma_wait3A_364 = tpu.memref_slice %arg5[%dma_wait3A_359, %dma_wait3A_363] : memref<26x128xi32, #tpu.memory_space<vmem>> -> memref<1x128xi32, #tpu.memory_space<vmem>>
    %dma_wait3A_365 = tpu.memref_squeeze %dma_wait3A_364 : memref<1x128xi32, #tpu.memory_space<vmem>> -> memref<128xi32, #tpu.memory_space<vmem>>
    %dma_wait3A_366 = arith.constant 0 : i32
    %dma_wait3A_367 = arith.constant 0 : i32
    %dma_wait3A_368 = tpu.memref_slice %arg2[%dma_wait3A_366, %dma_wait3A_367] : memref<1007616x16xf32, #tpu.memory_space<hbm>> -> memref<1007616x16xf32, #tpu.memory_space<hbm>>
    tpu.wait_indirect_dma semaphore(%arg7 : memref<!tpu.dma_semaphore, #tpu.memory_space<semaphore_mem>>) src(%dma_wait3A_368 : memref<1007616x16xf32, #tpu.memory_space<hbm>>) dst(%dma_wait3A_362 : memref<128x16xf32, #tpu.memory_space<vmem>>)
    %dma_wait3A_369 = arith.constant 11 : i32
    %dma_wait3A_370 = arith.constant 1408 : i32
    %dma_wait3A_371 = arith.constant 0 : i32
    %dma_wait3A_372 = tpu.memref_slice %arg6[%dma_wait3A_370, %dma_wait3A_371] : memref<3328x16xf32, #tpu.memory_space<vmem>> -> memref<128x16xf32, #tpu.memory_space<vmem>>
    %dma_wait3A_373 = arith.constant 0 : i32
    %dma_wait3A_374 = tpu.memref_slice %arg5[%dma_wait3A_369, %dma_wait3A_373] : memref<26x128xi32, #tpu.memory_space<vmem>> -> memref<1x128xi32, #tpu.memory_space<vmem>>
    %dma_wait3A_375 = tpu.memref_squeeze %dma_wait3A_374 : memref<1x128xi32, #tpu.memory_space<vmem>> -> memref<128xi32, #tpu.memory_space<vmem>>
    %dma_wait3A_376 = arith.constant 0 : i32
    %dma_wait3A_377 = arith.constant 0 : i32
    %dma_wait3A_378 = tpu.memref_slice %arg2[%dma_wait3A_376, %dma_wait3A_377] : memref<1007616x16xf32, #tpu.memory_space<hbm>> -> memref<1007616x16xf32, #tpu.memory_space<hbm>>
    tpu.wait_indirect_dma semaphore(%arg7 : memref<!tpu.dma_semaphore, #tpu.memory_space<semaphore_mem>>) src(%dma_wait3A_378 : memref<1007616x16xf32, #tpu.memory_space<hbm>>) dst(%dma_wait3A_372 : memref<128x16xf32, #tpu.memory_space<vmem>>)
    %dma_wait3A_379 = arith.constant 12 : i32
    %dma_wait3A_380 = arith.constant 1536 : i32
    %dma_wait3A_381 = arith.constant 0 : i32
    %dma_wait3A_382 = tpu.memref_slice %arg6[%dma_wait3A_380, %dma_wait3A_381] : memref<3328x16xf32, #tpu.memory_space<vmem>> -> memref<128x16xf32, #tpu.memory_space<vmem>>
    %dma_wait3A_383 = arith.constant 0 : i32
    %dma_wait3A_384 = tpu.memref_slice %arg5[%dma_wait3A_379, %dma_wait3A_383] : memref<26x128xi32, #tpu.memory_space<vmem>> -> memref<1x128xi32, #tpu.memory_space<vmem>>
    %dma_wait3A_385 = tpu.memref_squeeze %dma_wait3A_384 : memref<1x128xi32, #tpu.memory_space<vmem>> -> memref<128xi32, #tpu.memory_space<vmem>>
    %dma_wait3A_386 = arith.constant 0 : i32
    %dma_wait3A_387 = arith.constant 0 : i32
    %dma_wait3A_388 = tpu.memref_slice %arg2[%dma_wait3A_386, %dma_wait3A_387] : memref<1007616x16xf32, #tpu.memory_space<hbm>> -> memref<1007616x16xf32, #tpu.memory_space<hbm>>
    tpu.wait_indirect_dma semaphore(%arg7 : memref<!tpu.dma_semaphore, #tpu.memory_space<semaphore_mem>>) src(%dma_wait3A_388 : memref<1007616x16xf32, #tpu.memory_space<hbm>>) dst(%dma_wait3A_382 : memref<128x16xf32, #tpu.memory_space<vmem>>)
    %dma_wait3A_389 = arith.constant 13 : i32
    %dma_wait3A_390 = arith.constant 1664 : i32
    %dma_wait3A_391 = arith.constant 0 : i32
    %dma_wait3A_392 = tpu.memref_slice %arg6[%dma_wait3A_390, %dma_wait3A_391] : memref<3328x16xf32, #tpu.memory_space<vmem>> -> memref<128x16xf32, #tpu.memory_space<vmem>>
    %dma_wait3A_393 = arith.constant 0 : i32
    %dma_wait3A_394 = tpu.memref_slice %arg5[%dma_wait3A_389, %dma_wait3A_393] : memref<26x128xi32, #tpu.memory_space<vmem>> -> memref<1x128xi32, #tpu.memory_space<vmem>>
    %dma_wait3A_395 = tpu.memref_squeeze %dma_wait3A_394 : memref<1x128xi32, #tpu.memory_space<vmem>> -> memref<128xi32, #tpu.memory_space<vmem>>
    %dma_wait3A_396 = arith.constant 0 : i32
    %dma_wait3A_397 = arith.constant 0 : i32
    %dma_wait3A_398 = tpu.memref_slice %arg2[%dma_wait3A_396, %dma_wait3A_397] : memref<1007616x16xf32, #tpu.memory_space<hbm>> -> memref<1007616x16xf32, #tpu.memory_space<hbm>>
    tpu.wait_indirect_dma semaphore(%arg7 : memref<!tpu.dma_semaphore, #tpu.memory_space<semaphore_mem>>) src(%dma_wait3A_398 : memref<1007616x16xf32, #tpu.memory_space<hbm>>) dst(%dma_wait3A_392 : memref<128x16xf32, #tpu.memory_space<vmem>>)
    %dma_wait3A_399 = arith.constant 14 : i32
    %dma_wait3A_400 = arith.constant 1792 : i32
    %dma_wait3A_401 = arith.constant 0 : i32
    %dma_wait3A_402 = tpu.memref_slice %arg6[%dma_wait3A_400, %dma_wait3A_401] : memref<3328x16xf32, #tpu.memory_space<vmem>> -> memref<128x16xf32, #tpu.memory_space<vmem>>
    %dma_wait3A_403 = arith.constant 0 : i32
    %dma_wait3A_404 = tpu.memref_slice %arg5[%dma_wait3A_399, %dma_wait3A_403] : memref<26x128xi32, #tpu.memory_space<vmem>> -> memref<1x128xi32, #tpu.memory_space<vmem>>
    %dma_wait3A_405 = tpu.memref_squeeze %dma_wait3A_404 : memref<1x128xi32, #tpu.memory_space<vmem>> -> memref<128xi32, #tpu.memory_space<vmem>>
    %dma_wait3A_406 = arith.constant 0 : i32
    %dma_wait3A_407 = arith.constant 0 : i32
    %dma_wait3A_408 = tpu.memref_slice %arg2[%dma_wait3A_406, %dma_wait3A_407] : memref<1007616x16xf32, #tpu.memory_space<hbm>> -> memref<1007616x16xf32, #tpu.memory_space<hbm>>
    tpu.wait_indirect_dma semaphore(%arg7 : memref<!tpu.dma_semaphore, #tpu.memory_space<semaphore_mem>>) src(%dma_wait3A_408 : memref<1007616x16xf32, #tpu.memory_space<hbm>>) dst(%dma_wait3A_402 : memref<128x16xf32, #tpu.memory_space<vmem>>)
    %dma_wait3A_409 = arith.constant 15 : i32
    %dma_wait3A_410 = arith.constant 1920 : i32
    %dma_wait3A_411 = arith.constant 0 : i32
    %dma_wait3A_412 = tpu.memref_slice %arg6[%dma_wait3A_410, %dma_wait3A_411] : memref<3328x16xf32, #tpu.memory_space<vmem>> -> memref<128x16xf32, #tpu.memory_space<vmem>>
    %dma_wait3A_413 = arith.constant 0 : i32
    %dma_wait3A_414 = tpu.memref_slice %arg5[%dma_wait3A_409, %dma_wait3A_413] : memref<26x128xi32, #tpu.memory_space<vmem>> -> memref<1x128xi32, #tpu.memory_space<vmem>>
    %dma_wait3A_415 = tpu.memref_squeeze %dma_wait3A_414 : memref<1x128xi32, #tpu.memory_space<vmem>> -> memref<128xi32, #tpu.memory_space<vmem>>
    %dma_wait3A_416 = arith.constant 0 : i32
    %dma_wait3A_417 = arith.constant 0 : i32
    %dma_wait3A_418 = tpu.memref_slice %arg2[%dma_wait3A_416, %dma_wait3A_417] : memref<1007616x16xf32, #tpu.memory_space<hbm>> -> memref<1007616x16xf32, #tpu.memory_space<hbm>>
    tpu.wait_indirect_dma semaphore(%arg7 : memref<!tpu.dma_semaphore, #tpu.memory_space<semaphore_mem>>) src(%dma_wait3A_418 : memref<1007616x16xf32, #tpu.memory_space<hbm>>) dst(%dma_wait3A_412 : memref<128x16xf32, #tpu.memory_space<vmem>>)
    %dma_wait3A_419 = arith.constant 16 : i32
    %dma_wait3A_420 = arith.constant 2048 : i32
    %dma_wait3A_421 = arith.constant 0 : i32
    %dma_wait3A_422 = tpu.memref_slice %arg6[%dma_wait3A_420, %dma_wait3A_421] : memref<3328x16xf32, #tpu.memory_space<vmem>> -> memref<128x16xf32, #tpu.memory_space<vmem>>
    %dma_wait3A_423 = arith.constant 0 : i32
    %dma_wait3A_424 = tpu.memref_slice %arg5[%dma_wait3A_419, %dma_wait3A_423] : memref<26x128xi32, #tpu.memory_space<vmem>> -> memref<1x128xi32, #tpu.memory_space<vmem>>
    %dma_wait3A_425 = tpu.memref_squeeze %dma_wait3A_424 : memref<1x128xi32, #tpu.memory_space<vmem>> -> memref<128xi32, #tpu.memory_space<vmem>>
    %dma_wait3A_426 = arith.constant 0 : i32
    %dma_wait3A_427 = arith.constant 0 : i32
    %dma_wait3A_428 = tpu.memref_slice %arg2[%dma_wait3A_426, %dma_wait3A_427] : memref<1007616x16xf32, #tpu.memory_space<hbm>> -> memref<1007616x16xf32, #tpu.memory_space<hbm>>
    tpu.wait_indirect_dma semaphore(%arg7 : memref<!tpu.dma_semaphore, #tpu.memory_space<semaphore_mem>>) src(%dma_wait3A_428 : memref<1007616x16xf32, #tpu.memory_space<hbm>>) dst(%dma_wait3A_422 : memref<128x16xf32, #tpu.memory_space<vmem>>)
    %dma_wait3A_429 = arith.constant 17 : i32
    %dma_wait3A_430 = arith.constant 2176 : i32
    %dma_wait3A_431 = arith.constant 0 : i32
    %dma_wait3A_432 = tpu.memref_slice %arg6[%dma_wait3A_430, %dma_wait3A_431] : memref<3328x16xf32, #tpu.memory_space<vmem>> -> memref<128x16xf32, #tpu.memory_space<vmem>>
    %dma_wait3A_433 = arith.constant 0 : i32
    %dma_wait3A_434 = tpu.memref_slice %arg5[%dma_wait3A_429, %dma_wait3A_433] : memref<26x128xi32, #tpu.memory_space<vmem>> -> memref<1x128xi32, #tpu.memory_space<vmem>>
    %dma_wait3A_435 = tpu.memref_squeeze %dma_wait3A_434 : memref<1x128xi32, #tpu.memory_space<vmem>> -> memref<128xi32, #tpu.memory_space<vmem>>
    %dma_wait3A_436 = arith.constant 0 : i32
    %dma_wait3A_437 = arith.constant 0 : i32
    %dma_wait3A_438 = tpu.memref_slice %arg2[%dma_wait3A_436, %dma_wait3A_437] : memref<1007616x16xf32, #tpu.memory_space<hbm>> -> memref<1007616x16xf32, #tpu.memory_space<hbm>>
    tpu.wait_indirect_dma semaphore(%arg7 : memref<!tpu.dma_semaphore, #tpu.memory_space<semaphore_mem>>) src(%dma_wait3A_438 : memref<1007616x16xf32, #tpu.memory_space<hbm>>) dst(%dma_wait3A_432 : memref<128x16xf32, #tpu.memory_space<vmem>>)
    %dma_wait3A_439 = arith.constant 18 : i32
    %dma_wait3A_440 = arith.constant 2304 : i32
    %dma_wait3A_441 = arith.constant 0 : i32
    %dma_wait3A_442 = tpu.memref_slice %arg6[%dma_wait3A_440, %dma_wait3A_441] : memref<3328x16xf32, #tpu.memory_space<vmem>> -> memref<128x16xf32, #tpu.memory_space<vmem>>
    %dma_wait3A_443 = arith.constant 0 : i32
    %dma_wait3A_444 = tpu.memref_slice %arg5[%dma_wait3A_439, %dma_wait3A_443] : memref<26x128xi32, #tpu.memory_space<vmem>> -> memref<1x128xi32, #tpu.memory_space<vmem>>
    %dma_wait3A_445 = tpu.memref_squeeze %dma_wait3A_444 : memref<1x128xi32, #tpu.memory_space<vmem>> -> memref<128xi32, #tpu.memory_space<vmem>>
    %dma_wait3A_446 = arith.constant 0 : i32
    %dma_wait3A_447 = arith.constant 0 : i32
    %dma_wait3A_448 = tpu.memref_slice %arg2[%dma_wait3A_446, %dma_wait3A_447] : memref<1007616x16xf32, #tpu.memory_space<hbm>> -> memref<1007616x16xf32, #tpu.memory_space<hbm>>
    tpu.wait_indirect_dma semaphore(%arg7 : memref<!tpu.dma_semaphore, #tpu.memory_space<semaphore_mem>>) src(%dma_wait3A_448 : memref<1007616x16xf32, #tpu.memory_space<hbm>>) dst(%dma_wait3A_442 : memref<128x16xf32, #tpu.memory_space<vmem>>)
    %dma_wait3A_449 = arith.constant 19 : i32
    %dma_wait3A_450 = arith.constant 2432 : i32
    %dma_wait3A_451 = arith.constant 0 : i32
    %dma_wait3A_452 = tpu.memref_slice %arg6[%dma_wait3A_450, %dma_wait3A_451] : memref<3328x16xf32, #tpu.memory_space<vmem>> -> memref<128x16xf32, #tpu.memory_space<vmem>>
    %dma_wait3A_453 = arith.constant 0 : i32
    %dma_wait3A_454 = tpu.memref_slice %arg5[%dma_wait3A_449, %dma_wait3A_453] : memref<26x128xi32, #tpu.memory_space<vmem>> -> memref<1x128xi32, #tpu.memory_space<vmem>>
    %dma_wait3A_455 = tpu.memref_squeeze %dma_wait3A_454 : memref<1x128xi32, #tpu.memory_space<vmem>> -> memref<128xi32, #tpu.memory_space<vmem>>
    %dma_wait3A_456 = arith.constant 0 : i32
    %dma_wait3A_457 = arith.constant 0 : i32
    %dma_wait3A_458 = tpu.memref_slice %arg2[%dma_wait3A_456, %dma_wait3A_457] : memref<1007616x16xf32, #tpu.memory_space<hbm>> -> memref<1007616x16xf32, #tpu.memory_space<hbm>>
    tpu.wait_indirect_dma semaphore(%arg7 : memref<!tpu.dma_semaphore, #tpu.memory_space<semaphore_mem>>) src(%dma_wait3A_458 : memref<1007616x16xf32, #tpu.memory_space<hbm>>) dst(%dma_wait3A_452 : memref<128x16xf32, #tpu.memory_space<vmem>>)
    %dma_wait3A_459 = arith.constant 20 : i32
    %dma_wait3A_460 = arith.constant 2560 : i32
    %dma_wait3A_461 = arith.constant 0 : i32
    %dma_wait3A_462 = tpu.memref_slice %arg6[%dma_wait3A_460, %dma_wait3A_461] : memref<3328x16xf32, #tpu.memory_space<vmem>> -> memref<128x16xf32, #tpu.memory_space<vmem>>
    %dma_wait3A_463 = arith.constant 0 : i32
    %dma_wait3A_464 = tpu.memref_slice %arg5[%dma_wait3A_459, %dma_wait3A_463] : memref<26x128xi32, #tpu.memory_space<vmem>> -> memref<1x128xi32, #tpu.memory_space<vmem>>
    %dma_wait3A_465 = tpu.memref_squeeze %dma_wait3A_464 : memref<1x128xi32, #tpu.memory_space<vmem>> -> memref<128xi32, #tpu.memory_space<vmem>>
    %dma_wait3A_466 = arith.constant 0 : i32
    %dma_wait3A_467 = arith.constant 0 : i32
    %dma_wait3A_468 = tpu.memref_slice %arg2[%dma_wait3A_466, %dma_wait3A_467] : memref<1007616x16xf32, #tpu.memory_space<hbm>> -> memref<1007616x16xf32, #tpu.memory_space<hbm>>
    tpu.wait_indirect_dma semaphore(%arg7 : memref<!tpu.dma_semaphore, #tpu.memory_space<semaphore_mem>>) src(%dma_wait3A_468 : memref<1007616x16xf32, #tpu.memory_space<hbm>>) dst(%dma_wait3A_462 : memref<128x16xf32, #tpu.memory_space<vmem>>)
    %dma_wait3A_469 = arith.constant 21 : i32
    %dma_wait3A_470 = arith.constant 2688 : i32
    %dma_wait3A_471 = arith.constant 0 : i32
    %dma_wait3A_472 = tpu.memref_slice %arg6[%dma_wait3A_470, %dma_wait3A_471] : memref<3328x16xf32, #tpu.memory_space<vmem>> -> memref<128x16xf32, #tpu.memory_space<vmem>>
    %dma_wait3A_473 = arith.constant 0 : i32
    %dma_wait3A_474 = tpu.memref_slice %arg5[%dma_wait3A_469, %dma_wait3A_473] : memref<26x128xi32, #tpu.memory_space<vmem>> -> memref<1x128xi32, #tpu.memory_space<vmem>>
    %dma_wait3A_475 = tpu.memref_squeeze %dma_wait3A_474 : memref<1x128xi32, #tpu.memory_space<vmem>> -> memref<128xi32, #tpu.memory_space<vmem>>
    %dma_wait3A_476 = arith.constant 0 : i32
    %dma_wait3A_477 = arith.constant 0 : i32
    %dma_wait3A_478 = tpu.memref_slice %arg2[%dma_wait3A_476, %dma_wait3A_477] : memref<1007616x16xf32, #tpu.memory_space<hbm>> -> memref<1007616x16xf32, #tpu.memory_space<hbm>>
    tpu.wait_indirect_dma semaphore(%arg7 : memref<!tpu.dma_semaphore, #tpu.memory_space<semaphore_mem>>) src(%dma_wait3A_478 : memref<1007616x16xf32, #tpu.memory_space<hbm>>) dst(%dma_wait3A_472 : memref<128x16xf32, #tpu.memory_space<vmem>>)
    %dma_wait3A_479 = arith.constant 22 : i32
    %dma_wait3A_480 = arith.constant 2816 : i32
    %dma_wait3A_481 = arith.constant 0 : i32
    %dma_wait3A_482 = tpu.memref_slice %arg6[%dma_wait3A_480, %dma_wait3A_481] : memref<3328x16xf32, #tpu.memory_space<vmem>> -> memref<128x16xf32, #tpu.memory_space<vmem>>
    %dma_wait3A_483 = arith.constant 0 : i32
    %dma_wait3A_484 = tpu.memref_slice %arg5[%dma_wait3A_479, %dma_wait3A_483] : memref<26x128xi32, #tpu.memory_space<vmem>> -> memref<1x128xi32, #tpu.memory_space<vmem>>
    %dma_wait3A_485 = tpu.memref_squeeze %dma_wait3A_484 : memref<1x128xi32, #tpu.memory_space<vmem>> -> memref<128xi32, #tpu.memory_space<vmem>>
    %dma_wait3A_486 = arith.constant 0 : i32
    %dma_wait3A_487 = arith.constant 0 : i32
    %dma_wait3A_488 = tpu.memref_slice %arg2[%dma_wait3A_486, %dma_wait3A_487] : memref<1007616x16xf32, #tpu.memory_space<hbm>> -> memref<1007616x16xf32, #tpu.memory_space<hbm>>
    tpu.wait_indirect_dma semaphore(%arg7 : memref<!tpu.dma_semaphore, #tpu.memory_space<semaphore_mem>>) src(%dma_wait3A_488 : memref<1007616x16xf32, #tpu.memory_space<hbm>>) dst(%dma_wait3A_482 : memref<128x16xf32, #tpu.memory_space<vmem>>)
    %dma_wait3A_489 = arith.constant 23 : i32
    %dma_wait3A_490 = arith.constant 2944 : i32
    %dma_wait3A_491 = arith.constant 0 : i32
    %dma_wait3A_492 = tpu.memref_slice %arg6[%dma_wait3A_490, %dma_wait3A_491] : memref<3328x16xf32, #tpu.memory_space<vmem>> -> memref<128x16xf32, #tpu.memory_space<vmem>>
    %dma_wait3A_493 = arith.constant 0 : i32
    %dma_wait3A_494 = tpu.memref_slice %arg5[%dma_wait3A_489, %dma_wait3A_493] : memref<26x128xi32, #tpu.memory_space<vmem>> -> memref<1x128xi32, #tpu.memory_space<vmem>>
    %dma_wait3A_495 = tpu.memref_squeeze %dma_wait3A_494 : memref<1x128xi32, #tpu.memory_space<vmem>> -> memref<128xi32, #tpu.memory_space<vmem>>
    %dma_wait3A_496 = arith.constant 0 : i32
    %dma_wait3A_497 = arith.constant 0 : i32
    %dma_wait3A_498 = tpu.memref_slice %arg2[%dma_wait3A_496, %dma_wait3A_497] : memref<1007616x16xf32, #tpu.memory_space<hbm>> -> memref<1007616x16xf32, #tpu.memory_space<hbm>>
    tpu.wait_indirect_dma semaphore(%arg7 : memref<!tpu.dma_semaphore, #tpu.memory_space<semaphore_mem>>) src(%dma_wait3A_498 : memref<1007616x16xf32, #tpu.memory_space<hbm>>) dst(%dma_wait3A_492 : memref<128x16xf32, #tpu.memory_space<vmem>>)
    %dma_wait3A_499 = arith.constant 24 : i32
    %dma_wait3A_500 = arith.constant 3072 : i32
    %dma_wait3A_501 = arith.constant 0 : i32
    %dma_wait3A_502 = tpu.memref_slice %arg6[%dma_wait3A_500, %dma_wait3A_501] : memref<3328x16xf32, #tpu.memory_space<vmem>> -> memref<128x16xf32, #tpu.memory_space<vmem>>
    %dma_wait3A_503 = arith.constant 0 : i32
    %dma_wait3A_504 = tpu.memref_slice %arg5[%dma_wait3A_499, %dma_wait3A_503] : memref<26x128xi32, #tpu.memory_space<vmem>> -> memref<1x128xi32, #tpu.memory_space<vmem>>
    %dma_wait3A_505 = tpu.memref_squeeze %dma_wait3A_504 : memref<1x128xi32, #tpu.memory_space<vmem>> -> memref<128xi32, #tpu.memory_space<vmem>>
    %dma_wait3A_506 = arith.constant 0 : i32
    %dma_wait3A_507 = arith.constant 0 : i32
    %dma_wait3A_508 = tpu.memref_slice %arg2[%dma_wait3A_506, %dma_wait3A_507] : memref<1007616x16xf32, #tpu.memory_space<hbm>> -> memref<1007616x16xf32, #tpu.memory_space<hbm>>
    tpu.wait_indirect_dma semaphore(%arg7 : memref<!tpu.dma_semaphore, #tpu.memory_space<semaphore_mem>>) src(%dma_wait3A_508 : memref<1007616x16xf32, #tpu.memory_space<hbm>>) dst(%dma_wait3A_502 : memref<128x16xf32, #tpu.memory_space<vmem>>)
    %dma_wait3A_509 = arith.constant 25 : i32
    %dma_wait3A_510 = arith.constant 3200 : i32
    %dma_wait3A_511 = arith.constant 0 : i32
    %dma_wait3A_512 = tpu.memref_slice %arg6[%dma_wait3A_510, %dma_wait3A_511] : memref<3328x16xf32, #tpu.memory_space<vmem>> -> memref<128x16xf32, #tpu.memory_space<vmem>>
    %dma_wait3A_513 = arith.constant 0 : i32
    %dma_wait3A_514 = tpu.memref_slice %arg5[%dma_wait3A_509, %dma_wait3A_513] : memref<26x128xi32, #tpu.memory_space<vmem>> -> memref<1x128xi32, #tpu.memory_space<vmem>>
    %dma_wait3A_515 = tpu.memref_squeeze %dma_wait3A_514 : memref<1x128xi32, #tpu.memory_space<vmem>> -> memref<128xi32, #tpu.memory_space<vmem>>
    %dma_wait3A_516 = arith.constant 0 : i32
    %dma_wait3A_517 = arith.constant 0 : i32
    %dma_wait3A_518 = tpu.memref_slice %arg2[%dma_wait3A_516, %dma_wait3A_517] : memref<1007616x16xf32, #tpu.memory_space<hbm>> -> memref<1007616x16xf32, #tpu.memory_space<hbm>>
    tpu.wait_indirect_dma semaphore(%arg7 : memref<!tpu.dma_semaphore, #tpu.memory_space<semaphore_mem>>) src(%dma_wait3A_518 : memref<1007616x16xf32, #tpu.memory_space<hbm>>) dst(%dma_wait3A_512 : memref<128x16xf32, #tpu.memory_space<vmem>>)
    %mul3A_519 = arith.constant 3328 : i32
    %mul3A_520 = arith.muli %add3A, %mul3A_519 : i32
    "tpu.region"() ({
      %run_scoped3A = tpu.sem_alloc : memref<!tpu.dma_semaphore, #tpu.memory_space<semaphore_mem>>
      %dma_start3A_521 = arith.constant 0 : i32
      %dma_start3A_522 = tpu.memref_slice %arg4[%mul3A_520, %dma_start3A_521] : memref<106496x16xf32, #tpu.memory_space<hbm>> -> memref<3328x16xf32, #tpu.memory_space<hbm>>
      %dma_start3A_523 = arith.constant 0 : i32
      %dma_start3A_524 = tpu.memref_slice %arg4[%mul3A_520, %dma_start3A_523] : memref<106496x16xf32, #tpu.memory_space<hbm>> -> memref<3328x16xf32, #tpu.memory_space<hbm>>
      tpu.enqueue_dma source(%arg6 : memref<3328x16xf32, #tpu.memory_space<vmem>>) target(%dma_start3A_524 : memref<3328x16xf32, #tpu.memory_space<hbm>>) target_semaphore(%run_scoped3A : memref<!tpu.dma_semaphore, #tpu.memory_space<semaphore_mem>>)
      %dma_wait3A_525 = arith.constant 0 : i32
      %dma_wait3A_526 = tpu.memref_slice %arg4[%mul3A_520, %dma_wait3A_525] : memref<106496x16xf32, #tpu.memory_space<hbm>> -> memref<3328x16xf32, #tpu.memory_space<hbm>>
      %dma_wait3A_527 = arith.constant 0 : i32
      %dma_wait3A_528 = tpu.memref_slice %arg4[%mul3A_520, %dma_wait3A_527] : memref<106496x16xf32, #tpu.memory_space<hbm>> -> memref<3328x16xf32, #tpu.memory_space<hbm>>
      tpu.wait_dma2 semaphore(%run_scoped3A : memref<!tpu.dma_semaphore, #tpu.memory_space<semaphore_mem>>) src(%arg6 : memref<3328x16xf32, #tpu.memory_space<vmem>>) dst(%dma_wait3A_528 : memref<3328x16xf32, #tpu.memory_space<hbm>>)
      tpu.yield
    }) : () -> ()
    return
  }
}

module attributes {stable_mosaic.version = 14 : i64} {
  func.func @_repack_body(%arg0: i32, %arg1: memref<16x8192xf32, #tpu.memory_space<vmem>>, %arg2: memref<1024x128xf32, #tpu.memory_space<vmem>>) attributes {dimension_semantics = [#tpu.dimension_semantics<arbitrary>], iteration_bounds = array<i64: 123>, scalar_prefetch = 0 : i64, scratch_operands = 0 : i64, tpu.core_type = #tpu.core_type<tc>, window_params = [{transform_indices = @transform_0, window_bounds = array<i64: 16, 8192>}, {transform_indices = @transform_1, window_bounds = array<i64: 1024, 128>}]} {
    %get3A = arith.constant 0 : index
    %get3A_0 = arith.constant 0 : index
    %get3A_1 = vector.load %arg1[%get3A, %get3A_0] : memref<16x8192xf32, #tpu.memory_space<vmem>>, vector<16x8192xf32>
    %slice3A = vector.extract_strided_slice %get3A_1 {offsets = [0, 0], sizes = [16, 1024], strides = [1, 1]} : vector<16x8192xf32> to vector<16x1024xf32>
    %slice3A_2 = vector.extract_strided_slice %get3A_1 {offsets = [0, 1024], sizes = [16, 1024], strides = [1, 1]} : vector<16x8192xf32> to vector<16x1024xf32>
    %slice3A_3 = vector.extract_strided_slice %get3A_1 {offsets = [0, 2048], sizes = [16, 1024], strides = [1, 1]} : vector<16x8192xf32> to vector<16x1024xf32>
    %slice3A_4 = vector.extract_strided_slice %get3A_1 {offsets = [0, 3072], sizes = [16, 1024], strides = [1, 1]} : vector<16x8192xf32> to vector<16x1024xf32>
    %slice3A_5 = vector.extract_strided_slice %get3A_1 {offsets = [0, 4096], sizes = [16, 1024], strides = [1, 1]} : vector<16x8192xf32> to vector<16x1024xf32>
    %slice3A_6 = vector.extract_strided_slice %get3A_1 {offsets = [0, 5120], sizes = [16, 1024], strides = [1, 1]} : vector<16x8192xf32> to vector<16x1024xf32>
    %slice3A_7 = vector.extract_strided_slice %get3A_1 {offsets = [0, 6144], sizes = [16, 1024], strides = [1, 1]} : vector<16x8192xf32> to vector<16x1024xf32>
    %slice3A_8 = vector.extract_strided_slice %get3A_1 {offsets = [0, 7168], sizes = [16, 1024], strides = [1, 1]} : vector<16x8192xf32> to vector<16x1024xf32>
    %concatenate3A = tpu.concatenate %slice3A, %slice3A_2, %slice3A_3, %slice3A_4, %slice3A_5, %slice3A_6, %slice3A_7, %slice3A_8 in 0 : vector<16x1024xf32>, vector<16x1024xf32>, vector<16x1024xf32>, vector<16x1024xf32>, vector<16x1024xf32>, vector<16x1024xf32>, vector<16x1024xf32>, vector<16x1024xf32> -> vector<128x1024xf32>
    %transpose3A = tpu.transpose %concatenate3A, [1, 0] : vector<128x1024xf32> -> vector<1024x128xf32>
    %swap3A = arith.constant 0 : index
    %swap3A_9 = arith.constant 0 : index
    %swap3A_10 = vector.load %arg2[%swap3A, %swap3A_9] : memref<1024x128xf32, #tpu.memory_space<vmem>>, vector<1024x128xf32>
    tpu.vector_store %arg2[%swap3A, %swap3A_9], %transpose3A {strides = array<i32>} : memref<1024x128xf32, #tpu.memory_space<vmem>>, vector<1024x128xf32>,
    return
  }
  func.func @transform_0(%arg0: i32) -> (i32, i32) {
    %c0_i32 = arith.constant 0 : i32
    %c0_i32_0 = arith.constant 0 : i32
    return %c0_i32, %arg0 : i32, i32
  }
  func.func @transform_1(%arg0: i32) -> (i32, i32) {
    %c0_i32 = arith.constant 0 : i32
    %c0_i32_0 = arith.constant 0 : i32
    return %arg0, %c0_i32 : i32, i32
  }
}

module attributes {stable_mosaic.version = 14 : i64} {
  func.func @_dense_body(%arg0: memref<4096x416xf32, #tpu.memory_space<vmem>>, %arg1: memref<416x256xf32, #tpu.memory_space<vmem>>, %arg2: memref<1x256xf32, #tpu.memory_space<vmem>>, %arg3: memref<256x128xf32, #tpu.memory_space<vmem>>, %arg4: memref<1x128xf32, #tpu.memory_space<vmem>>, %arg5: memref<128x64xf32, #tpu.memory_space<vmem>>, %arg6: memref<1x64xf32, #tpu.memory_space<vmem>>, %arg7: memref<64x32xf32, #tpu.memory_space<vmem>>, %arg8: memref<1x32xf32, #tpu.memory_space<vmem>>, %arg9: memref<32x1xf32, #tpu.memory_space<vmem>>, %arg10: memref<1x1xf32, #tpu.memory_space<vmem>>, %arg11: memref<128x64xf32, #tpu.memory_space<vmem>>, %arg12: memref<1x64xf32, #tpu.memory_space<vmem>>, %arg13: memref<64x32xf32, #tpu.memory_space<vmem>>, %arg14: memref<1x32xf32, #tpu.memory_space<vmem>>, %arg15: memref<32x1xf32, #tpu.memory_space<vmem>>, %arg16: memref<1x1xf32, #tpu.memory_space<vmem>>, %arg17: memref<128x64xf32, #tpu.memory_space<vmem>>, %arg18: memref<1x64xf32, #tpu.memory_space<vmem>>, %arg19: memref<64x32xf32, #tpu.memory_space<vmem>>, %arg20: memref<1x32xf32, #tpu.memory_space<vmem>>, %arg21: memref<32x1xf32, #tpu.memory_space<vmem>>, %arg22: memref<1x1xf32, #tpu.memory_space<vmem>>, %arg23: memref<128x64xf32, #tpu.memory_space<vmem>>, %arg24: memref<1x64xf32, #tpu.memory_space<vmem>>, %arg25: memref<64x32xf32, #tpu.memory_space<vmem>>, %arg26: memref<1x32xf32, #tpu.memory_space<vmem>>, %arg27: memref<32x1xf32, #tpu.memory_space<vmem>>, %arg28: memref<1x1xf32, #tpu.memory_space<vmem>>, %arg29: memref<128x64xf32, #tpu.memory_space<vmem>>, %arg30: memref<1x64xf32, #tpu.memory_space<vmem>>, %arg31: memref<64x32xf32, #tpu.memory_space<vmem>>, %arg32: memref<1x32xf32, #tpu.memory_space<vmem>>, %arg33: memref<32x1xf32, #tpu.memory_space<vmem>>, %arg34: memref<1x1xf32, #tpu.memory_space<vmem>>, %arg35: memref<128x64xf32, #tpu.memory_space<vmem>>, %arg36: memref<1x64xf32, #tpu.memory_space<vmem>>, %arg37: memref<64x32xf32, #tpu.memory_space<vmem>>, %arg38: memref<1x32xf32, #tpu.memory_space<vmem>>, %arg39: memref<32x1xf32, #tpu.memory_space<vmem>>, %arg40: memref<1x1xf32, #tpu.memory_space<vmem>>, %arg41: memref<128x64xf32, #tpu.memory_space<vmem>>, %arg42: memref<1x64xf32, #tpu.memory_space<vmem>>, %arg43: memref<64x32xf32, #tpu.memory_space<vmem>>, %arg44: memref<1x32xf32, #tpu.memory_space<vmem>>, %arg45: memref<32x1xf32, #tpu.memory_space<vmem>>, %arg46: memref<1x1xf32, #tpu.memory_space<vmem>>, %arg47: memref<128x32xf32, #tpu.memory_space<vmem>>, %arg48: memref<1x32xf32, #tpu.memory_space<vmem>>, %arg49: memref<32x1xf32, #tpu.memory_space<vmem>>, %arg50: memref<1x1xf32, #tpu.memory_space<vmem>>, %arg51: memref<128x64xf32, #tpu.memory_space<vmem>>, %arg52: memref<1x64xf32, #tpu.memory_space<vmem>>, %arg53: memref<64x7xf32, #tpu.memory_space<vmem>>, %arg54: memref<1x7xf32, #tpu.memory_space<vmem>>, %arg55: memref<4096x1xf32, #tpu.memory_space<vmem>>, %arg56: memref<4096x1xf32, #tpu.memory_space<vmem>>, %arg57: memref<4096x1xf32, #tpu.memory_space<vmem>>, %arg58: memref<4096x1xf32, #tpu.memory_space<vmem>>, %arg59: memref<4096x1xf32, #tpu.memory_space<vmem>>, %arg60: memref<4096x1xf32, #tpu.memory_space<vmem>>, %arg61: memref<4096x1xf32, #tpu.memory_space<vmem>>, %arg62: memref<4096x1xf32, #tpu.memory_space<vmem>>, %arg63: memref<4096x7xf32, #tpu.memory_space<vmem>>) attributes {dimension_semantics = [], scalar_prefetch = 0 : i64, scratch_operands = 0 : i64, tpu.core_type = #tpu.core_type<tc>} {
    %get3A = arith.constant 0 : index
    %get3A_0 = arith.constant 0 : index
    %get3A_1 = vector.load %arg1[%get3A, %get3A_0] : memref<416x256xf32, #tpu.memory_space<vmem>>, vector<416x256xf32>
    %get3A_2 = arith.constant 0 : index
    %get3A_3 = arith.constant 0 : index
    %get3A_4 = vector.load %arg2[%get3A_2, %get3A_3] : memref<1x256xf32, #tpu.memory_space<vmem>>, vector<1x256xf32>
    %get3A_5 = arith.constant 0 : index
    %get3A_6 = arith.constant 0 : index
    %get3A_7 = vector.load %arg3[%get3A_5, %get3A_6] : memref<256x128xf32, #tpu.memory_space<vmem>>, vector<256x128xf32>
    %get3A_8 = arith.constant 0 : index
    %get3A_9 = arith.constant 0 : index
    %get3A_10 = vector.load %arg4[%get3A_8, %get3A_9] : memref<1x128xf32, #tpu.memory_space<vmem>>, vector<1x128xf32>
    %get3A_11 = arith.constant 0 : index
    %get3A_12 = arith.constant 0 : index
    %get3A_13 = vector.load %arg5[%get3A_11, %get3A_12] : memref<128x64xf32, #tpu.memory_space<vmem>>, vector<128x64xf32>
    %get3A_14 = arith.constant 0 : index
    %get3A_15 = arith.constant 0 : index
    %get3A_16 = vector.load %arg6[%get3A_14, %get3A_15] : memref<1x64xf32, #tpu.memory_space<vmem>>, vector<1x64xf32>
    %get3A_17 = arith.constant 0 : index
    %get3A_18 = arith.constant 0 : index
    %get3A_19 = vector.load %arg7[%get3A_17, %get3A_18] : memref<64x32xf32, #tpu.memory_space<vmem>>, vector<64x32xf32>
    %get3A_20 = arith.constant 0 : index
    %get3A_21 = arith.constant 0 : index
    %get3A_22 = vector.load %arg8[%get3A_20, %get3A_21] : memref<1x32xf32, #tpu.memory_space<vmem>>, vector<1x32xf32>
    %get3A_23 = arith.constant 0 : index
    %get3A_24 = arith.constant 0 : index
    %get3A_25 = vector.load %arg9[%get3A_23, %get3A_24] : memref<32x1xf32, #tpu.memory_space<vmem>>, vector<32x1xf32>
    %get3A_26 = arith.constant 0 : index
    %get3A_27 = arith.constant 0 : index
    %get3A_28 = vector.load %arg10[%get3A_26, %get3A_27] : memref<1x1xf32, #tpu.memory_space<vmem>>, vector<1x1xf32>
    %get3A_29 = arith.constant 0 : index
    %get3A_30 = arith.constant 0 : index
    %get3A_31 = vector.load %arg11[%get3A_29, %get3A_30] : memref<128x64xf32, #tpu.memory_space<vmem>>, vector<128x64xf32>
    %get3A_32 = arith.constant 0 : index
    %get3A_33 = arith.constant 0 : index
    %get3A_34 = vector.load %arg12[%get3A_32, %get3A_33] : memref<1x64xf32, #tpu.memory_space<vmem>>, vector<1x64xf32>
    %get3A_35 = arith.constant 0 : index
    %get3A_36 = arith.constant 0 : index
    %get3A_37 = vector.load %arg13[%get3A_35, %get3A_36] : memref<64x32xf32, #tpu.memory_space<vmem>>, vector<64x32xf32>
    %get3A_38 = arith.constant 0 : index
    %get3A_39 = arith.constant 0 : index
    %get3A_40 = vector.load %arg14[%get3A_38, %get3A_39] : memref<1x32xf32, #tpu.memory_space<vmem>>, vector<1x32xf32>
    %get3A_41 = arith.constant 0 : index
    %get3A_42 = arith.constant 0 : index
    %get3A_43 = vector.load %arg15[%get3A_41, %get3A_42] : memref<32x1xf32, #tpu.memory_space<vmem>>, vector<32x1xf32>
    %get3A_44 = arith.constant 0 : index
    %get3A_45 = arith.constant 0 : index
    %get3A_46 = vector.load %arg16[%get3A_44, %get3A_45] : memref<1x1xf32, #tpu.memory_space<vmem>>, vector<1x1xf32>
    %get3A_47 = arith.constant 0 : index
    %get3A_48 = arith.constant 0 : index
    %get3A_49 = vector.load %arg17[%get3A_47, %get3A_48] : memref<128x64xf32, #tpu.memory_space<vmem>>, vector<128x64xf32>
    %get3A_50 = arith.constant 0 : index
    %get3A_51 = arith.constant 0 : index
    %get3A_52 = vector.load %arg18[%get3A_50, %get3A_51] : memref<1x64xf32, #tpu.memory_space<vmem>>, vector<1x64xf32>
    %get3A_53 = arith.constant 0 : index
    %get3A_54 = arith.constant 0 : index
    %get3A_55 = vector.load %arg19[%get3A_53, %get3A_54] : memref<64x32xf32, #tpu.memory_space<vmem>>, vector<64x32xf32>
    %get3A_56 = arith.constant 0 : index
    %get3A_57 = arith.constant 0 : index
    %get3A_58 = vector.load %arg20[%get3A_56, %get3A_57] : memref<1x32xf32, #tpu.memory_space<vmem>>, vector<1x32xf32>
    %get3A_59 = arith.constant 0 : index
    %get3A_60 = arith.constant 0 : index
    %get3A_61 = vector.load %arg21[%get3A_59, %get3A_60] : memref<32x1xf32, #tpu.memory_space<vmem>>, vector<32x1xf32>
    %get3A_62 = arith.constant 0 : index
    %get3A_63 = arith.constant 0 : index
    %get3A_64 = vector.load %arg22[%get3A_62, %get3A_63] : memref<1x1xf32, #tpu.memory_space<vmem>>, vector<1x1xf32>
    %get3A_65 = arith.constant 0 : index
    %get3A_66 = arith.constant 0 : index
    %get3A_67 = vector.load %arg23[%get3A_65, %get3A_66] : memref<128x64xf32, #tpu.memory_space<vmem>>, vector<128x64xf32>
    %get3A_68 = arith.constant 0 : index
    %get3A_69 = arith.constant 0 : index
    %get3A_70 = vector.load %arg24[%get3A_68, %get3A_69] : memref<1x64xf32, #tpu.memory_space<vmem>>, vector<1x64xf32>
    %get3A_71 = arith.constant 0 : index
    %get3A_72 = arith.constant 0 : index
    %get3A_73 = vector.load %arg25[%get3A_71, %get3A_72] : memref<64x32xf32, #tpu.memory_space<vmem>>, vector<64x32xf32>
    %get3A_74 = arith.constant 0 : index
    %get3A_75 = arith.constant 0 : index
    %get3A_76 = vector.load %arg26[%get3A_74, %get3A_75] : memref<1x32xf32, #tpu.memory_space<vmem>>, vector<1x32xf32>
    %get3A_77 = arith.constant 0 : index
    %get3A_78 = arith.constant 0 : index
    %get3A_79 = vector.load %arg27[%get3A_77, %get3A_78] : memref<32x1xf32, #tpu.memory_space<vmem>>, vector<32x1xf32>
    %get3A_80 = arith.constant 0 : index
    %get3A_81 = arith.constant 0 : index
    %get3A_82 = vector.load %arg28[%get3A_80, %get3A_81] : memref<1x1xf32, #tpu.memory_space<vmem>>, vector<1x1xf32>
    %get3A_83 = arith.constant 0 : index
    %get3A_84 = arith.constant 0 : index
    %get3A_85 = vector.load %arg29[%get3A_83, %get3A_84] : memref<128x64xf32, #tpu.memory_space<vmem>>, vector<128x64xf32>
    %get3A_86 = arith.constant 0 : index
    %get3A_87 = arith.constant 0 : index
    %get3A_88 = vector.load %arg30[%get3A_86, %get3A_87] : memref<1x64xf32, #tpu.memory_space<vmem>>, vector<1x64xf32>
    %get3A_89 = arith.constant 0 : index
    %get3A_90 = arith.constant 0 : index
    %get3A_91 = vector.load %arg31[%get3A_89, %get3A_90] : memref<64x32xf32, #tpu.memory_space<vmem>>, vector<64x32xf32>
    %get3A_92 = arith.constant 0 : index
    %get3A_93 = arith.constant 0 : index
    %get3A_94 = vector.load %arg32[%get3A_92, %get3A_93] : memref<1x32xf32, #tpu.memory_space<vmem>>, vector<1x32xf32>
    %get3A_95 = arith.constant 0 : index
    %get3A_96 = arith.constant 0 : index
    %get3A_97 = vector.load %arg33[%get3A_95, %get3A_96] : memref<32x1xf32, #tpu.memory_space<vmem>>, vector<32x1xf32>
    %get3A_98 = arith.constant 0 : index
    %get3A_99 = arith.constant 0 : index
    %get3A_100 = vector.load %arg34[%get3A_98, %get3A_99] : memref<1x1xf32, #tpu.memory_space<vmem>>, vector<1x1xf32>
    %get3A_101 = arith.constant 0 : index
    %get3A_102 = arith.constant 0 : index
    %get3A_103 = vector.load %arg35[%get3A_101, %get3A_102] : memref<128x64xf32, #tpu.memory_space<vmem>>, vector<128x64xf32>
    %get3A_104 = arith.constant 0 : index
    %get3A_105 = arith.constant 0 : index
    %get3A_106 = vector.load %arg36[%get3A_104, %get3A_105] : memref<1x64xf32, #tpu.memory_space<vmem>>, vector<1x64xf32>
    %get3A_107 = arith.constant 0 : index
    %get3A_108 = arith.constant 0 : index
    %get3A_109 = vector.load %arg37[%get3A_107, %get3A_108] : memref<64x32xf32, #tpu.memory_space<vmem>>, vector<64x32xf32>
    %get3A_110 = arith.constant 0 : index
    %get3A_111 = arith.constant 0 : index
    %get3A_112 = vector.load %arg38[%get3A_110, %get3A_111] : memref<1x32xf32, #tpu.memory_space<vmem>>, vector<1x32xf32>
    %get3A_113 = arith.constant 0 : index
    %get3A_114 = arith.constant 0 : index
    %get3A_115 = vector.load %arg39[%get3A_113, %get3A_114] : memref<32x1xf32, #tpu.memory_space<vmem>>, vector<32x1xf32>
    %get3A_116 = arith.constant 0 : index
    %get3A_117 = arith.constant 0 : index
    %get3A_118 = vector.load %arg40[%get3A_116, %get3A_117] : memref<1x1xf32, #tpu.memory_space<vmem>>, vector<1x1xf32>
    %get3A_119 = arith.constant 0 : index
    %get3A_120 = arith.constant 0 : index
    %get3A_121 = vector.load %arg41[%get3A_119, %get3A_120] : memref<128x64xf32, #tpu.memory_space<vmem>>, vector<128x64xf32>
    %get3A_122 = arith.constant 0 : index
    %get3A_123 = arith.constant 0 : index
    %get3A_124 = vector.load %arg42[%get3A_122, %get3A_123] : memref<1x64xf32, #tpu.memory_space<vmem>>, vector<1x64xf32>
    %get3A_125 = arith.constant 0 : index
    %get3A_126 = arith.constant 0 : index
    %get3A_127 = vector.load %arg43[%get3A_125, %get3A_126] : memref<64x32xf32, #tpu.memory_space<vmem>>, vector<64x32xf32>
    %get3A_128 = arith.constant 0 : index
    %get3A_129 = arith.constant 0 : index
    %get3A_130 = vector.load %arg44[%get3A_128, %get3A_129] : memref<1x32xf32, #tpu.memory_space<vmem>>, vector<1x32xf32>
    %get3A_131 = arith.constant 0 : index
    %get3A_132 = arith.constant 0 : index
    %get3A_133 = vector.load %arg45[%get3A_131, %get3A_132] : memref<32x1xf32, #tpu.memory_space<vmem>>, vector<32x1xf32>
    %get3A_134 = arith.constant 0 : index
    %get3A_135 = arith.constant 0 : index
    %get3A_136 = vector.load %arg46[%get3A_134, %get3A_135] : memref<1x1xf32, #tpu.memory_space<vmem>>, vector<1x1xf32>
    %get3A_137 = arith.constant 0 : index
    %get3A_138 = arith.constant 0 : index
    %get3A_139 = vector.load %arg47[%get3A_137, %get3A_138] : memref<128x32xf32, #tpu.memory_space<vmem>>, vector<128x32xf32>
    %get3A_140 = arith.constant 0 : index
    %get3A_141 = arith.constant 0 : index
    %get3A_142 = vector.load %arg48[%get3A_140, %get3A_141] : memref<1x32xf32, #tpu.memory_space<vmem>>, vector<1x32xf32>
    %get3A_143 = arith.constant 0 : index
    %get3A_144 = arith.constant 0 : index
    %get3A_145 = vector.load %arg49[%get3A_143, %get3A_144] : memref<32x1xf32, #tpu.memory_space<vmem>>, vector<32x1xf32>
    %get3A_146 = arith.constant 0 : index
    %get3A_147 = arith.constant 0 : index
    %get3A_148 = vector.load %arg50[%get3A_146, %get3A_147] : memref<1x1xf32, #tpu.memory_space<vmem>>, vector<1x1xf32>
    %get3A_149 = arith.constant 0 : index
    %get3A_150 = arith.constant 0 : index
    %get3A_151 = vector.load %arg51[%get3A_149, %get3A_150] : memref<128x64xf32, #tpu.memory_space<vmem>>, vector<128x64xf32>
    %get3A_152 = arith.constant 0 : index
    %get3A_153 = arith.constant 0 : index
    %get3A_154 = vector.load %arg52[%get3A_152, %get3A_153] : memref<1x64xf32, #tpu.memory_space<vmem>>, vector<1x64xf32>
    %get3A_155 = arith.constant 0 : index
    %get3A_156 = arith.constant 0 : index
    %get3A_157 = vector.load %arg53[%get3A_155, %get3A_156] : memref<64x7xf32, #tpu.memory_space<vmem>>, vector<64x7xf32>
    %get3A_158 = arith.constant 0 : index
    %get3A_159 = arith.constant 0 : index
    %get3A_160 = vector.load %arg54[%get3A_158, %get3A_159] : memref<1x7xf32, #tpu.memory_space<vmem>>, vector<1x7xf32>
    %get3A_161 = arith.constant 0 : index
    %get3A_162 = arith.constant 0 : index
    %get3A_163 = vector.load %arg0[%get3A_161, %get3A_162] : memref<4096x416xf32, #tpu.memory_space<vmem>>, vector<4096x416xf32>
    %reduce_sum3A = arith.constant dense<0.000000e+00> : vector<416xf32>
    %reduce_sum3A_164 = vector.multi_reduction <add>, %get3A_163, %reduce_sum3A [0] : vector<4096x416xf32> to vector<416xf32>
    %broadcast_in_dim3A = vector.shape_cast %reduce_sum3A_164 : vector<416xf32> to vector<1x416xf32>
    %div3A = arith.constant 4.096000e+03 : f32
    %div3A_165 = vector.broadcast %div3A : f32 to vector<1x416xf32>
    %div3A_166 = arith.divf %broadcast_in_dim3A, %div3A_165 : vector<1x416xf32>
    %jit3A = arith.constant 0 : i32
    %reduce_sum3A_167 = arith.constant dense<0.000000e+00> : vector<416xf32>
    %reduce_sum3A_168 = vector.multi_reduction <add>, %get3A_163, %reduce_sum3A_167 [0] : vector<4096x416xf32> to vector<416xf32>
    %broadcast_in_dim3A_169 = vector.shape_cast %reduce_sum3A_168 : vector<416xf32> to vector<1x416xf32>
    %div3A_170 = arith.constant 4.096000e+03 : f32
    %div3A_171 = vector.broadcast %div3A_170 : f32 to vector<1x416xf32>
    %div3A_172 = arith.divf %broadcast_in_dim3A_169, %div3A_171 : vector<1x416xf32>
    %sub3A = vector.broadcast %div3A_172 : vector<1x416xf32> to vector<4096x416xf32>
    %sub3A_173 = arith.subf %get3A_163, %sub3A : vector<4096x416xf32>
    %square3A = arith.mulf %sub3A_173, %sub3A_173 : vector<4096x416xf32>
    %convert_element_type3A = arith.sitofp %jit3A : i32 to f32
    %sub3A_174 = arith.constant 4.096000e+03 : f32
    %sub3A_175 = arith.subf %sub3A_174, %convert_element_type3A : f32
    %reduce_sum3A_176 = arith.constant dense<0.000000e+00> : vector<416xf32>
    %reduce_sum3A_177 = vector.multi_reduction <add>, %square3A, %reduce_sum3A_176 [0] : vector<4096x416xf32> to vector<416xf32>
    %broadcast_in_dim3A_178 = vector.shape_cast %reduce_sum3A_177 : vector<416xf32> to vector<1x416xf32>
    %div3A_179 = vector.broadcast %sub3A_175 : f32 to vector<1x416xf32>
    %div3A_180 = arith.divf %broadcast_in_dim3A_178, %div3A_179 : vector<1x416xf32>
    %gt3A = arith.constant 0.000000e+00 : f32
    %gt3A_181 = arith.cmpf ogt, %sub3A_175, %gt3A : f32
    %jit3A_182 = arith.constant 0x7FC00000 : f32
    %broadcast_in_dim3A_183 = vector.broadcast %jit3A_182 : f32 to vector<1x416xf32>
    %select_n3A = arith.select %gt3A_181, %div3A_180, %broadcast_in_dim3A_183 : vector<1x416xf32>
    %sub3A_184 = vector.broadcast %div3A_166 : vector<1x416xf32> to vector<4096x416xf32>
    %sub3A_185 = arith.subf %get3A_163, %sub3A_184 : vector<4096x416xf32>
    %add3A = arith.constant 9.99999974E-6 : f32
    %add3A_186 = vector.broadcast %add3A : f32 to vector<1x416xf32>
    %add3A_187 = arith.addf %select_n3A, %add3A_186 : vector<1x416xf32>
    %sqrt3A = math.sqrt %add3A_187 : vector<1x416xf32>
    %div3A_188 = vector.broadcast %sqrt3A : vector<1x416xf32> to vector<4096x416xf32>
    %div3A_189 = arith.divf %sub3A_185, %div3A_188 : vector<4096x416xf32>
    %dot_general3A = arith.constant dense<0.000000e+00> : vector<4096x256xf32>
    %dot_general3A_190 = tpu.matmul %div3A_189, %get3A_1, %dot_general3A {dimension_numbers = #tpu.dot_dimension_numbers<[1], [0], [0], [1], [0, 0, 1, 1], [], []>, transpose_lhs_hint = false} : vector<4096x416xf32>, vector<416x256xf32>, vector<4096x256xf32> -> vector<4096x256xf32>
    %add3A_191 = vector.broadcast %get3A_4 : vector<1x256xf32> to vector<4096x256xf32>
    %add3A_192 = arith.addf %dot_general3A_190, %add3A_191 : vector<4096x256xf32>
    %reduce_sum3A_193 = arith.constant dense<0.000000e+00> : vector<256xf32>
    %reduce_sum3A_194 = vector.multi_reduction <add>, %add3A_192, %reduce_sum3A_193 [0] : vector<4096x256xf32> to vector<256xf32>
    %broadcast_in_dim3A_195 = vector.shape_cast %reduce_sum3A_194 : vector<256xf32> to vector<1x256xf32>
    %div3A_196 = arith.constant 4.096000e+03 : f32
    %div3A_197 = vector.broadcast %div3A_196 : f32 to vector<1x256xf32>
    %div3A_198 = arith.divf %broadcast_in_dim3A_195, %div3A_197 : vector<1x256xf32>
    %jit3A_199 = arith.constant 0 : i32
    %reduce_sum3A_200 = arith.constant dense<0.000000e+00> : vector<256xf32>
    %reduce_sum3A_201 = vector.multi_reduction <add>, %add3A_192, %reduce_sum3A_200 [0] : vector<4096x256xf32> to vector<256xf32>
    %broadcast_in_dim3A_202 = vector.shape_cast %reduce_sum3A_201 : vector<256xf32> to vector<1x256xf32>
    %div3A_203 = arith.constant 4.096000e+03 : f32
    %div3A_204 = vector.broadcast %div3A_203 : f32 to vector<1x256xf32>
    %div3A_205 = arith.divf %broadcast_in_dim3A_202, %div3A_204 : vector<1x256xf32>
    %sub3A_206 = vector.broadcast %div3A_205 : vector<1x256xf32> to vector<4096x256xf32>
    %sub3A_207 = arith.subf %add3A_192, %sub3A_206 : vector<4096x256xf32>
    %square3A_208 = arith.mulf %sub3A_207, %sub3A_207 : vector<4096x256xf32>
    %convert_element_type3A_209 = arith.sitofp %jit3A_199 : i32 to f32
    %sub3A_210 = arith.constant 4.096000e+03 : f32
    %sub3A_211 = arith.subf %sub3A_210, %convert_element_type3A_209 : f32
    %reduce_sum3A_212 = arith.constant dense<0.000000e+00> : vector<256xf32>
    %reduce_sum3A_213 = vector.multi_reduction <add>, %square3A_208, %reduce_sum3A_212 [0] : vector<4096x256xf32> to vector<256xf32>
    %broadcast_in_dim3A_214 = vector.shape_cast %reduce_sum3A_213 : vector<256xf32> to vector<1x256xf32>
    %div3A_215 = vector.broadcast %sub3A_211 : f32 to vector<1x256xf32>
    %div3A_216 = arith.divf %broadcast_in_dim3A_214, %div3A_215 : vector<1x256xf32>
    %gt3A_217 = arith.constant 0.000000e+00 : f32
    %gt3A_218 = arith.cmpf ogt, %sub3A_211, %gt3A_217 : f32
    %jit3A_219 = arith.constant 0x7FC00000 : f32
    %broadcast_in_dim3A_220 = vector.broadcast %jit3A_219 : f32 to vector<1x256xf32>
    %select_n3A_221 = arith.select %gt3A_218, %div3A_216, %broadcast_in_dim3A_220 : vector<1x256xf32>
    %sub3A_222 = vector.broadcast %div3A_198 : vector<1x256xf32> to vector<4096x256xf32>
    %sub3A_223 = arith.subf %add3A_192, %sub3A_222 : vector<4096x256xf32>
    %add3A_224 = arith.constant 9.99999974E-6 : f32
    %add3A_225 = vector.broadcast %add3A_224 : f32 to vector<1x256xf32>
    %add3A_226 = arith.addf %select_n3A_221, %add3A_225 : vector<1x256xf32>
    %sqrt3A_227 = math.sqrt %add3A_226 : vector<1x256xf32>
    %div3A_228 = vector.broadcast %sqrt3A_227 : vector<1x256xf32> to vector<4096x256xf32>
    %div3A_229 = arith.divf %sub3A_223, %div3A_228 : vector<4096x256xf32>
    %max3A = arith.constant 0.000000e+00 : f32
    %max3A_230 = vector.broadcast %max3A : f32 to vector<4096x256xf32>
    %max3A_231 = arith.maximumf %div3A_229, %max3A_230 : vector<4096x256xf32>
    %dot_general3A_232 = arith.constant dense<0.000000e+00> : vector<4096x128xf32>
    %dot_general3A_233 = tpu.matmul %max3A_231, %get3A_7, %dot_general3A_232 {dimension_numbers = #tpu.dot_dimension_numbers<[1], [0], [0], [1], [0, 0, 1, 1], [], []>, transpose_lhs_hint = false} : vector<4096x256xf32>, vector<256x128xf32>, vector<4096x128xf32> -> vector<4096x128xf32>
    %add3A_234 = vector.broadcast %get3A_10 : vector<1x128xf32> to vector<4096x128xf32>
    %add3A_235 = arith.addf %dot_general3A_233, %add3A_234 : vector<4096x128xf32>
    %reduce_sum3A_236 = arith.constant dense<0.000000e+00> : vector<128xf32>
    %reduce_sum3A_237 = vector.multi_reduction <add>, %add3A_235, %reduce_sum3A_236 [0] : vector<4096x128xf32> to vector<128xf32>
    %broadcast_in_dim3A_238 = vector.shape_cast %reduce_sum3A_237 : vector<128xf32> to vector<1x128xf32>
    %div3A_239 = arith.constant 4.096000e+03 : f32
    %div3A_240 = vector.broadcast %div3A_239 : f32 to vector<1x128xf32>
    %div3A_241 = arith.divf %broadcast_in_dim3A_238, %div3A_240 : vector<1x128xf32>
    %jit3A_242 = arith.constant 0 : i32
    %reduce_sum3A_243 = arith.constant dense<0.000000e+00> : vector<128xf32>
    %reduce_sum3A_244 = vector.multi_reduction <add>, %add3A_235, %reduce_sum3A_243 [0] : vector<4096x128xf32> to vector<128xf32>
    %broadcast_in_dim3A_245 = vector.shape_cast %reduce_sum3A_244 : vector<128xf32> to vector<1x128xf32>
    %div3A_246 = arith.constant 4.096000e+03 : f32
    %div3A_247 = vector.broadcast %div3A_246 : f32 to vector<1x128xf32>
    %div3A_248 = arith.divf %broadcast_in_dim3A_245, %div3A_247 : vector<1x128xf32>
    %sub3A_249 = vector.broadcast %div3A_248 : vector<1x128xf32> to vector<4096x128xf32>
    %sub3A_250 = arith.subf %add3A_235, %sub3A_249 : vector<4096x128xf32>
    %square3A_251 = arith.mulf %sub3A_250, %sub3A_250 : vector<4096x128xf32>
    %convert_element_type3A_252 = arith.sitofp %jit3A_242 : i32 to f32
    %sub3A_253 = arith.constant 4.096000e+03 : f32
    %sub3A_254 = arith.subf %sub3A_253, %convert_element_type3A_252 : f32
    %reduce_sum3A_255 = arith.constant dense<0.000000e+00> : vector<128xf32>
    %reduce_sum3A_256 = vector.multi_reduction <add>, %square3A_251, %reduce_sum3A_255 [0] : vector<4096x128xf32> to vector<128xf32>
    %broadcast_in_dim3A_257 = vector.shape_cast %reduce_sum3A_256 : vector<128xf32> to vector<1x128xf32>
    %div3A_258 = vector.broadcast %sub3A_254 : f32 to vector<1x128xf32>
    %div3A_259 = arith.divf %broadcast_in_dim3A_257, %div3A_258 : vector<1x128xf32>
    %gt3A_260 = arith.constant 0.000000e+00 : f32
    %gt3A_261 = arith.cmpf ogt, %sub3A_254, %gt3A_260 : f32
    %jit3A_262 = arith.constant 0x7FC00000 : f32
    %broadcast_in_dim3A_263 = vector.broadcast %jit3A_262 : f32 to vector<1x128xf32>
    %select_n3A_264 = arith.select %gt3A_261, %div3A_259, %broadcast_in_dim3A_263 : vector<1x128xf32>
    %sub3A_265 = vector.broadcast %div3A_241 : vector<1x128xf32> to vector<4096x128xf32>
    %sub3A_266 = arith.subf %add3A_235, %sub3A_265 : vector<4096x128xf32>
    %add3A_267 = arith.constant 9.99999974E-6 : f32
    %add3A_268 = vector.broadcast %add3A_267 : f32 to vector<1x128xf32>
    %add3A_269 = arith.addf %select_n3A_264, %add3A_268 : vector<1x128xf32>
    %sqrt3A_270 = math.sqrt %add3A_269 : vector<1x128xf32>
    %div3A_271 = vector.broadcast %sqrt3A_270 : vector<1x128xf32> to vector<4096x128xf32>
    %div3A_272 = arith.divf %sub3A_266, %div3A_271 : vector<4096x128xf32>
    %max3A_273 = arith.constant 0.000000e+00 : f32
    %max3A_274 = vector.broadcast %max3A_273 : f32 to vector<4096x128xf32>
    %max3A_275 = arith.maximumf %div3A_272, %max3A_274 : vector<4096x128xf32>
    %reduce_sum3A_276 = arith.constant dense<0.000000e+00> : vector<128xf32>
    %reduce_sum3A_277 = vector.multi_reduction <add>, %max3A_275, %reduce_sum3A_276 [0] : vector<4096x128xf32> to vector<128xf32>
    %broadcast_in_dim3A_278 = vector.shape_cast %reduce_sum3A_277 : vector<128xf32> to vector<1x128xf32>
    %div3A_279 = arith.constant 4.096000e+03 : f32
    %div3A_280 = vector.broadcast %div3A_279 : f32 to vector<1x128xf32>
    %div3A_281 = arith.divf %broadcast_in_dim3A_278, %div3A_280 : vector<1x128xf32>
    %jit3A_282 = arith.constant 0 : i32
    %reduce_sum3A_283 = arith.constant dense<0.000000e+00> : vector<128xf32>
    %reduce_sum3A_284 = vector.multi_reduction <add>, %max3A_275, %reduce_sum3A_283 [0] : vector<4096x128xf32> to vector<128xf32>
    %broadcast_in_dim3A_285 = vector.shape_cast %reduce_sum3A_284 : vector<128xf32> to vector<1x128xf32>
    %div3A_286 = arith.constant 4.096000e+03 : f32
    %div3A_287 = vector.broadcast %div3A_286 : f32 to vector<1x128xf32>
    %div3A_288 = arith.divf %broadcast_in_dim3A_285, %div3A_287 : vector<1x128xf32>
    %sub3A_289 = vector.broadcast %div3A_288 : vector<1x128xf32> to vector<4096x128xf32>
    %sub3A_290 = arith.subf %max3A_275, %sub3A_289 : vector<4096x128xf32>
    %square3A_291 = arith.mulf %sub3A_290, %sub3A_290 : vector<4096x128xf32>
    %convert_element_type3A_292 = arith.sitofp %jit3A_282 : i32 to f32
    %sub3A_293 = arith.constant 4.096000e+03 : f32
    %sub3A_294 = arith.subf %sub3A_293, %convert_element_type3A_292 : f32
    %reduce_sum3A_295 = arith.constant dense<0.000000e+00> : vector<128xf32>
    %reduce_sum3A_296 = vector.multi_reduction <add>, %square3A_291, %reduce_sum3A_295 [0] : vector<4096x128xf32> to vector<128xf32>
    %broadcast_in_dim3A_297 = vector.shape_cast %reduce_sum3A_296 : vector<128xf32> to vector<1x128xf32>
    %div3A_298 = vector.broadcast %sub3A_294 : f32 to vector<1x128xf32>
    %div3A_299 = arith.divf %broadcast_in_dim3A_297, %div3A_298 : vector<1x128xf32>
    %gt3A_300 = arith.constant 0.000000e+00 : f32
    %gt3A_301 = arith.cmpf ogt, %sub3A_294, %gt3A_300 : f32
    %jit3A_302 = arith.constant 0x7FC00000 : f32
    %broadcast_in_dim3A_303 = vector.broadcast %jit3A_302 : f32 to vector<1x128xf32>
    %select_n3A_304 = arith.select %gt3A_301, %div3A_299, %broadcast_in_dim3A_303 : vector<1x128xf32>
    %sub3A_305 = vector.broadcast %div3A_281 : vector<1x128xf32> to vector<4096x128xf32>
    %sub3A_306 = arith.subf %max3A_275, %sub3A_305 : vector<4096x128xf32>
    %add3A_307 = arith.constant 9.99999974E-6 : f32
    %add3A_308 = vector.broadcast %add3A_307 : f32 to vector<1x128xf32>
    %add3A_309 = arith.addf %select_n3A_304, %add3A_308 : vector<1x128xf32>
    %sqrt3A_310 = math.sqrt %add3A_309 : vector<1x128xf32>
    %div3A_311 = vector.broadcast %sqrt3A_310 : vector<1x128xf32> to vector<4096x128xf32>
    %div3A_312 = arith.divf %sub3A_306, %div3A_311 : vector<4096x128xf32>
    %dot_general3A_313 = arith.constant dense<0.000000e+00> : vector<4096x64xf32>
    %dot_general3A_314 = tpu.matmul %div3A_312, %get3A_13, %dot_general3A_313 {dimension_numbers = #tpu.dot_dimension_numbers<[1], [0], [0], [1], [0, 0, 1, 1], [], []>, transpose_lhs_hint = false} : vector<4096x128xf32>, vector<128x64xf32>, vector<4096x64xf32> -> vector<4096x64xf32>
    %add3A_315 = vector.broadcast %get3A_16 : vector<1x64xf32> to vector<4096x64xf32>
    %add3A_316 = arith.addf %dot_general3A_314, %add3A_315 : vector<4096x64xf32>
    %reduce_sum3A_317 = arith.constant dense<0.000000e+00> : vector<64xf32>
    %reduce_sum3A_318 = vector.multi_reduction <add>, %add3A_316, %reduce_sum3A_317 [0] : vector<4096x64xf32> to vector<64xf32>
    %broadcast_in_dim3A_319 = vector.shape_cast %reduce_sum3A_318 : vector<64xf32> to vector<1x64xf32>
    %div3A_320 = arith.constant 4.096000e+03 : f32
    %div3A_321 = vector.broadcast %div3A_320 : f32 to vector<1x64xf32>
    %div3A_322 = arith.divf %broadcast_in_dim3A_319, %div3A_321 : vector<1x64xf32>
    %jit3A_323 = arith.constant 0 : i32
    %reduce_sum3A_324 = arith.constant dense<0.000000e+00> : vector<64xf32>
    %reduce_sum3A_325 = vector.multi_reduction <add>, %add3A_316, %reduce_sum3A_324 [0] : vector<4096x64xf32> to vector<64xf32>
    %broadcast_in_dim3A_326 = vector.shape_cast %reduce_sum3A_325 : vector<64xf32> to vector<1x64xf32>
    %div3A_327 = arith.constant 4.096000e+03 : f32
    %div3A_328 = vector.broadcast %div3A_327 : f32 to vector<1x64xf32>
    %div3A_329 = arith.divf %broadcast_in_dim3A_326, %div3A_328 : vector<1x64xf32>
    %sub3A_330 = vector.broadcast %div3A_329 : vector<1x64xf32> to vector<4096x64xf32>
    %sub3A_331 = arith.subf %add3A_316, %sub3A_330 : vector<4096x64xf32>
    %square3A_332 = arith.mulf %sub3A_331, %sub3A_331 : vector<4096x64xf32>
    %convert_element_type3A_333 = arith.sitofp %jit3A_323 : i32 to f32
    %sub3A_334 = arith.constant 4.096000e+03 : f32
    %sub3A_335 = arith.subf %sub3A_334, %convert_element_type3A_333 : f32
    %reduce_sum3A_336 = arith.constant dense<0.000000e+00> : vector<64xf32>
    %reduce_sum3A_337 = vector.multi_reduction <add>, %square3A_332, %reduce_sum3A_336 [0] : vector<4096x64xf32> to vector<64xf32>
    %broadcast_in_dim3A_338 = vector.shape_cast %reduce_sum3A_337 : vector<64xf32> to vector<1x64xf32>
    %div3A_339 = vector.broadcast %sub3A_335 : f32 to vector<1x64xf32>
    %div3A_340 = arith.divf %broadcast_in_dim3A_338, %div3A_339 : vector<1x64xf32>
    %gt3A_341 = arith.constant 0.000000e+00 : f32
    %gt3A_342 = arith.cmpf ogt, %sub3A_335, %gt3A_341 : f32
    %jit3A_343 = arith.constant 0x7FC00000 : f32
    %broadcast_in_dim3A_344 = vector.broadcast %jit3A_343 : f32 to vector<1x64xf32>
    %select_n3A_345 = arith.select %gt3A_342, %div3A_340, %broadcast_in_dim3A_344 : vector<1x64xf32>
    %sub3A_346 = vector.broadcast %div3A_322 : vector<1x64xf32> to vector<4096x64xf32>
    %sub3A_347 = arith.subf %add3A_316, %sub3A_346 : vector<4096x64xf32>
    %add3A_348 = arith.constant 9.99999974E-6 : f32
    %add3A_349 = vector.broadcast %add3A_348 : f32 to vector<1x64xf32>
    %add3A_350 = arith.addf %select_n3A_345, %add3A_349 : vector<1x64xf32>
    %sqrt3A_351 = math.sqrt %add3A_350 : vector<1x64xf32>
    %div3A_352 = vector.broadcast %sqrt3A_351 : vector<1x64xf32> to vector<4096x64xf32>
    %div3A_353 = arith.divf %sub3A_347, %div3A_352 : vector<4096x64xf32>
    %max3A_354 = arith.constant 0.000000e+00 : f32
    %max3A_355 = vector.broadcast %max3A_354 : f32 to vector<4096x64xf32>
    %max3A_356 = arith.maximumf %div3A_353, %max3A_355 : vector<4096x64xf32>
    %dot_general3A_357 = arith.constant dense<0.000000e+00> : vector<4096x32xf32>
    %dot_general3A_358 = tpu.matmul %max3A_356, %get3A_19, %dot_general3A_357 {dimension_numbers = #tpu.dot_dimension_numbers<[1], [0], [0], [1], [0, 0, 1, 1], [], []>, transpose_lhs_hint = false} : vector<4096x64xf32>, vector<64x32xf32>, vector<4096x32xf32> -> vector<4096x32xf32>
    %add3A_359 = vector.broadcast %get3A_22 : vector<1x32xf32> to vector<4096x32xf32>
    %add3A_360 = arith.addf %dot_general3A_358, %add3A_359 : vector<4096x32xf32>
    %reduce_sum3A_361 = arith.constant dense<0.000000e+00> : vector<32xf32>
    %reduce_sum3A_362 = vector.multi_reduction <add>, %add3A_360, %reduce_sum3A_361 [0] : vector<4096x32xf32> to vector<32xf32>
    %broadcast_in_dim3A_363 = vector.shape_cast %reduce_sum3A_362 : vector<32xf32> to vector<1x32xf32>
    %div3A_364 = arith.constant 4.096000e+03 : f32
    %div3A_365 = vector.broadcast %div3A_364 : f32 to vector<1x32xf32>
    %div3A_366 = arith.divf %broadcast_in_dim3A_363, %div3A_365 : vector<1x32xf32>
    %jit3A_367 = arith.constant 0 : i32
    %reduce_sum3A_368 = arith.constant dense<0.000000e+00> : vector<32xf32>
    %reduce_sum3A_369 = vector.multi_reduction <add>, %add3A_360, %reduce_sum3A_368 [0] : vector<4096x32xf32> to vector<32xf32>
    %broadcast_in_dim3A_370 = vector.shape_cast %reduce_sum3A_369 : vector<32xf32> to vector<1x32xf32>
    %div3A_371 = arith.constant 4.096000e+03 : f32
    %div3A_372 = vector.broadcast %div3A_371 : f32 to vector<1x32xf32>
    %div3A_373 = arith.divf %broadcast_in_dim3A_370, %div3A_372 : vector<1x32xf32>
    %sub3A_374 = vector.broadcast %div3A_373 : vector<1x32xf32> to vector<4096x32xf32>
    %sub3A_375 = arith.subf %add3A_360, %sub3A_374 : vector<4096x32xf32>
    %square3A_376 = arith.mulf %sub3A_375, %sub3A_375 : vector<4096x32xf32>
    %convert_element_type3A_377 = arith.sitofp %jit3A_367 : i32 to f32
    %sub3A_378 = arith.constant 4.096000e+03 : f32
    %sub3A_379 = arith.subf %sub3A_378, %convert_element_type3A_377 : f32
    %reduce_sum3A_380 = arith.constant dense<0.000000e+00> : vector<32xf32>
    %reduce_sum3A_381 = vector.multi_reduction <add>, %square3A_376, %reduce_sum3A_380 [0] : vector<4096x32xf32> to vector<32xf32>
    %broadcast_in_dim3A_382 = vector.shape_cast %reduce_sum3A_381 : vector<32xf32> to vector<1x32xf32>
    %div3A_383 = vector.broadcast %sub3A_379 : f32 to vector<1x32xf32>
    %div3A_384 = arith.divf %broadcast_in_dim3A_382, %div3A_383 : vector<1x32xf32>
    %gt3A_385 = arith.constant 0.000000e+00 : f32
    %gt3A_386 = arith.cmpf ogt, %sub3A_379, %gt3A_385 : f32
    %jit3A_387 = arith.constant 0x7FC00000 : f32
    %broadcast_in_dim3A_388 = vector.broadcast %jit3A_387 : f32 to vector<1x32xf32>
    %select_n3A_389 = arith.select %gt3A_386, %div3A_384, %broadcast_in_dim3A_388 : vector<1x32xf32>
    %sub3A_390 = vector.broadcast %div3A_366 : vector<1x32xf32> to vector<4096x32xf32>
    %sub3A_391 = arith.subf %add3A_360, %sub3A_390 : vector<4096x32xf32>
    %add3A_392 = arith.constant 9.99999974E-6 : f32
    %add3A_393 = vector.broadcast %add3A_392 : f32 to vector<1x32xf32>
    %add3A_394 = arith.addf %select_n3A_389, %add3A_393 : vector<1x32xf32>
    %sqrt3A_395 = math.sqrt %add3A_394 : vector<1x32xf32>
    %div3A_396 = vector.broadcast %sqrt3A_395 : vector<1x32xf32> to vector<4096x32xf32>
    %div3A_397 = arith.divf %sub3A_391, %div3A_396 : vector<4096x32xf32>
    %max3A_398 = arith.constant 0.000000e+00 : f32
    %max3A_399 = vector.broadcast %max3A_398 : f32 to vector<4096x32xf32>
    %max3A_400 = arith.maximumf %div3A_397, %max3A_399 : vector<4096x32xf32>
    %dot_general3A_401 = arith.constant dense<0.000000e+00> : vector<4096x1xf32>
    %dot_general3A_402 = tpu.matmul %max3A_400, %get3A_25, %dot_general3A_401 {dimension_numbers = #tpu.dot_dimension_numbers<[1], [0], [0], [1], [0, 0, 1, 1], [], []>, transpose_lhs_hint = false} : vector<4096x32xf32>, vector<32x1xf32>, vector<4096x1xf32> -> vector<4096x1xf32>
    %add3A_403 = vector.broadcast %get3A_28 : vector<1x1xf32> to vector<4096x1xf32>
    %add3A_404 = arith.addf %dot_general3A_402, %add3A_403 : vector<4096x1xf32>
    %reduce_sum3A_405 = arith.constant dense<0.000000e+00> : vector<1xf32>
    %reduce_sum3A_406 = vector.multi_reduction <add>, %add3A_404, %reduce_sum3A_405 [0] : vector<4096x1xf32> to vector<1xf32>
    %broadcast_in_dim3A_407 = vector.shape_cast %reduce_sum3A_406 : vector<1xf32> to vector<1x1xf32>
    %div3A_408 = arith.constant 4.096000e+03 : f32
    %div3A_409 = vector.broadcast %div3A_408 : f32 to vector<1x1xf32>
    %div3A_410 = arith.divf %broadcast_in_dim3A_407, %div3A_409 : vector<1x1xf32>
    %jit3A_411 = arith.constant 0 : i32
    %reduce_sum3A_412 = arith.constant dense<0.000000e+00> : vector<1xf32>
    %reduce_sum3A_413 = vector.multi_reduction <add>, %add3A_404, %reduce_sum3A_412 [0] : vector<4096x1xf32> to vector<1xf32>
    %broadcast_in_dim3A_414 = vector.shape_cast %reduce_sum3A_413 : vector<1xf32> to vector<1x1xf32>
    %div3A_415 = arith.constant 4.096000e+03 : f32
    %div3A_416 = vector.broadcast %div3A_415 : f32 to vector<1x1xf32>
    %div3A_417 = arith.divf %broadcast_in_dim3A_414, %div3A_416 : vector<1x1xf32>
    %sub3A_418 = vector.broadcast %div3A_417 : vector<1x1xf32> to vector<4096x1xf32>
    %sub3A_419 = arith.subf %add3A_404, %sub3A_418 : vector<4096x1xf32>
    %square3A_420 = arith.mulf %sub3A_419, %sub3A_419 : vector<4096x1xf32>
    %convert_element_type3A_421 = arith.sitofp %jit3A_411 : i32 to f32
    %sub3A_422 = arith.constant 4.096000e+03 : f32
    %sub3A_423 = arith.subf %sub3A_422, %convert_element_type3A_421 : f32
    %reduce_sum3A_424 = arith.constant dense<0.000000e+00> : vector<1xf32>
    %reduce_sum3A_425 = vector.multi_reduction <add>, %square3A_420, %reduce_sum3A_424 [0] : vector<4096x1xf32> to vector<1xf32>
    %broadcast_in_dim3A_426 = vector.shape_cast %reduce_sum3A_425 : vector<1xf32> to vector<1x1xf32>
    %div3A_427 = vector.broadcast %sub3A_423 : f32 to vector<1x1xf32>
    %div3A_428 = arith.divf %broadcast_in_dim3A_426, %div3A_427 : vector<1x1xf32>
    %gt3A_429 = arith.constant 0.000000e+00 : f32
    %gt3A_430 = arith.cmpf ogt, %sub3A_423, %gt3A_429 : f32
    %jit3A_431 = arith.constant 0x7FC00000 : f32
    %broadcast_in_dim3A_432 = vector.broadcast %jit3A_431 : f32 to vector<1x1xf32>
    %select_n3A_433 = arith.select %gt3A_430, %div3A_428, %broadcast_in_dim3A_432 : vector<1x1xf32>
    %sub3A_434 = vector.broadcast %div3A_410 : vector<1x1xf32> to vector<4096x1xf32>
    %sub3A_435 = arith.subf %add3A_404, %sub3A_434 : vector<4096x1xf32>
    %add3A_436 = arith.constant 9.99999974E-6 : f32
    %add3A_437 = vector.broadcast %add3A_436 : f32 to vector<1x1xf32>
    %add3A_438 = arith.addf %select_n3A_433, %add3A_437 : vector<1x1xf32>
    %sqrt3A_439 = math.sqrt %add3A_438 : vector<1x1xf32>
    %div3A_440 = vector.broadcast %sqrt3A_439 : vector<1x1xf32> to vector<4096x1xf32>
    %div3A_441 = arith.divf %sub3A_435, %div3A_440 : vector<4096x1xf32>
    %logistic3A = arith.negf %div3A_441 : vector<4096x1xf32>
    %logistic3A_442 = math.exp %logistic3A : vector<4096x1xf32>
    %logistic3A_443 = arith.constant 1.000000e+00 : f32
    %logistic3A_444 = vector.broadcast %logistic3A_443 : f32 to vector<4096x1xf32>
    %logistic3A_445 = arith.addf %logistic3A_444, %logistic3A_442 : vector<4096x1xf32>
    %logistic3A_446 = arith.divf %logistic3A_444, %logistic3A_445 : vector<4096x1xf32>
    %swap3A = arith.constant 0 : index
    %swap3A_447 = arith.constant 0 : index
    %swap3A_448 = vector.load %arg55[%swap3A, %swap3A_447] : memref<4096x1xf32, #tpu.memory_space<vmem>>, vector<4096x1xf32>
    tpu.vector_store %arg55[%swap3A, %swap3A_447], %logistic3A_446 {strides = array<i32>} : memref<4096x1xf32, #tpu.memory_space<vmem>>, vector<4096x1xf32>,
    %dot_general3A_449 = arith.constant dense<0.000000e+00> : vector<4096x64xf32>
    %dot_general3A_450 = tpu.matmul %div3A_312, %get3A_31, %dot_general3A_449 {dimension_numbers = #tpu.dot_dimension_numbers<[1], [0], [0], [1], [0, 0, 1, 1], [], []>, transpose_lhs_hint = false} : vector<4096x128xf32>, vector<128x64xf32>, vector<4096x64xf32> -> vector<4096x64xf32>
    %add3A_451 = vector.broadcast %get3A_34 : vector<1x64xf32> to vector<4096x64xf32>
    %add3A_452 = arith.addf %dot_general3A_450, %add3A_451 : vector<4096x64xf32>
    %reduce_sum3A_453 = arith.constant dense<0.000000e+00> : vector<64xf32>
    %reduce_sum3A_454 = vector.multi_reduction <add>, %add3A_452, %reduce_sum3A_453 [0] : vector<4096x64xf32> to vector<64xf32>
    %broadcast_in_dim3A_455 = vector.shape_cast %reduce_sum3A_454 : vector<64xf32> to vector<1x64xf32>
    %div3A_456 = arith.constant 4.096000e+03 : f32
    %div3A_457 = vector.broadcast %div3A_456 : f32 to vector<1x64xf32>
    %div3A_458 = arith.divf %broadcast_in_dim3A_455, %div3A_457 : vector<1x64xf32>
    %jit3A_459 = arith.constant 0 : i32
    %reduce_sum3A_460 = arith.constant dense<0.000000e+00> : vector<64xf32>
    %reduce_sum3A_461 = vector.multi_reduction <add>, %add3A_452, %reduce_sum3A_460 [0] : vector<4096x64xf32> to vector<64xf32>
    %broadcast_in_dim3A_462 = vector.shape_cast %reduce_sum3A_461 : vector<64xf32> to vector<1x64xf32>
    %div3A_463 = arith.constant 4.096000e+03 : f32
    %div3A_464 = vector.broadcast %div3A_463 : f32 to vector<1x64xf32>
    %div3A_465 = arith.divf %broadcast_in_dim3A_462, %div3A_464 : vector<1x64xf32>
    %sub3A_466 = vector.broadcast %div3A_465 : vector<1x64xf32> to vector<4096x64xf32>
    %sub3A_467 = arith.subf %add3A_452, %sub3A_466 : vector<4096x64xf32>
    %square3A_468 = arith.mulf %sub3A_467, %sub3A_467 : vector<4096x64xf32>
    %convert_element_type3A_469 = arith.sitofp %jit3A_459 : i32 to f32
    %sub3A_470 = arith.constant 4.096000e+03 : f32
    %sub3A_471 = arith.subf %sub3A_470, %convert_element_type3A_469 : f32
    %reduce_sum3A_472 = arith.constant dense<0.000000e+00> : vector<64xf32>
    %reduce_sum3A_473 = vector.multi_reduction <add>, %square3A_468, %reduce_sum3A_472 [0] : vector<4096x64xf32> to vector<64xf32>
    %broadcast_in_dim3A_474 = vector.shape_cast %reduce_sum3A_473 : vector<64xf32> to vector<1x64xf32>
    %div3A_475 = vector.broadcast %sub3A_471 : f32 to vector<1x64xf32>
    %div3A_476 = arith.divf %broadcast_in_dim3A_474, %div3A_475 : vector<1x64xf32>
    %gt3A_477 = arith.constant 0.000000e+00 : f32
    %gt3A_478 = arith.cmpf ogt, %sub3A_471, %gt3A_477 : f32
    %jit3A_479 = arith.constant 0x7FC00000 : f32
    %broadcast_in_dim3A_480 = vector.broadcast %jit3A_479 : f32 to vector<1x64xf32>
    %select_n3A_481 = arith.select %gt3A_478, %div3A_476, %broadcast_in_dim3A_480 : vector<1x64xf32>
    %sub3A_482 = vector.broadcast %div3A_458 : vector<1x64xf32> to vector<4096x64xf32>
    %sub3A_483 = arith.subf %add3A_452, %sub3A_482 : vector<4096x64xf32>
    %add3A_484 = arith.constant 9.99999974E-6 : f32
    %add3A_485 = vector.broadcast %add3A_484 : f32 to vector<1x64xf32>
    %add3A_486 = arith.addf %select_n3A_481, %add3A_485 : vector<1x64xf32>
    %sqrt3A_487 = math.sqrt %add3A_486 : vector<1x64xf32>
    %div3A_488 = vector.broadcast %sqrt3A_487 : vector<1x64xf32> to vector<4096x64xf32>
    %div3A_489 = arith.divf %sub3A_483, %div3A_488 : vector<4096x64xf32>
    %max3A_490 = arith.constant 0.000000e+00 : f32
    %max3A_491 = vector.broadcast %max3A_490 : f32 to vector<4096x64xf32>
    %max3A_492 = arith.maximumf %div3A_489, %max3A_491 : vector<4096x64xf32>
    %dot_general3A_493 = arith.constant dense<0.000000e+00> : vector<4096x32xf32>
    %dot_general3A_494 = tpu.matmul %max3A_492, %get3A_37, %dot_general3A_493 {dimension_numbers = #tpu.dot_dimension_numbers<[1], [0], [0], [1], [0, 0, 1, 1], [], []>, transpose_lhs_hint = false} : vector<4096x64xf32>, vector<64x32xf32>, vector<4096x32xf32> -> vector<4096x32xf32>
    %add3A_495 = vector.broadcast %get3A_40 : vector<1x32xf32> to vector<4096x32xf32>
    %add3A_496 = arith.addf %dot_general3A_494, %add3A_495 : vector<4096x32xf32>
    %reduce_sum3A_497 = arith.constant dense<0.000000e+00> : vector<32xf32>
    %reduce_sum3A_498 = vector.multi_reduction <add>, %add3A_496, %reduce_sum3A_497 [0] : vector<4096x32xf32> to vector<32xf32>
    %broadcast_in_dim3A_499 = vector.shape_cast %reduce_sum3A_498 : vector<32xf32> to vector<1x32xf32>
    %div3A_500 = arith.constant 4.096000e+03 : f32
    %div3A_501 = vector.broadcast %div3A_500 : f32 to vector<1x32xf32>
    %div3A_502 = arith.divf %broadcast_in_dim3A_499, %div3A_501 : vector<1x32xf32>
    %jit3A_503 = arith.constant 0 : i32
    %reduce_sum3A_504 = arith.constant dense<0.000000e+00> : vector<32xf32>
    %reduce_sum3A_505 = vector.multi_reduction <add>, %add3A_496, %reduce_sum3A_504 [0] : vector<4096x32xf32> to vector<32xf32>
    %broadcast_in_dim3A_506 = vector.shape_cast %reduce_sum3A_505 : vector<32xf32> to vector<1x32xf32>
    %div3A_507 = arith.constant 4.096000e+03 : f32
    %div3A_508 = vector.broadcast %div3A_507 : f32 to vector<1x32xf32>
    %div3A_509 = arith.divf %broadcast_in_dim3A_506, %div3A_508 : vector<1x32xf32>
    %sub3A_510 = vector.broadcast %div3A_509 : vector<1x32xf32> to vector<4096x32xf32>
    %sub3A_511 = arith.subf %add3A_496, %sub3A_510 : vector<4096x32xf32>
    %square3A_512 = arith.mulf %sub3A_511, %sub3A_511 : vector<4096x32xf32>
    %convert_element_type3A_513 = arith.sitofp %jit3A_503 : i32 to f32
    %sub3A_514 = arith.constant 4.096000e+03 : f32
    %sub3A_515 = arith.subf %sub3A_514, %convert_element_type3A_513 : f32
    %reduce_sum3A_516 = arith.constant dense<0.000000e+00> : vector<32xf32>
    %reduce_sum3A_517 = vector.multi_reduction <add>, %square3A_512, %reduce_sum3A_516 [0] : vector<4096x32xf32> to vector<32xf32>
    %broadcast_in_dim3A_518 = vector.shape_cast %reduce_sum3A_517 : vector<32xf32> to vector<1x32xf32>
    %div3A_519 = vector.broadcast %sub3A_515 : f32 to vector<1x32xf32>
    %div3A_520 = arith.divf %broadcast_in_dim3A_518, %div3A_519 : vector<1x32xf32>
    %gt3A_521 = arith.constant 0.000000e+00 : f32
    %gt3A_522 = arith.cmpf ogt, %sub3A_515, %gt3A_521 : f32
    %jit3A_523 = arith.constant 0x7FC00000 : f32
    %broadcast_in_dim3A_524 = vector.broadcast %jit3A_523 : f32 to vector<1x32xf32>
    %select_n3A_525 = arith.select %gt3A_522, %div3A_520, %broadcast_in_dim3A_524 : vector<1x32xf32>
    %sub3A_526 = vector.broadcast %div3A_502 : vector<1x32xf32> to vector<4096x32xf32>
    %sub3A_527 = arith.subf %add3A_496, %sub3A_526 : vector<4096x32xf32>
    %add3A_528 = arith.constant 9.99999974E-6 : f32
    %add3A_529 = vector.broadcast %add3A_528 : f32 to vector<1x32xf32>
    %add3A_530 = arith.addf %select_n3A_525, %add3A_529 : vector<1x32xf32>
    %sqrt3A_531 = math.sqrt %add3A_530 : vector<1x32xf32>
    %div3A_532 = vector.broadcast %sqrt3A_531 : vector<1x32xf32> to vector<4096x32xf32>
    %div3A_533 = arith.divf %sub3A_527, %div3A_532 : vector<4096x32xf32>
    %max3A_534 = arith.constant 0.000000e+00 : f32
    %max3A_535 = vector.broadcast %max3A_534 : f32 to vector<4096x32xf32>
    %max3A_536 = arith.maximumf %div3A_533, %max3A_535 : vector<4096x32xf32>
    %dot_general3A_537 = arith.constant dense<0.000000e+00> : vector<4096x1xf32>
    %dot_general3A_538 = tpu.matmul %max3A_536, %get3A_43, %dot_general3A_537 {dimension_numbers = #tpu.dot_dimension_numbers<[1], [0], [0], [1], [0, 0, 1, 1], [], []>, transpose_lhs_hint = false} : vector<4096x32xf32>, vector<32x1xf32>, vector<4096x1xf32> -> vector<4096x1xf32>
    %add3A_539 = vector.broadcast %get3A_46 : vector<1x1xf32> to vector<4096x1xf32>
    %add3A_540 = arith.addf %dot_general3A_538, %add3A_539 : vector<4096x1xf32>
    %reduce_sum3A_541 = arith.constant dense<0.000000e+00> : vector<1xf32>
    %reduce_sum3A_542 = vector.multi_reduction <add>, %add3A_540, %reduce_sum3A_541 [0] : vector<4096x1xf32> to vector<1xf32>
    %broadcast_in_dim3A_543 = vector.shape_cast %reduce_sum3A_542 : vector<1xf32> to vector<1x1xf32>
    %div3A_544 = arith.constant 4.096000e+03 : f32
    %div3A_545 = vector.broadcast %div3A_544 : f32 to vector<1x1xf32>
    %div3A_546 = arith.divf %broadcast_in_dim3A_543, %div3A_545 : vector<1x1xf32>
    %jit3A_547 = arith.constant 0 : i32
    %reduce_sum3A_548 = arith.constant dense<0.000000e+00> : vector<1xf32>
    %reduce_sum3A_549 = vector.multi_reduction <add>, %add3A_540, %reduce_sum3A_548 [0] : vector<4096x1xf32> to vector<1xf32>
    %broadcast_in_dim3A_550 = vector.shape_cast %reduce_sum3A_549 : vector<1xf32> to vector<1x1xf32>
    %div3A_551 = arith.constant 4.096000e+03 : f32
    %div3A_552 = vector.broadcast %div3A_551 : f32 to vector<1x1xf32>
    %div3A_553 = arith.divf %broadcast_in_dim3A_550, %div3A_552 : vector<1x1xf32>
    %sub3A_554 = vector.broadcast %div3A_553 : vector<1x1xf32> to vector<4096x1xf32>
    %sub3A_555 = arith.subf %add3A_540, %sub3A_554 : vector<4096x1xf32>
    %square3A_556 = arith.mulf %sub3A_555, %sub3A_555 : vector<4096x1xf32>
    %convert_element_type3A_557 = arith.sitofp %jit3A_547 : i32 to f32
    %sub3A_558 = arith.constant 4.096000e+03 : f32
    %sub3A_559 = arith.subf %sub3A_558, %convert_element_type3A_557 : f32
    %reduce_sum3A_560 = arith.constant dense<0.000000e+00> : vector<1xf32>
    %reduce_sum3A_561 = vector.multi_reduction <add>, %square3A_556, %reduce_sum3A_560 [0] : vector<4096x1xf32> to vector<1xf32>
    %broadcast_in_dim3A_562 = vector.shape_cast %reduce_sum3A_561 : vector<1xf32> to vector<1x1xf32>
    %div3A_563 = vector.broadcast %sub3A_559 : f32 to vector<1x1xf32>
    %div3A_564 = arith.divf %broadcast_in_dim3A_562, %div3A_563 : vector<1x1xf32>
    %gt3A_565 = arith.constant 0.000000e+00 : f32
    %gt3A_566 = arith.cmpf ogt, %sub3A_559, %gt3A_565 : f32
    %jit3A_567 = arith.constant 0x7FC00000 : f32
    %broadcast_in_dim3A_568 = vector.broadcast %jit3A_567 : f32 to vector<1x1xf32>
    %select_n3A_569 = arith.select %gt3A_566, %div3A_564, %broadcast_in_dim3A_568 : vector<1x1xf32>
    %sub3A_570 = vector.broadcast %div3A_546 : vector<1x1xf32> to vector<4096x1xf32>
    %sub3A_571 = arith.subf %add3A_540, %sub3A_570 : vector<4096x1xf32>
    %add3A_572 = arith.constant 9.99999974E-6 : f32
    %add3A_573 = vector.broadcast %add3A_572 : f32 to vector<1x1xf32>
    %add3A_574 = arith.addf %select_n3A_569, %add3A_573 : vector<1x1xf32>
    %sqrt3A_575 = math.sqrt %add3A_574 : vector<1x1xf32>
    %div3A_576 = vector.broadcast %sqrt3A_575 : vector<1x1xf32> to vector<4096x1xf32>
    %div3A_577 = arith.divf %sub3A_571, %div3A_576 : vector<4096x1xf32>
    %logistic3A_578 = arith.negf %div3A_577 : vector<4096x1xf32>
    %logistic3A_579 = math.exp %logistic3A_578 : vector<4096x1xf32>
    %logistic3A_580 = arith.constant 1.000000e+00 : f32
    %logistic3A_581 = vector.broadcast %logistic3A_580 : f32 to vector<4096x1xf32>
    %logistic3A_582 = arith.addf %logistic3A_581, %logistic3A_579 : vector<4096x1xf32>
    %logistic3A_583 = arith.divf %logistic3A_581, %logistic3A_582 : vector<4096x1xf32>
    %swap3A_584 = arith.constant 0 : index
    %swap3A_585 = arith.constant 0 : index
    %swap3A_586 = vector.load %arg56[%swap3A_584, %swap3A_585] : memref<4096x1xf32, #tpu.memory_space<vmem>>, vector<4096x1xf32>
    tpu.vector_store %arg56[%swap3A_584, %swap3A_585], %logistic3A_583 {strides = array<i32>} : memref<4096x1xf32, #tpu.memory_space<vmem>>, vector<4096x1xf32>,
    %dot_general3A_587 = arith.constant dense<0.000000e+00> : vector<4096x64xf32>
    %dot_general3A_588 = tpu.matmul %div3A_312, %get3A_49, %dot_general3A_587 {dimension_numbers = #tpu.dot_dimension_numbers<[1], [0], [0], [1], [0, 0, 1, 1], [], []>, transpose_lhs_hint = false} : vector<4096x128xf32>, vector<128x64xf32>, vector<4096x64xf32> -> vector<4096x64xf32>
    %add3A_589 = vector.broadcast %get3A_52 : vector<1x64xf32> to vector<4096x64xf32>
    %add3A_590 = arith.addf %dot_general3A_588, %add3A_589 : vector<4096x64xf32>
    %reduce_sum3A_591 = arith.constant dense<0.000000e+00> : vector<64xf32>
    %reduce_sum3A_592 = vector.multi_reduction <add>, %add3A_590, %reduce_sum3A_591 [0] : vector<4096x64xf32> to vector<64xf32>
    %broadcast_in_dim3A_593 = vector.shape_cast %reduce_sum3A_592 : vector<64xf32> to vector<1x64xf32>
    %div3A_594 = arith.constant 4.096000e+03 : f32
    %div3A_595 = vector.broadcast %div3A_594 : f32 to vector<1x64xf32>
    %div3A_596 = arith.divf %broadcast_in_dim3A_593, %div3A_595 : vector<1x64xf32>
    %jit3A_597 = arith.constant 0 : i32
    %reduce_sum3A_598 = arith.constant dense<0.000000e+00> : vector<64xf32>
    %reduce_sum3A_599 = vector.multi_reduction <add>, %add3A_590, %reduce_sum3A_598 [0] : vector<4096x64xf32> to vector<64xf32>
    %broadcast_in_dim3A_600 = vector.shape_cast %reduce_sum3A_599 : vector<64xf32> to vector<1x64xf32>
    %div3A_601 = arith.constant 4.096000e+03 : f32
    %div3A_602 = vector.broadcast %div3A_601 : f32 to vector<1x64xf32>
    %div3A_603 = arith.divf %broadcast_in_dim3A_600, %div3A_602 : vector<1x64xf32>
    %sub3A_604 = vector.broadcast %div3A_603 : vector<1x64xf32> to vector<4096x64xf32>
    %sub3A_605 = arith.subf %add3A_590, %sub3A_604 : vector<4096x64xf32>
    %square3A_606 = arith.mulf %sub3A_605, %sub3A_605 : vector<4096x64xf32>
    %convert_element_type3A_607 = arith.sitofp %jit3A_597 : i32 to f32
    %sub3A_608 = arith.constant 4.096000e+03 : f32
    %sub3A_609 = arith.subf %sub3A_608, %convert_element_type3A_607 : f32
    %reduce_sum3A_610 = arith.constant dense<0.000000e+00> : vector<64xf32>
    %reduce_sum3A_611 = vector.multi_reduction <add>, %square3A_606, %reduce_sum3A_610 [0] : vector<4096x64xf32> to vector<64xf32>
    %broadcast_in_dim3A_612 = vector.shape_cast %reduce_sum3A_611 : vector<64xf32> to vector<1x64xf32>
    %div3A_613 = vector.broadcast %sub3A_609 : f32 to vector<1x64xf32>
    %div3A_614 = arith.divf %broadcast_in_dim3A_612, %div3A_613 : vector<1x64xf32>
    %gt3A_615 = arith.constant 0.000000e+00 : f32
    %gt3A_616 = arith.cmpf ogt, %sub3A_609, %gt3A_615 : f32
    %jit3A_617 = arith.constant 0x7FC00000 : f32
    %broadcast_in_dim3A_618 = vector.broadcast %jit3A_617 : f32 to vector<1x64xf32>
    %select_n3A_619 = arith.select %gt3A_616, %div3A_614, %broadcast_in_dim3A_618 : vector<1x64xf32>
    %sub3A_620 = vector.broadcast %div3A_596 : vector<1x64xf32> to vector<4096x64xf32>
    %sub3A_621 = arith.subf %add3A_590, %sub3A_620 : vector<4096x64xf32>
    %add3A_622 = arith.constant 9.99999974E-6 : f32
    %add3A_623 = vector.broadcast %add3A_622 : f32 to vector<1x64xf32>
    %add3A_624 = arith.addf %select_n3A_619, %add3A_623 : vector<1x64xf32>
    %sqrt3A_625 = math.sqrt %add3A_624 : vector<1x64xf32>
    %div3A_626 = vector.broadcast %sqrt3A_625 : vector<1x64xf32> to vector<4096x64xf32>
    %div3A_627 = arith.divf %sub3A_621, %div3A_626 : vector<4096x64xf32>
    %max3A_628 = arith.constant 0.000000e+00 : f32
    %max3A_629 = vector.broadcast %max3A_628 : f32 to vector<4096x64xf32>
    %max3A_630 = arith.maximumf %div3A_627, %max3A_629 : vector<4096x64xf32>
    %dot_general3A_631 = arith.constant dense<0.000000e+00> : vector<4096x32xf32>
    %dot_general3A_632 = tpu.matmul %max3A_630, %get3A_55, %dot_general3A_631 {dimension_numbers = #tpu.dot_dimension_numbers<[1], [0], [0], [1], [0, 0, 1, 1], [], []>, transpose_lhs_hint = false} : vector<4096x64xf32>, vector<64x32xf32>, vector<4096x32xf32> -> vector<4096x32xf32>
    %add3A_633 = vector.broadcast %get3A_58 : vector<1x32xf32> to vector<4096x32xf32>
    %add3A_634 = arith.addf %dot_general3A_632, %add3A_633 : vector<4096x32xf32>
    %reduce_sum3A_635 = arith.constant dense<0.000000e+00> : vector<32xf32>
    %reduce_sum3A_636 = vector.multi_reduction <add>, %add3A_634, %reduce_sum3A_635 [0] : vector<4096x32xf32> to vector<32xf32>
    %broadcast_in_dim3A_637 = vector.shape_cast %reduce_sum3A_636 : vector<32xf32> to vector<1x32xf32>
    %div3A_638 = arith.constant 4.096000e+03 : f32
    %div3A_639 = vector.broadcast %div3A_638 : f32 to vector<1x32xf32>
    %div3A_640 = arith.divf %broadcast_in_dim3A_637, %div3A_639 : vector<1x32xf32>
    %jit3A_641 = arith.constant 0 : i32
    %reduce_sum3A_642 = arith.constant dense<0.000000e+00> : vector<32xf32>
    %reduce_sum3A_643 = vector.multi_reduction <add>, %add3A_634, %reduce_sum3A_642 [0] : vector<4096x32xf32> to vector<32xf32>
    %broadcast_in_dim3A_644 = vector.shape_cast %reduce_sum3A_643 : vector<32xf32> to vector<1x32xf32>
    %div3A_645 = arith.constant 4.096000e+03 : f32
    %div3A_646 = vector.broadcast %div3A_645 : f32 to vector<1x32xf32>
    %div3A_647 = arith.divf %broadcast_in_dim3A_644, %div3A_646 : vector<1x32xf32>
    %sub3A_648 = vector.broadcast %div3A_647 : vector<1x32xf32> to vector<4096x32xf32>
    %sub3A_649 = arith.subf %add3A_634, %sub3A_648 : vector<4096x32xf32>
    %square3A_650 = arith.mulf %sub3A_649, %sub3A_649 : vector<4096x32xf32>
    %convert_element_type3A_651 = arith.sitofp %jit3A_641 : i32 to f32
    %sub3A_652 = arith.constant 4.096000e+03 : f32
    %sub3A_653 = arith.subf %sub3A_652, %convert_element_type3A_651 : f32
    %reduce_sum3A_654 = arith.constant dense<0.000000e+00> : vector<32xf32>
    %reduce_sum3A_655 = vector.multi_reduction <add>, %square3A_650, %reduce_sum3A_654 [0] : vector<4096x32xf32> to vector<32xf32>
    %broadcast_in_dim3A_656 = vector.shape_cast %reduce_sum3A_655 : vector<32xf32> to vector<1x32xf32>
    %div3A_657 = vector.broadcast %sub3A_653 : f32 to vector<1x32xf32>
    %div3A_658 = arith.divf %broadcast_in_dim3A_656, %div3A_657 : vector<1x32xf32>
    %gt3A_659 = arith.constant 0.000000e+00 : f32
    %gt3A_660 = arith.cmpf ogt, %sub3A_653, %gt3A_659 : f32
    %jit3A_661 = arith.constant 0x7FC00000 : f32
    %broadcast_in_dim3A_662 = vector.broadcast %jit3A_661 : f32 to vector<1x32xf32>
    %select_n3A_663 = arith.select %gt3A_660, %div3A_658, %broadcast_in_dim3A_662 : vector<1x32xf32>
    %sub3A_664 = vector.broadcast %div3A_640 : vector<1x32xf32> to vector<4096x32xf32>
    %sub3A_665 = arith.subf %add3A_634, %sub3A_664 : vector<4096x32xf32>
    %add3A_666 = arith.constant 9.99999974E-6 : f32
    %add3A_667 = vector.broadcast %add3A_666 : f32 to vector<1x32xf32>
    %add3A_668 = arith.addf %select_n3A_663, %add3A_667 : vector<1x32xf32>
    %sqrt3A_669 = math.sqrt %add3A_668 : vector<1x32xf32>
    %div3A_670 = vector.broadcast %sqrt3A_669 : vector<1x32xf32> to vector<4096x32xf32>
    %div3A_671 = arith.divf %sub3A_665, %div3A_670 : vector<4096x32xf32>
    %max3A_672 = arith.constant 0.000000e+00 : f32
    %max3A_673 = vector.broadcast %max3A_672 : f32 to vector<4096x32xf32>
    %max3A_674 = arith.maximumf %div3A_671, %max3A_673 : vector<4096x32xf32>
    %dot_general3A_675 = arith.constant dense<0.000000e+00> : vector<4096x1xf32>
    %dot_general3A_676 = tpu.matmul %max3A_674, %get3A_61, %dot_general3A_675 {dimension_numbers = #tpu.dot_dimension_numbers<[1], [0], [0], [1], [0, 0, 1, 1], [], []>, transpose_lhs_hint = false} : vector<4096x32xf32>, vector<32x1xf32>, vector<4096x1xf32> -> vector<4096x1xf32>
    %add3A_677 = vector.broadcast %get3A_64 : vector<1x1xf32> to vector<4096x1xf32>
    %add3A_678 = arith.addf %dot_general3A_676, %add3A_677 : vector<4096x1xf32>
    %reduce_sum3A_679 = arith.constant dense<0.000000e+00> : vector<1xf32>
    %reduce_sum3A_680 = vector.multi_reduction <add>, %add3A_678, %reduce_sum3A_679 [0] : vector<4096x1xf32> to vector<1xf32>
    %broadcast_in_dim3A_681 = vector.shape_cast %reduce_sum3A_680 : vector<1xf32> to vector<1x1xf32>
    %div3A_682 = arith.constant 4.096000e+03 : f32
    %div3A_683 = vector.broadcast %div3A_682 : f32 to vector<1x1xf32>
    %div3A_684 = arith.divf %broadcast_in_dim3A_681, %div3A_683 : vector<1x1xf32>
    %jit3A_685 = arith.constant 0 : i32
    %reduce_sum3A_686 = arith.constant dense<0.000000e+00> : vector<1xf32>
    %reduce_sum3A_687 = vector.multi_reduction <add>, %add3A_678, %reduce_sum3A_686 [0] : vector<4096x1xf32> to vector<1xf32>
    %broadcast_in_dim3A_688 = vector.shape_cast %reduce_sum3A_687 : vector<1xf32> to vector<1x1xf32>
    %div3A_689 = arith.constant 4.096000e+03 : f32
    %div3A_690 = vector.broadcast %div3A_689 : f32 to vector<1x1xf32>
    %div3A_691 = arith.divf %broadcast_in_dim3A_688, %div3A_690 : vector<1x1xf32>
    %sub3A_692 = vector.broadcast %div3A_691 : vector<1x1xf32> to vector<4096x1xf32>
    %sub3A_693 = arith.subf %add3A_678, %sub3A_692 : vector<4096x1xf32>
    %square3A_694 = arith.mulf %sub3A_693, %sub3A_693 : vector<4096x1xf32>
    %convert_element_type3A_695 = arith.sitofp %jit3A_685 : i32 to f32
    %sub3A_696 = arith.constant 4.096000e+03 : f32
    %sub3A_697 = arith.subf %sub3A_696, %convert_element_type3A_695 : f32
    %reduce_sum3A_698 = arith.constant dense<0.000000e+00> : vector<1xf32>
    %reduce_sum3A_699 = vector.multi_reduction <add>, %square3A_694, %reduce_sum3A_698 [0] : vector<4096x1xf32> to vector<1xf32>
    %broadcast_in_dim3A_700 = vector.shape_cast %reduce_sum3A_699 : vector<1xf32> to vector<1x1xf32>
    %div3A_701 = vector.broadcast %sub3A_697 : f32 to vector<1x1xf32>
    %div3A_702 = arith.divf %broadcast_in_dim3A_700, %div3A_701 : vector<1x1xf32>
    %gt3A_703 = arith.constant 0.000000e+00 : f32
    %gt3A_704 = arith.cmpf ogt, %sub3A_697, %gt3A_703 : f32
    %jit3A_705 = arith.constant 0x7FC00000 : f32
    %broadcast_in_dim3A_706 = vector.broadcast %jit3A_705 : f32 to vector<1x1xf32>
    %select_n3A_707 = arith.select %gt3A_704, %div3A_702, %broadcast_in_dim3A_706 : vector<1x1xf32>
    %sub3A_708 = vector.broadcast %div3A_684 : vector<1x1xf32> to vector<4096x1xf32>
    %sub3A_709 = arith.subf %add3A_678, %sub3A_708 : vector<4096x1xf32>
    %add3A_710 = arith.constant 9.99999974E-6 : f32
    %add3A_711 = vector.broadcast %add3A_710 : f32 to vector<1x1xf32>
    %add3A_712 = arith.addf %select_n3A_707, %add3A_711 : vector<1x1xf32>
    %sqrt3A_713 = math.sqrt %add3A_712 : vector<1x1xf32>
    %div3A_714 = vector.broadcast %sqrt3A_713 : vector<1x1xf32> to vector<4096x1xf32>
    %div3A_715 = arith.divf %sub3A_709, %div3A_714 : vector<4096x1xf32>
    %logistic3A_716 = arith.negf %div3A_715 : vector<4096x1xf32>
    %logistic3A_717 = math.exp %logistic3A_716 : vector<4096x1xf32>
    %logistic3A_718 = arith.constant 1.000000e+00 : f32
    %logistic3A_719 = vector.broadcast %logistic3A_718 : f32 to vector<4096x1xf32>
    %logistic3A_720 = arith.addf %logistic3A_719, %logistic3A_717 : vector<4096x1xf32>
    %logistic3A_721 = arith.divf %logistic3A_719, %logistic3A_720 : vector<4096x1xf32>
    %swap3A_722 = arith.constant 0 : index
    %swap3A_723 = arith.constant 0 : index
    %swap3A_724 = vector.load %arg57[%swap3A_722, %swap3A_723] : memref<4096x1xf32, #tpu.memory_space<vmem>>, vector<4096x1xf32>
    tpu.vector_store %arg57[%swap3A_722, %swap3A_723], %logistic3A_721 {strides = array<i32>} : memref<4096x1xf32, #tpu.memory_space<vmem>>, vector<4096x1xf32>,
    %dot_general3A_725 = arith.constant dense<0.000000e+00> : vector<4096x64xf32>
    %dot_general3A_726 = tpu.matmul %div3A_312, %get3A_67, %dot_general3A_725 {dimension_numbers = #tpu.dot_dimension_numbers<[1], [0], [0], [1], [0, 0, 1, 1], [], []>, transpose_lhs_hint = false} : vector<4096x128xf32>, vector<128x64xf32>, vector<4096x64xf32> -> vector<4096x64xf32>
    %add3A_727 = vector.broadcast %get3A_70 : vector<1x64xf32> to vector<4096x64xf32>
    %add3A_728 = arith.addf %dot_general3A_726, %add3A_727 : vector<4096x64xf32>
    %reduce_sum3A_729 = arith.constant dense<0.000000e+00> : vector<64xf32>
    %reduce_sum3A_730 = vector.multi_reduction <add>, %add3A_728, %reduce_sum3A_729 [0] : vector<4096x64xf32> to vector<64xf32>
    %broadcast_in_dim3A_731 = vector.shape_cast %reduce_sum3A_730 : vector<64xf32> to vector<1x64xf32>
    %div3A_732 = arith.constant 4.096000e+03 : f32
    %div3A_733 = vector.broadcast %div3A_732 : f32 to vector<1x64xf32>
    %div3A_734 = arith.divf %broadcast_in_dim3A_731, %div3A_733 : vector<1x64xf32>
    %jit3A_735 = arith.constant 0 : i32
    %reduce_sum3A_736 = arith.constant dense<0.000000e+00> : vector<64xf32>
    %reduce_sum3A_737 = vector.multi_reduction <add>, %add3A_728, %reduce_sum3A_736 [0] : vector<4096x64xf32> to vector<64xf32>
    %broadcast_in_dim3A_738 = vector.shape_cast %reduce_sum3A_737 : vector<64xf32> to vector<1x64xf32>
    %div3A_739 = arith.constant 4.096000e+03 : f32
    %div3A_740 = vector.broadcast %div3A_739 : f32 to vector<1x64xf32>
    %div3A_741 = arith.divf %broadcast_in_dim3A_738, %div3A_740 : vector<1x64xf32>
    %sub3A_742 = vector.broadcast %div3A_741 : vector<1x64xf32> to vector<4096x64xf32>
    %sub3A_743 = arith.subf %add3A_728, %sub3A_742 : vector<4096x64xf32>
    %square3A_744 = arith.mulf %sub3A_743, %sub3A_743 : vector<4096x64xf32>
    %convert_element_type3A_745 = arith.sitofp %jit3A_735 : i32 to f32
    %sub3A_746 = arith.constant 4.096000e+03 : f32
    %sub3A_747 = arith.subf %sub3A_746, %convert_element_type3A_745 : f32
    %reduce_sum3A_748 = arith.constant dense<0.000000e+00> : vector<64xf32>
    %reduce_sum3A_749 = vector.multi_reduction <add>, %square3A_744, %reduce_sum3A_748 [0] : vector<4096x64xf32> to vector<64xf32>
    %broadcast_in_dim3A_750 = vector.shape_cast %reduce_sum3A_749 : vector<64xf32> to vector<1x64xf32>
    %div3A_751 = vector.broadcast %sub3A_747 : f32 to vector<1x64xf32>
    %div3A_752 = arith.divf %broadcast_in_dim3A_750, %div3A_751 : vector<1x64xf32>
    %gt3A_753 = arith.constant 0.000000e+00 : f32
    %gt3A_754 = arith.cmpf ogt, %sub3A_747, %gt3A_753 : f32
    %jit3A_755 = arith.constant 0x7FC00000 : f32
    %broadcast_in_dim3A_756 = vector.broadcast %jit3A_755 : f32 to vector<1x64xf32>
    %select_n3A_757 = arith.select %gt3A_754, %div3A_752, %broadcast_in_dim3A_756 : vector<1x64xf32>
    %sub3A_758 = vector.broadcast %div3A_734 : vector<1x64xf32> to vector<4096x64xf32>
    %sub3A_759 = arith.subf %add3A_728, %sub3A_758 : vector<4096x64xf32>
    %add3A_760 = arith.constant 9.99999974E-6 : f32
    %add3A_761 = vector.broadcast %add3A_760 : f32 to vector<1x64xf32>
    %add3A_762 = arith.addf %select_n3A_757, %add3A_761 : vector<1x64xf32>
    %sqrt3A_763 = math.sqrt %add3A_762 : vector<1x64xf32>
    %div3A_764 = vector.broadcast %sqrt3A_763 : vector<1x64xf32> to vector<4096x64xf32>
    %div3A_765 = arith.divf %sub3A_759, %div3A_764 : vector<4096x64xf32>
    %max3A_766 = arith.constant 0.000000e+00 : f32
    %max3A_767 = vector.broadcast %max3A_766 : f32 to vector<4096x64xf32>
    %max3A_768 = arith.maximumf %div3A_765, %max3A_767 : vector<4096x64xf32>
    %dot_general3A_769 = arith.constant dense<0.000000e+00> : vector<4096x32xf32>
    %dot_general3A_770 = tpu.matmul %max3A_768, %get3A_73, %dot_general3A_769 {dimension_numbers = #tpu.dot_dimension_numbers<[1], [0], [0], [1], [0, 0, 1, 1], [], []>, transpose_lhs_hint = false} : vector<4096x64xf32>, vector<64x32xf32>, vector<4096x32xf32> -> vector<4096x32xf32>
    %add3A_771 = vector.broadcast %get3A_76 : vector<1x32xf32> to vector<4096x32xf32>
    %add3A_772 = arith.addf %dot_general3A_770, %add3A_771 : vector<4096x32xf32>
    %reduce_sum3A_773 = arith.constant dense<0.000000e+00> : vector<32xf32>
    %reduce_sum3A_774 = vector.multi_reduction <add>, %add3A_772, %reduce_sum3A_773 [0] : vector<4096x32xf32> to vector<32xf32>
    %broadcast_in_dim3A_775 = vector.shape_cast %reduce_sum3A_774 : vector<32xf32> to vector<1x32xf32>
    %div3A_776 = arith.constant 4.096000e+03 : f32
    %div3A_777 = vector.broadcast %div3A_776 : f32 to vector<1x32xf32>
    %div3A_778 = arith.divf %broadcast_in_dim3A_775, %div3A_777 : vector<1x32xf32>
    %jit3A_779 = arith.constant 0 : i32
    %reduce_sum3A_780 = arith.constant dense<0.000000e+00> : vector<32xf32>
    %reduce_sum3A_781 = vector.multi_reduction <add>, %add3A_772, %reduce_sum3A_780 [0] : vector<4096x32xf32> to vector<32xf32>
    %broadcast_in_dim3A_782 = vector.shape_cast %reduce_sum3A_781 : vector<32xf32> to vector<1x32xf32>
    %div3A_783 = arith.constant 4.096000e+03 : f32
    %div3A_784 = vector.broadcast %div3A_783 : f32 to vector<1x32xf32>
    %div3A_785 = arith.divf %broadcast_in_dim3A_782, %div3A_784 : vector<1x32xf32>
    %sub3A_786 = vector.broadcast %div3A_785 : vector<1x32xf32> to vector<4096x32xf32>
    %sub3A_787 = arith.subf %add3A_772, %sub3A_786 : vector<4096x32xf32>
    %square3A_788 = arith.mulf %sub3A_787, %sub3A_787 : vector<4096x32xf32>
    %convert_element_type3A_789 = arith.sitofp %jit3A_779 : i32 to f32
    %sub3A_790 = arith.constant 4.096000e+03 : f32
    %sub3A_791 = arith.subf %sub3A_790, %convert_element_type3A_789 : f32
    %reduce_sum3A_792 = arith.constant dense<0.000000e+00> : vector<32xf32>
    %reduce_sum3A_793 = vector.multi_reduction <add>, %square3A_788, %reduce_sum3A_792 [0] : vector<4096x32xf32> to vector<32xf32>
    %broadcast_in_dim3A_794 = vector.shape_cast %reduce_sum3A_793 : vector<32xf32> to vector<1x32xf32>
    %div3A_795 = vector.broadcast %sub3A_791 : f32 to vector<1x32xf32>
    %div3A_796 = arith.divf %broadcast_in_dim3A_794, %div3A_795 : vector<1x32xf32>
    %gt3A_797 = arith.constant 0.000000e+00 : f32
    %gt3A_798 = arith.cmpf ogt, %sub3A_791, %gt3A_797 : f32
    %jit3A_799 = arith.constant 0x7FC00000 : f32
    %broadcast_in_dim3A_800 = vector.broadcast %jit3A_799 : f32 to vector<1x32xf32>
    %select_n3A_801 = arith.select %gt3A_798, %div3A_796, %broadcast_in_dim3A_800 : vector<1x32xf32>
    %sub3A_802 = vector.broadcast %div3A_778 : vector<1x32xf32> to vector<4096x32xf32>
    %sub3A_803 = arith.subf %add3A_772, %sub3A_802 : vector<4096x32xf32>
    %add3A_804 = arith.constant 9.99999974E-6 : f32
    %add3A_805 = vector.broadcast %add3A_804 : f32 to vector<1x32xf32>
    %add3A_806 = arith.addf %select_n3A_801, %add3A_805 : vector<1x32xf32>
    %sqrt3A_807 = math.sqrt %add3A_806 : vector<1x32xf32>
    %div3A_808 = vector.broadcast %sqrt3A_807 : vector<1x32xf32> to vector<4096x32xf32>
    %div3A_809 = arith.divf %sub3A_803, %div3A_808 : vector<4096x32xf32>
    %max3A_810 = arith.constant 0.000000e+00 : f32
    %max3A_811 = vector.broadcast %max3A_810 : f32 to vector<4096x32xf32>
    %max3A_812 = arith.maximumf %div3A_809, %max3A_811 : vector<4096x32xf32>
    %dot_general3A_813 = arith.constant dense<0.000000e+00> : vector<4096x1xf32>
    %dot_general3A_814 = tpu.matmul %max3A_812, %get3A_79, %dot_general3A_813 {dimension_numbers = #tpu.dot_dimension_numbers<[1], [0], [0], [1], [0, 0, 1, 1], [], []>, transpose_lhs_hint = false} : vector<4096x32xf32>, vector<32x1xf32>, vector<4096x1xf32> -> vector<4096x1xf32>
    %add3A_815 = vector.broadcast %get3A_82 : vector<1x1xf32> to vector<4096x1xf32>
    %add3A_816 = arith.addf %dot_general3A_814, %add3A_815 : vector<4096x1xf32>
    %reduce_sum3A_817 = arith.constant dense<0.000000e+00> : vector<1xf32>
    %reduce_sum3A_818 = vector.multi_reduction <add>, %add3A_816, %reduce_sum3A_817 [0] : vector<4096x1xf32> to vector<1xf32>
    %broadcast_in_dim3A_819 = vector.shape_cast %reduce_sum3A_818 : vector<1xf32> to vector<1x1xf32>
    %div3A_820 = arith.constant 4.096000e+03 : f32
    %div3A_821 = vector.broadcast %div3A_820 : f32 to vector<1x1xf32>
    %div3A_822 = arith.divf %broadcast_in_dim3A_819, %div3A_821 : vector<1x1xf32>
    %jit3A_823 = arith.constant 0 : i32
    %reduce_sum3A_824 = arith.constant dense<0.000000e+00> : vector<1xf32>
    %reduce_sum3A_825 = vector.multi_reduction <add>, %add3A_816, %reduce_sum3A_824 [0] : vector<4096x1xf32> to vector<1xf32>
    %broadcast_in_dim3A_826 = vector.shape_cast %reduce_sum3A_825 : vector<1xf32> to vector<1x1xf32>
    %div3A_827 = arith.constant 4.096000e+03 : f32
    %div3A_828 = vector.broadcast %div3A_827 : f32 to vector<1x1xf32>
    %div3A_829 = arith.divf %broadcast_in_dim3A_826, %div3A_828 : vector<1x1xf32>
    %sub3A_830 = vector.broadcast %div3A_829 : vector<1x1xf32> to vector<4096x1xf32>
    %sub3A_831 = arith.subf %add3A_816, %sub3A_830 : vector<4096x1xf32>
    %square3A_832 = arith.mulf %sub3A_831, %sub3A_831 : vector<4096x1xf32>
    %convert_element_type3A_833 = arith.sitofp %jit3A_823 : i32 to f32
    %sub3A_834 = arith.constant 4.096000e+03 : f32
    %sub3A_835 = arith.subf %sub3A_834, %convert_element_type3A_833 : f32
    %reduce_sum3A_836 = arith.constant dense<0.000000e+00> : vector<1xf32>
    %reduce_sum3A_837 = vector.multi_reduction <add>, %square3A_832, %reduce_sum3A_836 [0] : vector<4096x1xf32> to vector<1xf32>
    %broadcast_in_dim3A_838 = vector.shape_cast %reduce_sum3A_837 : vector<1xf32> to vector<1x1xf32>
    %div3A_839 = vector.broadcast %sub3A_835 : f32 to vector<1x1xf32>
    %div3A_840 = arith.divf %broadcast_in_dim3A_838, %div3A_839 : vector<1x1xf32>
    %gt3A_841 = arith.constant 0.000000e+00 : f32
    %gt3A_842 = arith.cmpf ogt, %sub3A_835, %gt3A_841 : f32
    %jit3A_843 = arith.constant 0x7FC00000 : f32
    %broadcast_in_dim3A_844 = vector.broadcast %jit3A_843 : f32 to vector<1x1xf32>
    %select_n3A_845 = arith.select %gt3A_842, %div3A_840, %broadcast_in_dim3A_844 : vector<1x1xf32>
    %sub3A_846 = vector.broadcast %div3A_822 : vector<1x1xf32> to vector<4096x1xf32>
    %sub3A_847 = arith.subf %add3A_816, %sub3A_846 : vector<4096x1xf32>
    %add3A_848 = arith.constant 9.99999974E-6 : f32
    %add3A_849 = vector.broadcast %add3A_848 : f32 to vector<1x1xf32>
    %add3A_850 = arith.addf %select_n3A_845, %add3A_849 : vector<1x1xf32>
    %sqrt3A_851 = math.sqrt %add3A_850 : vector<1x1xf32>
    %div3A_852 = vector.broadcast %sqrt3A_851 : vector<1x1xf32> to vector<4096x1xf32>
    %div3A_853 = arith.divf %sub3A_847, %div3A_852 : vector<4096x1xf32>
    %logistic3A_854 = arith.negf %div3A_853 : vector<4096x1xf32>
    %logistic3A_855 = math.exp %logistic3A_854 : vector<4096x1xf32>
    %logistic3A_856 = arith.constant 1.000000e+00 : f32
    %logistic3A_857 = vector.broadcast %logistic3A_856 : f32 to vector<4096x1xf32>
    %logistic3A_858 = arith.addf %logistic3A_857, %logistic3A_855 : vector<4096x1xf32>
    %logistic3A_859 = arith.divf %logistic3A_857, %logistic3A_858 : vector<4096x1xf32>
    %swap3A_860 = arith.constant 0 : index
    %swap3A_861 = arith.constant 0 : index
    %swap3A_862 = vector.load %arg58[%swap3A_860, %swap3A_861] : memref<4096x1xf32, #tpu.memory_space<vmem>>, vector<4096x1xf32>
    tpu.vector_store %arg58[%swap3A_860, %swap3A_861], %logistic3A_859 {strides = array<i32>} : memref<4096x1xf32, #tpu.memory_space<vmem>>, vector<4096x1xf32>,
    %dot_general3A_863 = arith.constant dense<0.000000e+00> : vector<4096x64xf32>
    %dot_general3A_864 = tpu.matmul %div3A_312, %get3A_85, %dot_general3A_863 {dimension_numbers = #tpu.dot_dimension_numbers<[1], [0], [0], [1], [0, 0, 1, 1], [], []>, transpose_lhs_hint = false} : vector<4096x128xf32>, vector<128x64xf32>, vector<4096x64xf32> -> vector<4096x64xf32>
    %add3A_865 = vector.broadcast %get3A_88 : vector<1x64xf32> to vector<4096x64xf32>
    %add3A_866 = arith.addf %dot_general3A_864, %add3A_865 : vector<4096x64xf32>
    %reduce_sum3A_867 = arith.constant dense<0.000000e+00> : vector<64xf32>
    %reduce_sum3A_868 = vector.multi_reduction <add>, %add3A_866, %reduce_sum3A_867 [0] : vector<4096x64xf32> to vector<64xf32>
    %broadcast_in_dim3A_869 = vector.shape_cast %reduce_sum3A_868 : vector<64xf32> to vector<1x64xf32>
    %div3A_870 = arith.constant 4.096000e+03 : f32
    %div3A_871 = vector.broadcast %div3A_870 : f32 to vector<1x64xf32>
    %div3A_872 = arith.divf %broadcast_in_dim3A_869, %div3A_871 : vector<1x64xf32>
    %jit3A_873 = arith.constant 0 : i32
    %reduce_sum3A_874 = arith.constant dense<0.000000e+00> : vector<64xf32>
    %reduce_sum3A_875 = vector.multi_reduction <add>, %add3A_866, %reduce_sum3A_874 [0] : vector<4096x64xf32> to vector<64xf32>
    %broadcast_in_dim3A_876 = vector.shape_cast %reduce_sum3A_875 : vector<64xf32> to vector<1x64xf32>
    %div3A_877 = arith.constant 4.096000e+03 : f32
    %div3A_878 = vector.broadcast %div3A_877 : f32 to vector<1x64xf32>
    %div3A_879 = arith.divf %broadcast_in_dim3A_876, %div3A_878 : vector<1x64xf32>
    %sub3A_880 = vector.broadcast %div3A_879 : vector<1x64xf32> to vector<4096x64xf32>
    %sub3A_881 = arith.subf %add3A_866, %sub3A_880 : vector<4096x64xf32>
    %square3A_882 = arith.mulf %sub3A_881, %sub3A_881 : vector<4096x64xf32>
    %convert_element_type3A_883 = arith.sitofp %jit3A_873 : i32 to f32
    %sub3A_884 = arith.constant 4.096000e+03 : f32
    %sub3A_885 = arith.subf %sub3A_884, %convert_element_type3A_883 : f32
    %reduce_sum3A_886 = arith.constant dense<0.000000e+00> : vector<64xf32>
    %reduce_sum3A_887 = vector.multi_reduction <add>, %square3A_882, %reduce_sum3A_886 [0] : vector<4096x64xf32> to vector<64xf32>
    %broadcast_in_dim3A_888 = vector.shape_cast %reduce_sum3A_887 : vector<64xf32> to vector<1x64xf32>
    %div3A_889 = vector.broadcast %sub3A_885 : f32 to vector<1x64xf32>
    %div3A_890 = arith.divf %broadcast_in_dim3A_888, %div3A_889 : vector<1x64xf32>
    %gt3A_891 = arith.constant 0.000000e+00 : f32
    %gt3A_892 = arith.cmpf ogt, %sub3A_885, %gt3A_891 : f32
    %jit3A_893 = arith.constant 0x7FC00000 : f32
    %broadcast_in_dim3A_894 = vector.broadcast %jit3A_893 : f32 to vector<1x64xf32>
    %select_n3A_895 = arith.select %gt3A_892, %div3A_890, %broadcast_in_dim3A_894 : vector<1x64xf32>
    %sub3A_896 = vector.broadcast %div3A_872 : vector<1x64xf32> to vector<4096x64xf32>
    %sub3A_897 = arith.subf %add3A_866, %sub3A_896 : vector<4096x64xf32>
    %add3A_898 = arith.constant 9.99999974E-6 : f32
    %add3A_899 = vector.broadcast %add3A_898 : f32 to vector<1x64xf32>
    %add3A_900 = arith.addf %select_n3A_895, %add3A_899 : vector<1x64xf32>
    %sqrt3A_901 = math.sqrt %add3A_900 : vector<1x64xf32>
    %div3A_902 = vector.broadcast %sqrt3A_901 : vector<1x64xf32> to vector<4096x64xf32>
    %div3A_903 = arith.divf %sub3A_897, %div3A_902 : vector<4096x64xf32>
    %max3A_904 = arith.constant 0.000000e+00 : f32
    %max3A_905 = vector.broadcast %max3A_904 : f32 to vector<4096x64xf32>
    %max3A_906 = arith.maximumf %div3A_903, %max3A_905 : vector<4096x64xf32>
    %dot_general3A_907 = arith.constant dense<0.000000e+00> : vector<4096x32xf32>
    %dot_general3A_908 = tpu.matmul %max3A_906, %get3A_91, %dot_general3A_907 {dimension_numbers = #tpu.dot_dimension_numbers<[1], [0], [0], [1], [0, 0, 1, 1], [], []>, transpose_lhs_hint = false} : vector<4096x64xf32>, vector<64x32xf32>, vector<4096x32xf32> -> vector<4096x32xf32>
    %add3A_909 = vector.broadcast %get3A_94 : vector<1x32xf32> to vector<4096x32xf32>
    %add3A_910 = arith.addf %dot_general3A_908, %add3A_909 : vector<4096x32xf32>
    %reduce_sum3A_911 = arith.constant dense<0.000000e+00> : vector<32xf32>
    %reduce_sum3A_912 = vector.multi_reduction <add>, %add3A_910, %reduce_sum3A_911 [0] : vector<4096x32xf32> to vector<32xf32>
    %broadcast_in_dim3A_913 = vector.shape_cast %reduce_sum3A_912 : vector<32xf32> to vector<1x32xf32>
    %div3A_914 = arith.constant 4.096000e+03 : f32
    %div3A_915 = vector.broadcast %div3A_914 : f32 to vector<1x32xf32>
    %div3A_916 = arith.divf %broadcast_in_dim3A_913, %div3A_915 : vector<1x32xf32>
    %jit3A_917 = arith.constant 0 : i32
    %reduce_sum3A_918 = arith.constant dense<0.000000e+00> : vector<32xf32>
    %reduce_sum3A_919 = vector.multi_reduction <add>, %add3A_910, %reduce_sum3A_918 [0] : vector<4096x32xf32> to vector<32xf32>
    %broadcast_in_dim3A_920 = vector.shape_cast %reduce_sum3A_919 : vector<32xf32> to vector<1x32xf32>
    %div3A_921 = arith.constant 4.096000e+03 : f32
    %div3A_922 = vector.broadcast %div3A_921 : f32 to vector<1x32xf32>
    %div3A_923 = arith.divf %broadcast_in_dim3A_920, %div3A_922 : vector<1x32xf32>
    %sub3A_924 = vector.broadcast %div3A_923 : vector<1x32xf32> to vector<4096x32xf32>
    %sub3A_925 = arith.subf %add3A_910, %sub3A_924 : vector<4096x32xf32>
    %square3A_926 = arith.mulf %sub3A_925, %sub3A_925 : vector<4096x32xf32>
    %convert_element_type3A_927 = arith.sitofp %jit3A_917 : i32 to f32
    %sub3A_928 = arith.constant 4.096000e+03 : f32
    %sub3A_929 = arith.subf %sub3A_928, %convert_element_type3A_927 : f32
    %reduce_sum3A_930 = arith.constant dense<0.000000e+00> : vector<32xf32>
    %reduce_sum3A_931 = vector.multi_reduction <add>, %square3A_926, %reduce_sum3A_930 [0] : vector<4096x32xf32> to vector<32xf32>
    %broadcast_in_dim3A_932 = vector.shape_cast %reduce_sum3A_931 : vector<32xf32> to vector<1x32xf32>
    %div3A_933 = vector.broadcast %sub3A_929 : f32 to vector<1x32xf32>
    %div3A_934 = arith.divf %broadcast_in_dim3A_932, %div3A_933 : vector<1x32xf32>
    %gt3A_935 = arith.constant 0.000000e+00 : f32
    %gt3A_936 = arith.cmpf ogt, %sub3A_929, %gt3A_935 : f32
    %jit3A_937 = arith.constant 0x7FC00000 : f32
    %broadcast_in_dim3A_938 = vector.broadcast %jit3A_937 : f32 to vector<1x32xf32>
    %select_n3A_939 = arith.select %gt3A_936, %div3A_934, %broadcast_in_dim3A_938 : vector<1x32xf32>
    %sub3A_940 = vector.broadcast %div3A_916 : vector<1x32xf32> to vector<4096x32xf32>
    %sub3A_941 = arith.subf %add3A_910, %sub3A_940 : vector<4096x32xf32>
    %add3A_942 = arith.constant 9.99999974E-6 : f32
    %add3A_943 = vector.broadcast %add3A_942 : f32 to vector<1x32xf32>
    %add3A_944 = arith.addf %select_n3A_939, %add3A_943 : vector<1x32xf32>
    %sqrt3A_945 = math.sqrt %add3A_944 : vector<1x32xf32>
    %div3A_946 = vector.broadcast %sqrt3A_945 : vector<1x32xf32> to vector<4096x32xf32>
    %div3A_947 = arith.divf %sub3A_941, %div3A_946 : vector<4096x32xf32>
    %max3A_948 = arith.constant 0.000000e+00 : f32
    %max3A_949 = vector.broadcast %max3A_948 : f32 to vector<4096x32xf32>
    %max3A_950 = arith.maximumf %div3A_947, %max3A_949 : vector<4096x32xf32>
    %dot_general3A_951 = arith.constant dense<0.000000e+00> : vector<4096x1xf32>
    %dot_general3A_952 = tpu.matmul %max3A_950, %get3A_97, %dot_general3A_951 {dimension_numbers = #tpu.dot_dimension_numbers<[1], [0], [0], [1], [0, 0, 1, 1], [], []>, transpose_lhs_hint = false} : vector<4096x32xf32>, vector<32x1xf32>, vector<4096x1xf32> -> vector<4096x1xf32>
    %add3A_953 = vector.broadcast %get3A_100 : vector<1x1xf32> to vector<4096x1xf32>
    %add3A_954 = arith.addf %dot_general3A_952, %add3A_953 : vector<4096x1xf32>
    %reduce_sum3A_955 = arith.constant dense<0.000000e+00> : vector<1xf32>
    %reduce_sum3A_956 = vector.multi_reduction <add>, %add3A_954, %reduce_sum3A_955 [0] : vector<4096x1xf32> to vector<1xf32>
    %broadcast_in_dim3A_957 = vector.shape_cast %reduce_sum3A_956 : vector<1xf32> to vector<1x1xf32>
    %div3A_958 = arith.constant 4.096000e+03 : f32
    %div3A_959 = vector.broadcast %div3A_958 : f32 to vector<1x1xf32>
    %div3A_960 = arith.divf %broadcast_in_dim3A_957, %div3A_959 : vector<1x1xf32>
    %jit3A_961 = arith.constant 0 : i32
    %reduce_sum3A_962 = arith.constant dense<0.000000e+00> : vector<1xf32>
    %reduce_sum3A_963 = vector.multi_reduction <add>, %add3A_954, %reduce_sum3A_962 [0] : vector<4096x1xf32> to vector<1xf32>
    %broadcast_in_dim3A_964 = vector.shape_cast %reduce_sum3A_963 : vector<1xf32> to vector<1x1xf32>
    %div3A_965 = arith.constant 4.096000e+03 : f32
    %div3A_966 = vector.broadcast %div3A_965 : f32 to vector<1x1xf32>
    %div3A_967 = arith.divf %broadcast_in_dim3A_964, %div3A_966 : vector<1x1xf32>
    %sub3A_968 = vector.broadcast %div3A_967 : vector<1x1xf32> to vector<4096x1xf32>
    %sub3A_969 = arith.subf %add3A_954, %sub3A_968 : vector<4096x1xf32>
    %square3A_970 = arith.mulf %sub3A_969, %sub3A_969 : vector<4096x1xf32>
    %convert_element_type3A_971 = arith.sitofp %jit3A_961 : i32 to f32
    %sub3A_972 = arith.constant 4.096000e+03 : f32
    %sub3A_973 = arith.subf %sub3A_972, %convert_element_type3A_971 : f32
    %reduce_sum3A_974 = arith.constant dense<0.000000e+00> : vector<1xf32>
    %reduce_sum3A_975 = vector.multi_reduction <add>, %square3A_970, %reduce_sum3A_974 [0] : vector<4096x1xf32> to vector<1xf32>
    %broadcast_in_dim3A_976 = vector.shape_cast %reduce_sum3A_975 : vector<1xf32> to vector<1x1xf32>
    %div3A_977 = vector.broadcast %sub3A_973 : f32 to vector<1x1xf32>
    %div3A_978 = arith.divf %broadcast_in_dim3A_976, %div3A_977 : vector<1x1xf32>
    %gt3A_979 = arith.constant 0.000000e+00 : f32
    %gt3A_980 = arith.cmpf ogt, %sub3A_973, %gt3A_979 : f32
    %jit3A_981 = arith.constant 0x7FC00000 : f32
    %broadcast_in_dim3A_982 = vector.broadcast %jit3A_981 : f32 to vector<1x1xf32>
    %select_n3A_983 = arith.select %gt3A_980, %div3A_978, %broadcast_in_dim3A_982 : vector<1x1xf32>
    %sub3A_984 = vector.broadcast %div3A_960 : vector<1x1xf32> to vector<4096x1xf32>
    %sub3A_985 = arith.subf %add3A_954, %sub3A_984 : vector<4096x1xf32>
    %add3A_986 = arith.constant 9.99999974E-6 : f32
    %add3A_987 = vector.broadcast %add3A_986 : f32 to vector<1x1xf32>
    %add3A_988 = arith.addf %select_n3A_983, %add3A_987 : vector<1x1xf32>
    %sqrt3A_989 = math.sqrt %add3A_988 : vector<1x1xf32>
    %div3A_990 = vector.broadcast %sqrt3A_989 : vector<1x1xf32> to vector<4096x1xf32>
    %div3A_991 = arith.divf %sub3A_985, %div3A_990 : vector<4096x1xf32>
    %logistic3A_992 = arith.negf %div3A_991 : vector<4096x1xf32>
    %logistic3A_993 = math.exp %logistic3A_992 : vector<4096x1xf32>
    %logistic3A_994 = arith.constant 1.000000e+00 : f32
    %logistic3A_995 = vector.broadcast %logistic3A_994 : f32 to vector<4096x1xf32>
    %logistic3A_996 = arith.addf %logistic3A_995, %logistic3A_993 : vector<4096x1xf32>
    %logistic3A_997 = arith.divf %logistic3A_995, %logistic3A_996 : vector<4096x1xf32>
    %swap3A_998 = arith.constant 0 : index
    %swap3A_999 = arith.constant 0 : index
    %swap3A_1000 = vector.load %arg59[%swap3A_998, %swap3A_999] : memref<4096x1xf32, #tpu.memory_space<vmem>>, vector<4096x1xf32>
    tpu.vector_store %arg59[%swap3A_998, %swap3A_999], %logistic3A_997 {strides = array<i32>} : memref<4096x1xf32, #tpu.memory_space<vmem>>, vector<4096x1xf32>,
    %dot_general3A_1001 = arith.constant dense<0.000000e+00> : vector<4096x64xf32>
    %dot_general3A_1002 = tpu.matmul %div3A_312, %get3A_103, %dot_general3A_1001 {dimension_numbers = #tpu.dot_dimension_numbers<[1], [0], [0], [1], [0, 0, 1, 1], [], []>, transpose_lhs_hint = false} : vector<4096x128xf32>, vector<128x64xf32>, vector<4096x64xf32> -> vector<4096x64xf32>
    %add3A_1003 = vector.broadcast %get3A_106 : vector<1x64xf32> to vector<4096x64xf32>
    %add3A_1004 = arith.addf %dot_general3A_1002, %add3A_1003 : vector<4096x64xf32>
    %reduce_sum3A_1005 = arith.constant dense<0.000000e+00> : vector<64xf32>
    %reduce_sum3A_1006 = vector.multi_reduction <add>, %add3A_1004, %reduce_sum3A_1005 [0] : vector<4096x64xf32> to vector<64xf32>
    %broadcast_in_dim3A_1007 = vector.shape_cast %reduce_sum3A_1006 : vector<64xf32> to vector<1x64xf32>
    %div3A_1008 = arith.constant 4.096000e+03 : f32
    %div3A_1009 = vector.broadcast %div3A_1008 : f32 to vector<1x64xf32>
    %div3A_1010 = arith.divf %broadcast_in_dim3A_1007, %div3A_1009 : vector<1x64xf32>
    %jit3A_1011 = arith.constant 0 : i32
    %reduce_sum3A_1012 = arith.constant dense<0.000000e+00> : vector<64xf32>
    %reduce_sum3A_1013 = vector.multi_reduction <add>, %add3A_1004, %reduce_sum3A_1012 [0] : vector<4096x64xf32> to vector<64xf32>
    %broadcast_in_dim3A_1014 = vector.shape_cast %reduce_sum3A_1013 : vector<64xf32> to vector<1x64xf32>
    %div3A_1015 = arith.constant 4.096000e+03 : f32
    %div3A_1016 = vector.broadcast %div3A_1015 : f32 to vector<1x64xf32>
    %div3A_1017 = arith.divf %broadcast_in_dim3A_1014, %div3A_1016 : vector<1x64xf32>
    %sub3A_1018 = vector.broadcast %div3A_1017 : vector<1x64xf32> to vector<4096x64xf32>
    %sub3A_1019 = arith.subf %add3A_1004, %sub3A_1018 : vector<4096x64xf32>
    %square3A_1020 = arith.mulf %sub3A_1019, %sub3A_1019 : vector<4096x64xf32>
    %convert_element_type3A_1021 = arith.sitofp %jit3A_1011 : i32 to f32
    %sub3A_1022 = arith.constant 4.096000e+03 : f32
    %sub3A_1023 = arith.subf %sub3A_1022, %convert_element_type3A_1021 : f32
    %reduce_sum3A_1024 = arith.constant dense<0.000000e+00> : vector<64xf32>
    %reduce_sum3A_1025 = vector.multi_reduction <add>, %square3A_1020, %reduce_sum3A_1024 [0] : vector<4096x64xf32> to vector<64xf32>
    %broadcast_in_dim3A_1026 = vector.shape_cast %reduce_sum3A_1025 : vector<64xf32> to vector<1x64xf32>
    %div3A_1027 = vector.broadcast %sub3A_1023 : f32 to vector<1x64xf32>
    %div3A_1028 = arith.divf %broadcast_in_dim3A_1026, %div3A_1027 : vector<1x64xf32>
    %gt3A_1029 = arith.constant 0.000000e+00 : f32
    %gt3A_1030 = arith.cmpf ogt, %sub3A_1023, %gt3A_1029 : f32
    %jit3A_1031 = arith.constant 0x7FC00000 : f32
    %broadcast_in_dim3A_1032 = vector.broadcast %jit3A_1031 : f32 to vector<1x64xf32>
    %select_n3A_1033 = arith.select %gt3A_1030, %div3A_1028, %broadcast_in_dim3A_1032 : vector<1x64xf32>
    %sub3A_1034 = vector.broadcast %div3A_1010 : vector<1x64xf32> to vector<4096x64xf32>
    %sub3A_1035 = arith.subf %add3A_1004, %sub3A_1034 : vector<4096x64xf32>
    %add3A_1036 = arith.constant 9.99999974E-6 : f32
    %add3A_1037 = vector.broadcast %add3A_1036 : f32 to vector<1x64xf32>
    %add3A_1038 = arith.addf %select_n3A_1033, %add3A_1037 : vector<1x64xf32>
    %sqrt3A_1039 = math.sqrt %add3A_1038 : vector<1x64xf32>
    %div3A_1040 = vector.broadcast %sqrt3A_1039 : vector<1x64xf32> to vector<4096x64xf32>
    %div3A_1041 = arith.divf %sub3A_1035, %div3A_1040 : vector<4096x64xf32>
    %max3A_1042 = arith.constant 0.000000e+00 : f32
    %max3A_1043 = vector.broadcast %max3A_1042 : f32 to vector<4096x64xf32>
    %max3A_1044 = arith.maximumf %div3A_1041, %max3A_1043 : vector<4096x64xf32>
    %dot_general3A_1045 = arith.constant dense<0.000000e+00> : vector<4096x32xf32>
    %dot_general3A_1046 = tpu.matmul %max3A_1044, %get3A_109, %dot_general3A_1045 {dimension_numbers = #tpu.dot_dimension_numbers<[1], [0], [0], [1], [0, 0, 1, 1], [], []>, transpose_lhs_hint = false} : vector<4096x64xf32>, vector<64x32xf32>, vector<4096x32xf32> -> vector<4096x32xf32>
    %add3A_1047 = vector.broadcast %get3A_112 : vector<1x32xf32> to vector<4096x32xf32>
    %add3A_1048 = arith.addf %dot_general3A_1046, %add3A_1047 : vector<4096x32xf32>
    %reduce_sum3A_1049 = arith.constant dense<0.000000e+00> : vector<32xf32>
    %reduce_sum3A_1050 = vector.multi_reduction <add>, %add3A_1048, %reduce_sum3A_1049 [0] : vector<4096x32xf32> to vector<32xf32>
    %broadcast_in_dim3A_1051 = vector.shape_cast %reduce_sum3A_1050 : vector<32xf32> to vector<1x32xf32>
    %div3A_1052 = arith.constant 4.096000e+03 : f32
    %div3A_1053 = vector.broadcast %div3A_1052 : f32 to vector<1x32xf32>
    %div3A_1054 = arith.divf %broadcast_in_dim3A_1051, %div3A_1053 : vector<1x32xf32>
    %jit3A_1055 = arith.constant 0 : i32
    %reduce_sum3A_1056 = arith.constant dense<0.000000e+00> : vector<32xf32>
    %reduce_sum3A_1057 = vector.multi_reduction <add>, %add3A_1048, %reduce_sum3A_1056 [0] : vector<4096x32xf32> to vector<32xf32>
    %broadcast_in_dim3A_1058 = vector.shape_cast %reduce_sum3A_1057 : vector<32xf32> to vector<1x32xf32>
    %div3A_1059 = arith.constant 4.096000e+03 : f32
    %div3A_1060 = vector.broadcast %div3A_1059 : f32 to vector<1x32xf32>
    %div3A_1061 = arith.divf %broadcast_in_dim3A_1058, %div3A_1060 : vector<1x32xf32>
    %sub3A_1062 = vector.broadcast %div3A_1061 : vector<1x32xf32> to vector<4096x32xf32>
    %sub3A_1063 = arith.subf %add3A_1048, %sub3A_1062 : vector<4096x32xf32>
    %square3A_1064 = arith.mulf %sub3A_1063, %sub3A_1063 : vector<4096x32xf32>
    %convert_element_type3A_1065 = arith.sitofp %jit3A_1055 : i32 to f32
    %sub3A_1066 = arith.constant 4.096000e+03 : f32
    %sub3A_1067 = arith.subf %sub3A_1066, %convert_element_type3A_1065 : f32
    %reduce_sum3A_1068 = arith.constant dense<0.000000e+00> : vector<32xf32>
    %reduce_sum3A_1069 = vector.multi_reduction <add>, %square3A_1064, %reduce_sum3A_1068 [0] : vector<4096x32xf32> to vector<32xf32>
    %broadcast_in_dim3A_1070 = vector.shape_cast %reduce_sum3A_1069 : vector<32xf32> to vector<1x32xf32>
    %div3A_1071 = vector.broadcast %sub3A_1067 : f32 to vector<1x32xf32>
    %div3A_1072 = arith.divf %broadcast_in_dim3A_1070, %div3A_1071 : vector<1x32xf32>
    %gt3A_1073 = arith.constant 0.000000e+00 : f32
    %gt3A_1074 = arith.cmpf ogt, %sub3A_1067, %gt3A_1073 : f32
    %jit3A_1075 = arith.constant 0x7FC00000 : f32
    %broadcast_in_dim3A_1076 = vector.broadcast %jit3A_1075 : f32 to vector<1x32xf32>
    %select_n3A_1077 = arith.select %gt3A_1074, %div3A_1072, %broadcast_in_dim3A_1076 : vector<1x32xf32>
    %sub3A_1078 = vector.broadcast %div3A_1054 : vector<1x32xf32> to vector<4096x32xf32>
    %sub3A_1079 = arith.subf %add3A_1048, %sub3A_1078 : vector<4096x32xf32>
    %add3A_1080 = arith.constant 9.99999974E-6 : f32
    %add3A_1081 = vector.broadcast %add3A_1080 : f32 to vector<1x32xf32>
    %add3A_1082 = arith.addf %select_n3A_1077, %add3A_1081 : vector<1x32xf32>
    %sqrt3A_1083 = math.sqrt %add3A_1082 : vector<1x32xf32>
    %div3A_1084 = vector.broadcast %sqrt3A_1083 : vector<1x32xf32> to vector<4096x32xf32>
    %div3A_1085 = arith.divf %sub3A_1079, %div3A_1084 : vector<4096x32xf32>
    %max3A_1086 = arith.constant 0.000000e+00 : f32
    %max3A_1087 = vector.broadcast %max3A_1086 : f32 to vector<4096x32xf32>
    %max3A_1088 = arith.maximumf %div3A_1085, %max3A_1087 : vector<4096x32xf32>
    %dot_general3A_1089 = arith.constant dense<0.000000e+00> : vector<4096x1xf32>
    %dot_general3A_1090 = tpu.matmul %max3A_1088, %get3A_115, %dot_general3A_1089 {dimension_numbers = #tpu.dot_dimension_numbers<[1], [0], [0], [1], [0, 0, 1, 1], [], []>, transpose_lhs_hint = false} : vector<4096x32xf32>, vector<32x1xf32>, vector<4096x1xf32> -> vector<4096x1xf32>
    %add3A_1091 = vector.broadcast %get3A_118 : vector<1x1xf32> to vector<4096x1xf32>
    %add3A_1092 = arith.addf %dot_general3A_1090, %add3A_1091 : vector<4096x1xf32>
    %reduce_sum3A_1093 = arith.constant dense<0.000000e+00> : vector<1xf32>
    %reduce_sum3A_1094 = vector.multi_reduction <add>, %add3A_1092, %reduce_sum3A_1093 [0] : vector<4096x1xf32> to vector<1xf32>
    %broadcast_in_dim3A_1095 = vector.shape_cast %reduce_sum3A_1094 : vector<1xf32> to vector<1x1xf32>
    %div3A_1096 = arith.constant 4.096000e+03 : f32
    %div3A_1097 = vector.broadcast %div3A_1096 : f32 to vector<1x1xf32>
    %div3A_1098 = arith.divf %broadcast_in_dim3A_1095, %div3A_1097 : vector<1x1xf32>
    %jit3A_1099 = arith.constant 0 : i32
    %reduce_sum3A_1100 = arith.constant dense<0.000000e+00> : vector<1xf32>
    %reduce_sum3A_1101 = vector.multi_reduction <add>, %add3A_1092, %reduce_sum3A_1100 [0] : vector<4096x1xf32> to vector<1xf32>
    %broadcast_in_dim3A_1102 = vector.shape_cast %reduce_sum3A_1101 : vector<1xf32> to vector<1x1xf32>
    %div3A_1103 = arith.constant 4.096000e+03 : f32
    %div3A_1104 = vector.broadcast %div3A_1103 : f32 to vector<1x1xf32>
    %div3A_1105 = arith.divf %broadcast_in_dim3A_1102, %div3A_1104 : vector<1x1xf32>
    %sub3A_1106 = vector.broadcast %div3A_1105 : vector<1x1xf32> to vector<4096x1xf32>
    %sub3A_1107 = arith.subf %add3A_1092, %sub3A_1106 : vector<4096x1xf32>
    %square3A_1108 = arith.mulf %sub3A_1107, %sub3A_1107 : vector<4096x1xf32>
    %convert_element_type3A_1109 = arith.sitofp %jit3A_1099 : i32 to f32
    %sub3A_1110 = arith.constant 4.096000e+03 : f32
    %sub3A_1111 = arith.subf %sub3A_1110, %convert_element_type3A_1109 : f32
    %reduce_sum3A_1112 = arith.constant dense<0.000000e+00> : vector<1xf32>
    %reduce_sum3A_1113 = vector.multi_reduction <add>, %square3A_1108, %reduce_sum3A_1112 [0] : vector<4096x1xf32> to vector<1xf32>
    %broadcast_in_dim3A_1114 = vector.shape_cast %reduce_sum3A_1113 : vector<1xf32> to vector<1x1xf32>
    %div3A_1115 = vector.broadcast %sub3A_1111 : f32 to vector<1x1xf32>
    %div3A_1116 = arith.divf %broadcast_in_dim3A_1114, %div3A_1115 : vector<1x1xf32>
    %gt3A_1117 = arith.constant 0.000000e+00 : f32
    %gt3A_1118 = arith.cmpf ogt, %sub3A_1111, %gt3A_1117 : f32
    %jit3A_1119 = arith.constant 0x7FC00000 : f32
    %broadcast_in_dim3A_1120 = vector.broadcast %jit3A_1119 : f32 to vector<1x1xf32>
    %select_n3A_1121 = arith.select %gt3A_1118, %div3A_1116, %broadcast_in_dim3A_1120 : vector<1x1xf32>
    %sub3A_1122 = vector.broadcast %div3A_1098 : vector<1x1xf32> to vector<4096x1xf32>
    %sub3A_1123 = arith.subf %add3A_1092, %sub3A_1122 : vector<4096x1xf32>
    %add3A_1124 = arith.constant 9.99999974E-6 : f32
    %add3A_1125 = vector.broadcast %add3A_1124 : f32 to vector<1x1xf32>
    %add3A_1126 = arith.addf %select_n3A_1121, %add3A_1125 : vector<1x1xf32>
    %sqrt3A_1127 = math.sqrt %add3A_1126 : vector<1x1xf32>
    %div3A_1128 = vector.broadcast %sqrt3A_1127 : vector<1x1xf32> to vector<4096x1xf32>
    %div3A_1129 = arith.divf %sub3A_1123, %div3A_1128 : vector<4096x1xf32>
    %logistic3A_1130 = arith.negf %div3A_1129 : vector<4096x1xf32>
    %logistic3A_1131 = math.exp %logistic3A_1130 : vector<4096x1xf32>
    %logistic3A_1132 = arith.constant 1.000000e+00 : f32
    %logistic3A_1133 = vector.broadcast %logistic3A_1132 : f32 to vector<4096x1xf32>
    %logistic3A_1134 = arith.addf %logistic3A_1133, %logistic3A_1131 : vector<4096x1xf32>
    %logistic3A_1135 = arith.divf %logistic3A_1133, %logistic3A_1134 : vector<4096x1xf32>
    %swap3A_1136 = arith.constant 0 : index
    %swap3A_1137 = arith.constant 0 : index
    %swap3A_1138 = vector.load %arg60[%swap3A_1136, %swap3A_1137] : memref<4096x1xf32, #tpu.memory_space<vmem>>, vector<4096x1xf32>
    tpu.vector_store %arg60[%swap3A_1136, %swap3A_1137], %logistic3A_1135 {strides = array<i32>} : memref<4096x1xf32, #tpu.memory_space<vmem>>, vector<4096x1xf32>,
    %dot_general3A_1139 = arith.constant dense<0.000000e+00> : vector<4096x64xf32>
    %dot_general3A_1140 = tpu.matmul %div3A_312, %get3A_121, %dot_general3A_1139 {dimension_numbers = #tpu.dot_dimension_numbers<[1], [0], [0], [1], [0, 0, 1, 1], [], []>, transpose_lhs_hint = false} : vector<4096x128xf32>, vector<128x64xf32>, vector<4096x64xf32> -> vector<4096x64xf32>
    %add3A_1141 = vector.broadcast %get3A_124 : vector<1x64xf32> to vector<4096x64xf32>
    %add3A_1142 = arith.addf %dot_general3A_1140, %add3A_1141 : vector<4096x64xf32>
    %reduce_sum3A_1143 = arith.constant dense<0.000000e+00> : vector<64xf32>
    %reduce_sum3A_1144 = vector.multi_reduction <add>, %add3A_1142, %reduce_sum3A_1143 [0] : vector<4096x64xf32> to vector<64xf32>
    %broadcast_in_dim3A_1145 = vector.shape_cast %reduce_sum3A_1144 : vector<64xf32> to vector<1x64xf32>
    %div3A_1146 = arith.constant 4.096000e+03 : f32
    %div3A_1147 = vector.broadcast %div3A_1146 : f32 to vector<1x64xf32>
    %div3A_1148 = arith.divf %broadcast_in_dim3A_1145, %div3A_1147 : vector<1x64xf32>
    %jit3A_1149 = arith.constant 0 : i32
    %reduce_sum3A_1150 = arith.constant dense<0.000000e+00> : vector<64xf32>
    %reduce_sum3A_1151 = vector.multi_reduction <add>, %add3A_1142, %reduce_sum3A_1150 [0] : vector<4096x64xf32> to vector<64xf32>
    %broadcast_in_dim3A_1152 = vector.shape_cast %reduce_sum3A_1151 : vector<64xf32> to vector<1x64xf32>
    %div3A_1153 = arith.constant 4.096000e+03 : f32
    %div3A_1154 = vector.broadcast %div3A_1153 : f32 to vector<1x64xf32>
    %div3A_1155 = arith.divf %broadcast_in_dim3A_1152, %div3A_1154 : vector<1x64xf32>
    %sub3A_1156 = vector.broadcast %div3A_1155 : vector<1x64xf32> to vector<4096x64xf32>
    %sub3A_1157 = arith.subf %add3A_1142, %sub3A_1156 : vector<4096x64xf32>
    %square3A_1158 = arith.mulf %sub3A_1157, %sub3A_1157 : vector<4096x64xf32>
    %convert_element_type3A_1159 = arith.sitofp %jit3A_1149 : i32 to f32
    %sub3A_1160 = arith.constant 4.096000e+03 : f32
    %sub3A_1161 = arith.subf %sub3A_1160, %convert_element_type3A_1159 : f32
    %reduce_sum3A_1162 = arith.constant dense<0.000000e+00> : vector<64xf32>
    %reduce_sum3A_1163 = vector.multi_reduction <add>, %square3A_1158, %reduce_sum3A_1162 [0] : vector<4096x64xf32> to vector<64xf32>
    %broadcast_in_dim3A_1164 = vector.shape_cast %reduce_sum3A_1163 : vector<64xf32> to vector<1x64xf32>
    %div3A_1165 = vector.broadcast %sub3A_1161 : f32 to vector<1x64xf32>
    %div3A_1166 = arith.divf %broadcast_in_dim3A_1164, %div3A_1165 : vector<1x64xf32>
    %gt3A_1167 = arith.constant 0.000000e+00 : f32
    %gt3A_1168 = arith.cmpf ogt, %sub3A_1161, %gt3A_1167 : f32
    %jit3A_1169 = arith.constant 0x7FC00000 : f32
    %broadcast_in_dim3A_1170 = vector.broadcast %jit3A_1169 : f32 to vector<1x64xf32>
    %select_n3A_1171 = arith.select %gt3A_1168, %div3A_1166, %broadcast_in_dim3A_1170 : vector<1x64xf32>
    %sub3A_1172 = vector.broadcast %div3A_1148 : vector<1x64xf32> to vector<4096x64xf32>
    %sub3A_1173 = arith.subf %add3A_1142, %sub3A_1172 : vector<4096x64xf32>
    %add3A_1174 = arith.constant 9.99999974E-6 : f32
    %add3A_1175 = vector.broadcast %add3A_1174 : f32 to vector<1x64xf32>
    %add3A_1176 = arith.addf %select_n3A_1171, %add3A_1175 : vector<1x64xf32>
    %sqrt3A_1177 = math.sqrt %add3A_1176 : vector<1x64xf32>
    %div3A_1178 = vector.broadcast %sqrt3A_1177 : vector<1x64xf32> to vector<4096x64xf32>
    %div3A_1179 = arith.divf %sub3A_1173, %div3A_1178 : vector<4096x64xf32>
    %max3A_1180 = arith.constant 0.000000e+00 : f32
    %max3A_1181 = vector.broadcast %max3A_1180 : f32 to vector<4096x64xf32>
    %max3A_1182 = arith.maximumf %div3A_1179, %max3A_1181 : vector<4096x64xf32>
    %dot_general3A_1183 = arith.constant dense<0.000000e+00> : vector<4096x32xf32>
    %dot_general3A_1184 = tpu.matmul %max3A_1182, %get3A_127, %dot_general3A_1183 {dimension_numbers = #tpu.dot_dimension_numbers<[1], [0], [0], [1], [0, 0, 1, 1], [], []>, transpose_lhs_hint = false} : vector<4096x64xf32>, vector<64x32xf32>, vector<4096x32xf32> -> vector<4096x32xf32>
    %add3A_1185 = vector.broadcast %get3A_130 : vector<1x32xf32> to vector<4096x32xf32>
    %add3A_1186 = arith.addf %dot_general3A_1184, %add3A_1185 : vector<4096x32xf32>
    %reduce_sum3A_1187 = arith.constant dense<0.000000e+00> : vector<32xf32>
    %reduce_sum3A_1188 = vector.multi_reduction <add>, %add3A_1186, %reduce_sum3A_1187 [0] : vector<4096x32xf32> to vector<32xf32>
    %broadcast_in_dim3A_1189 = vector.shape_cast %reduce_sum3A_1188 : vector<32xf32> to vector<1x32xf32>
    %div3A_1190 = arith.constant 4.096000e+03 : f32
    %div3A_1191 = vector.broadcast %div3A_1190 : f32 to vector<1x32xf32>
    %div3A_1192 = arith.divf %broadcast_in_dim3A_1189, %div3A_1191 : vector<1x32xf32>
    %jit3A_1193 = arith.constant 0 : i32
    %reduce_sum3A_1194 = arith.constant dense<0.000000e+00> : vector<32xf32>
    %reduce_sum3A_1195 = vector.multi_reduction <add>, %add3A_1186, %reduce_sum3A_1194 [0] : vector<4096x32xf32> to vector<32xf32>
    %broadcast_in_dim3A_1196 = vector.shape_cast %reduce_sum3A_1195 : vector<32xf32> to vector<1x32xf32>
    %div3A_1197 = arith.constant 4.096000e+03 : f32
    %div3A_1198 = vector.broadcast %div3A_1197 : f32 to vector<1x32xf32>
    %div3A_1199 = arith.divf %broadcast_in_dim3A_1196, %div3A_1198 : vector<1x32xf32>
    %sub3A_1200 = vector.broadcast %div3A_1199 : vector<1x32xf32> to vector<4096x32xf32>
    %sub3A_1201 = arith.subf %add3A_1186, %sub3A_1200 : vector<4096x32xf32>
    %square3A_1202 = arith.mulf %sub3A_1201, %sub3A_1201 : vector<4096x32xf32>
    %convert_element_type3A_1203 = arith.sitofp %jit3A_1193 : i32 to f32
    %sub3A_1204 = arith.constant 4.096000e+03 : f32
    %sub3A_1205 = arith.subf %sub3A_1204, %convert_element_type3A_1203 : f32
    %reduce_sum3A_1206 = arith.constant dense<0.000000e+00> : vector<32xf32>
    %reduce_sum3A_1207 = vector.multi_reduction <add>, %square3A_1202, %reduce_sum3A_1206 [0] : vector<4096x32xf32> to vector<32xf32>
    %broadcast_in_dim3A_1208 = vector.shape_cast %reduce_sum3A_1207 : vector<32xf32> to vector<1x32xf32>
    %div3A_1209 = vector.broadcast %sub3A_1205 : f32 to vector<1x32xf32>
    %div3A_1210 = arith.divf %broadcast_in_dim3A_1208, %div3A_1209 : vector<1x32xf32>
    %gt3A_1211 = arith.constant 0.000000e+00 : f32
    %gt3A_1212 = arith.cmpf ogt, %sub3A_1205, %gt3A_1211 : f32
    %jit3A_1213 = arith.constant 0x7FC00000 : f32
    %broadcast_in_dim3A_1214 = vector.broadcast %jit3A_1213 : f32 to vector<1x32xf32>
    %select_n3A_1215 = arith.select %gt3A_1212, %div3A_1210, %broadcast_in_dim3A_1214 : vector<1x32xf32>
    %sub3A_1216 = vector.broadcast %div3A_1192 : vector<1x32xf32> to vector<4096x32xf32>
    %sub3A_1217 = arith.subf %add3A_1186, %sub3A_1216 : vector<4096x32xf32>
    %add3A_1218 = arith.constant 9.99999974E-6 : f32
    %add3A_1219 = vector.broadcast %add3A_1218 : f32 to vector<1x32xf32>
    %add3A_1220 = arith.addf %select_n3A_1215, %add3A_1219 : vector<1x32xf32>
    %sqrt3A_1221 = math.sqrt %add3A_1220 : vector<1x32xf32>
    %div3A_1222 = vector.broadcast %sqrt3A_1221 : vector<1x32xf32> to vector<4096x32xf32>
    %div3A_1223 = arith.divf %sub3A_1217, %div3A_1222 : vector<4096x32xf32>
    %max3A_1224 = arith.constant 0.000000e+00 : f32
    %max3A_1225 = vector.broadcast %max3A_1224 : f32 to vector<4096x32xf32>
    %max3A_1226 = arith.maximumf %div3A_1223, %max3A_1225 : vector<4096x32xf32>
    %dot_general3A_1227 = arith.constant dense<0.000000e+00> : vector<4096x1xf32>
    %dot_general3A_1228 = tpu.matmul %max3A_1226, %get3A_133, %dot_general3A_1227 {dimension_numbers = #tpu.dot_dimension_numbers<[1], [0], [0], [1], [0, 0, 1, 1], [], []>, transpose_lhs_hint = false} : vector<4096x32xf32>, vector<32x1xf32>, vector<4096x1xf32> -> vector<4096x1xf32>
    %add3A_1229 = vector.broadcast %get3A_136 : vector<1x1xf32> to vector<4096x1xf32>
    %add3A_1230 = arith.addf %dot_general3A_1228, %add3A_1229 : vector<4096x1xf32>
    %reduce_sum3A_1231 = arith.constant dense<0.000000e+00> : vector<1xf32>
    %reduce_sum3A_1232 = vector.multi_reduction <add>, %add3A_1230, %reduce_sum3A_1231 [0] : vector<4096x1xf32> to vector<1xf32>
    %broadcast_in_dim3A_1233 = vector.shape_cast %reduce_sum3A_1232 : vector<1xf32> to vector<1x1xf32>
    %div3A_1234 = arith.constant 4.096000e+03 : f32
    %div3A_1235 = vector.broadcast %div3A_1234 : f32 to vector<1x1xf32>
    %div3A_1236 = arith.divf %broadcast_in_dim3A_1233, %div3A_1235 : vector<1x1xf32>
    %jit3A_1237 = arith.constant 0 : i32
    %reduce_sum3A_1238 = arith.constant dense<0.000000e+00> : vector<1xf32>
    %reduce_sum3A_1239 = vector.multi_reduction <add>, %add3A_1230, %reduce_sum3A_1238 [0] : vector<4096x1xf32> to vector<1xf32>
    %broadcast_in_dim3A_1240 = vector.shape_cast %reduce_sum3A_1239 : vector<1xf32> to vector<1x1xf32>
    %div3A_1241 = arith.constant 4.096000e+03 : f32
    %div3A_1242 = vector.broadcast %div3A_1241 : f32 to vector<1x1xf32>
    %div3A_1243 = arith.divf %broadcast_in_dim3A_1240, %div3A_1242 : vector<1x1xf32>
    %sub3A_1244 = vector.broadcast %div3A_1243 : vector<1x1xf32> to vector<4096x1xf32>
    %sub3A_1245 = arith.subf %add3A_1230, %sub3A_1244 : vector<4096x1xf32>
    %square3A_1246 = arith.mulf %sub3A_1245, %sub3A_1245 : vector<4096x1xf32>
    %convert_element_type3A_1247 = arith.sitofp %jit3A_1237 : i32 to f32
    %sub3A_1248 = arith.constant 4.096000e+03 : f32
    %sub3A_1249 = arith.subf %sub3A_1248, %convert_element_type3A_1247 : f32
    %reduce_sum3A_1250 = arith.constant dense<0.000000e+00> : vector<1xf32>
    %reduce_sum3A_1251 = vector.multi_reduction <add>, %square3A_1246, %reduce_sum3A_1250 [0] : vector<4096x1xf32> to vector<1xf32>
    %broadcast_in_dim3A_1252 = vector.shape_cast %reduce_sum3A_1251 : vector<1xf32> to vector<1x1xf32>
    %div3A_1253 = vector.broadcast %sub3A_1249 : f32 to vector<1x1xf32>
    %div3A_1254 = arith.divf %broadcast_in_dim3A_1252, %div3A_1253 : vector<1x1xf32>
    %gt3A_1255 = arith.constant 0.000000e+00 : f32
    %gt3A_1256 = arith.cmpf ogt, %sub3A_1249, %gt3A_1255 : f32
    %jit3A_1257 = arith.constant 0x7FC00000 : f32
    %broadcast_in_dim3A_1258 = vector.broadcast %jit3A_1257 : f32 to vector<1x1xf32>
    %select_n3A_1259 = arith.select %gt3A_1256, %div3A_1254, %broadcast_in_dim3A_1258 : vector<1x1xf32>
    %sub3A_1260 = vector.broadcast %div3A_1236 : vector<1x1xf32> to vector<4096x1xf32>
    %sub3A_1261 = arith.subf %add3A_1230, %sub3A_1260 : vector<4096x1xf32>
    %add3A_1262 = arith.constant 9.99999974E-6 : f32
    %add3A_1263 = vector.broadcast %add3A_1262 : f32 to vector<1x1xf32>
    %add3A_1264 = arith.addf %select_n3A_1259, %add3A_1263 : vector<1x1xf32>
    %sqrt3A_1265 = math.sqrt %add3A_1264 : vector<1x1xf32>
    %div3A_1266 = vector.broadcast %sqrt3A_1265 : vector<1x1xf32> to vector<4096x1xf32>
    %div3A_1267 = arith.divf %sub3A_1261, %div3A_1266 : vector<4096x1xf32>
    %swap3A_1268 = arith.constant 0 : index
    %swap3A_1269 = arith.constant 0 : index
    %swap3A_1270 = vector.load %arg61[%swap3A_1268, %swap3A_1269] : memref<4096x1xf32, #tpu.memory_space<vmem>>, vector<4096x1xf32>
    tpu.vector_store %arg61[%swap3A_1268, %swap3A_1269], %div3A_1267 {strides = array<i32>} : memref<4096x1xf32, #tpu.memory_space<vmem>>, vector<4096x1xf32>,
    %dot_general3A_1271 = arith.constant dense<0.000000e+00> : vector<4096x32xf32>
    %dot_general3A_1272 = tpu.matmul %div3A_312, %get3A_139, %dot_general3A_1271 {dimension_numbers = #tpu.dot_dimension_numbers<[1], [0], [0], [1], [0, 0, 1, 1], [], []>, transpose_lhs_hint = false} : vector<4096x128xf32>, vector<128x32xf32>, vector<4096x32xf32> -> vector<4096x32xf32>
    %add3A_1273 = vector.broadcast %get3A_142 : vector<1x32xf32> to vector<4096x32xf32>
    %add3A_1274 = arith.addf %dot_general3A_1272, %add3A_1273 : vector<4096x32xf32>
    %reduce_sum3A_1275 = arith.constant dense<0.000000e+00> : vector<32xf32>
    %reduce_sum3A_1276 = vector.multi_reduction <add>, %add3A_1274, %reduce_sum3A_1275 [0] : vector<4096x32xf32> to vector<32xf32>
    %broadcast_in_dim3A_1277 = vector.shape_cast %reduce_sum3A_1276 : vector<32xf32> to vector<1x32xf32>
    %div3A_1278 = arith.constant 4.096000e+03 : f32
    %div3A_1279 = vector.broadcast %div3A_1278 : f32 to vector<1x32xf32>
    %div3A_1280 = arith.divf %broadcast_in_dim3A_1277, %div3A_1279 : vector<1x32xf32>
    %jit3A_1281 = arith.constant 0 : i32
    %reduce_sum3A_1282 = arith.constant dense<0.000000e+00> : vector<32xf32>
    %reduce_sum3A_1283 = vector.multi_reduction <add>, %add3A_1274, %reduce_sum3A_1282 [0] : vector<4096x32xf32> to vector<32xf32>
    %broadcast_in_dim3A_1284 = vector.shape_cast %reduce_sum3A_1283 : vector<32xf32> to vector<1x32xf32>
    %div3A_1285 = arith.constant 4.096000e+03 : f32
    %div3A_1286 = vector.broadcast %div3A_1285 : f32 to vector<1x32xf32>
    %div3A_1287 = arith.divf %broadcast_in_dim3A_1284, %div3A_1286 : vector<1x32xf32>
    %sub3A_1288 = vector.broadcast %div3A_1287 : vector<1x32xf32> to vector<4096x32xf32>
    %sub3A_1289 = arith.subf %add3A_1274, %sub3A_1288 : vector<4096x32xf32>
    %square3A_1290 = arith.mulf %sub3A_1289, %sub3A_1289 : vector<4096x32xf32>
    %convert_element_type3A_1291 = arith.sitofp %jit3A_1281 : i32 to f32
    %sub3A_1292 = arith.constant 4.096000e+03 : f32
    %sub3A_1293 = arith.subf %sub3A_1292, %convert_element_type3A_1291 : f32
    %reduce_sum3A_1294 = arith.constant dense<0.000000e+00> : vector<32xf32>
    %reduce_sum3A_1295 = vector.multi_reduction <add>, %square3A_1290, %reduce_sum3A_1294 [0] : vector<4096x32xf32> to vector<32xf32>
    %broadcast_in_dim3A_1296 = vector.shape_cast %reduce_sum3A_1295 : vector<32xf32> to vector<1x32xf32>
    %div3A_1297 = vector.broadcast %sub3A_1293 : f32 to vector<1x32xf32>
    %div3A_1298 = arith.divf %broadcast_in_dim3A_1296, %div3A_1297 : vector<1x32xf32>
    %gt3A_1299 = arith.constant 0.000000e+00 : f32
    %gt3A_1300 = arith.cmpf ogt, %sub3A_1293, %gt3A_1299 : f32
    %jit3A_1301 = arith.constant 0x7FC00000 : f32
    %broadcast_in_dim3A_1302 = vector.broadcast %jit3A_1301 : f32 to vector<1x32xf32>
    %select_n3A_1303 = arith.select %gt3A_1300, %div3A_1298, %broadcast_in_dim3A_1302 : vector<1x32xf32>
    %sub3A_1304 = vector.broadcast %div3A_1280 : vector<1x32xf32> to vector<4096x32xf32>
    %sub3A_1305 = arith.subf %add3A_1274, %sub3A_1304 : vector<4096x32xf32>
    %add3A_1306 = arith.constant 9.99999974E-6 : f32
    %add3A_1307 = vector.broadcast %add3A_1306 : f32 to vector<1x32xf32>
    %add3A_1308 = arith.addf %select_n3A_1303, %add3A_1307 : vector<1x32xf32>
    %sqrt3A_1309 = math.sqrt %add3A_1308 : vector<1x32xf32>
    %div3A_1310 = vector.broadcast %sqrt3A_1309 : vector<1x32xf32> to vector<4096x32xf32>
    %div3A_1311 = arith.divf %sub3A_1305, %div3A_1310 : vector<4096x32xf32>
    %max3A_1312 = arith.constant 0.000000e+00 : f32
    %max3A_1313 = vector.broadcast %max3A_1312 : f32 to vector<4096x32xf32>
    %max3A_1314 = arith.maximumf %div3A_1311, %max3A_1313 : vector<4096x32xf32>
    %dot_general3A_1315 = arith.constant dense<0.000000e+00> : vector<4096x1xf32>
    %dot_general3A_1316 = tpu.matmul %max3A_1314, %get3A_145, %dot_general3A_1315 {dimension_numbers = #tpu.dot_dimension_numbers<[1], [0], [0], [1], [0, 0, 1, 1], [], []>, transpose_lhs_hint = false} : vector<4096x32xf32>, vector<32x1xf32>, vector<4096x1xf32> -> vector<4096x1xf32>
    %add3A_1317 = vector.broadcast %get3A_148 : vector<1x1xf32> to vector<4096x1xf32>
    %add3A_1318 = arith.addf %dot_general3A_1316, %add3A_1317 : vector<4096x1xf32>
    %reduce_sum3A_1319 = arith.constant dense<0.000000e+00> : vector<1xf32>
    %reduce_sum3A_1320 = vector.multi_reduction <add>, %add3A_1318, %reduce_sum3A_1319 [0] : vector<4096x1xf32> to vector<1xf32>
    %broadcast_in_dim3A_1321 = vector.shape_cast %reduce_sum3A_1320 : vector<1xf32> to vector<1x1xf32>
    %div3A_1322 = arith.constant 4.096000e+03 : f32
    %div3A_1323 = vector.broadcast %div3A_1322 : f32 to vector<1x1xf32>
    %div3A_1324 = arith.divf %broadcast_in_dim3A_1321, %div3A_1323 : vector<1x1xf32>
    %jit3A_1325 = arith.constant 0 : i32
    %reduce_sum3A_1326 = arith.constant dense<0.000000e+00> : vector<1xf32>
    %reduce_sum3A_1327 = vector.multi_reduction <add>, %add3A_1318, %reduce_sum3A_1326 [0] : vector<4096x1xf32> to vector<1xf32>
    %broadcast_in_dim3A_1328 = vector.shape_cast %reduce_sum3A_1327 : vector<1xf32> to vector<1x1xf32>
    %div3A_1329 = arith.constant 4.096000e+03 : f32
    %div3A_1330 = vector.broadcast %div3A_1329 : f32 to vector<1x1xf32>
    %div3A_1331 = arith.divf %broadcast_in_dim3A_1328, %div3A_1330 : vector<1x1xf32>
    %sub3A_1332 = vector.broadcast %div3A_1331 : vector<1x1xf32> to vector<4096x1xf32>
    %sub3A_1333 = arith.subf %add3A_1318, %sub3A_1332 : vector<4096x1xf32>
    %square3A_1334 = arith.mulf %sub3A_1333, %sub3A_1333 : vector<4096x1xf32>
    %convert_element_type3A_1335 = arith.sitofp %jit3A_1325 : i32 to f32
    %sub3A_1336 = arith.constant 4.096000e+03 : f32
    %sub3A_1337 = arith.subf %sub3A_1336, %convert_element_type3A_1335 : f32
    %reduce_sum3A_1338 = arith.constant dense<0.000000e+00> : vector<1xf32>
    %reduce_sum3A_1339 = vector.multi_reduction <add>, %square3A_1334, %reduce_sum3A_1338 [0] : vector<4096x1xf32> to vector<1xf32>
    %broadcast_in_dim3A_1340 = vector.shape_cast %reduce_sum3A_1339 : vector<1xf32> to vector<1x1xf32>
    %div3A_1341 = vector.broadcast %sub3A_1337 : f32 to vector<1x1xf32>
    %div3A_1342 = arith.divf %broadcast_in_dim3A_1340, %div3A_1341 : vector<1x1xf32>
    %gt3A_1343 = arith.constant 0.000000e+00 : f32
    %gt3A_1344 = arith.cmpf ogt, %sub3A_1337, %gt3A_1343 : f32
    %jit3A_1345 = arith.constant 0x7FC00000 : f32
    %broadcast_in_dim3A_1346 = vector.broadcast %jit3A_1345 : f32 to vector<1x1xf32>
    %select_n3A_1347 = arith.select %gt3A_1344, %div3A_1342, %broadcast_in_dim3A_1346 : vector<1x1xf32>
    %sub3A_1348 = vector.broadcast %div3A_1324 : vector<1x1xf32> to vector<4096x1xf32>
    %sub3A_1349 = arith.subf %add3A_1318, %sub3A_1348 : vector<4096x1xf32>
    %add3A_1350 = arith.constant 9.99999974E-6 : f32
    %add3A_1351 = vector.broadcast %add3A_1350 : f32 to vector<1x1xf32>
    %add3A_1352 = arith.addf %select_n3A_1347, %add3A_1351 : vector<1x1xf32>
    %sqrt3A_1353 = math.sqrt %add3A_1352 : vector<1x1xf32>
    %div3A_1354 = vector.broadcast %sqrt3A_1353 : vector<1x1xf32> to vector<4096x1xf32>
    %div3A_1355 = arith.divf %sub3A_1349, %div3A_1354 : vector<4096x1xf32>
    %logistic3A_1356 = arith.negf %div3A_1355 : vector<4096x1xf32>
    %logistic3A_1357 = math.exp %logistic3A_1356 : vector<4096x1xf32>
    %logistic3A_1358 = arith.constant 1.000000e+00 : f32
    %logistic3A_1359 = vector.broadcast %logistic3A_1358 : f32 to vector<4096x1xf32>
    %logistic3A_1360 = arith.addf %logistic3A_1359, %logistic3A_1357 : vector<4096x1xf32>
    %logistic3A_1361 = arith.divf %logistic3A_1359, %logistic3A_1360 : vector<4096x1xf32>
    %swap3A_1362 = arith.constant 0 : index
    %swap3A_1363 = arith.constant 0 : index
    %swap3A_1364 = vector.load %arg62[%swap3A_1362, %swap3A_1363] : memref<4096x1xf32, #tpu.memory_space<vmem>>, vector<4096x1xf32>
    tpu.vector_store %arg62[%swap3A_1362, %swap3A_1363], %logistic3A_1361 {strides = array<i32>} : memref<4096x1xf32, #tpu.memory_space<vmem>>, vector<4096x1xf32>,
    %dot_general3A_1365 = arith.constant dense<0.000000e+00> : vector<4096x64xf32>
    %dot_general3A_1366 = tpu.matmul %div3A_312, %get3A_151, %dot_general3A_1365 {dimension_numbers = #tpu.dot_dimension_numbers<[1], [0], [0], [1], [0, 0, 1, 1], [], []>, transpose_lhs_hint = false} : vector<4096x128xf32>, vector<128x64xf32>, vector<4096x64xf32> -> vector<4096x64xf32>
    %add3A_1367 = vector.broadcast %get3A_154 : vector<1x64xf32> to vector<4096x64xf32>
    %add3A_1368 = arith.addf %dot_general3A_1366, %add3A_1367 : vector<4096x64xf32>
    %reduce_sum3A_1369 = arith.constant dense<0.000000e+00> : vector<64xf32>
    %reduce_sum3A_1370 = vector.multi_reduction <add>, %add3A_1368, %reduce_sum3A_1369 [0] : vector<4096x64xf32> to vector<64xf32>
    %broadcast_in_dim3A_1371 = vector.shape_cast %reduce_sum3A_1370 : vector<64xf32> to vector<1x64xf32>
    %div3A_1372 = arith.constant 4.096000e+03 : f32
    %div3A_1373 = vector.broadcast %div3A_1372 : f32 to vector<1x64xf32>
    %div3A_1374 = arith.divf %broadcast_in_dim3A_1371, %div3A_1373 : vector<1x64xf32>
    %jit3A_1375 = arith.constant 0 : i32
    %reduce_sum3A_1376 = arith.constant dense<0.000000e+00> : vector<64xf32>
    %reduce_sum3A_1377 = vector.multi_reduction <add>, %add3A_1368, %reduce_sum3A_1376 [0] : vector<4096x64xf32> to vector<64xf32>
    %broadcast_in_dim3A_1378 = vector.shape_cast %reduce_sum3A_1377 : vector<64xf32> to vector<1x64xf32>
    %div3A_1379 = arith.constant 4.096000e+03 : f32
    %div3A_1380 = vector.broadcast %div3A_1379 : f32 to vector<1x64xf32>
    %div3A_1381 = arith.divf %broadcast_in_dim3A_1378, %div3A_1380 : vector<1x64xf32>
    %sub3A_1382 = vector.broadcast %div3A_1381 : vector<1x64xf32> to vector<4096x64xf32>
    %sub3A_1383 = arith.subf %add3A_1368, %sub3A_1382 : vector<4096x64xf32>
    %square3A_1384 = arith.mulf %sub3A_1383, %sub3A_1383 : vector<4096x64xf32>
    %convert_element_type3A_1385 = arith.sitofp %jit3A_1375 : i32 to f32
    %sub3A_1386 = arith.constant 4.096000e+03 : f32
    %sub3A_1387 = arith.subf %sub3A_1386, %convert_element_type3A_1385 : f32
    %reduce_sum3A_1388 = arith.constant dense<0.000000e+00> : vector<64xf32>
    %reduce_sum3A_1389 = vector.multi_reduction <add>, %square3A_1384, %reduce_sum3A_1388 [0] : vector<4096x64xf32> to vector<64xf32>
    %broadcast_in_dim3A_1390 = vector.shape_cast %reduce_sum3A_1389 : vector<64xf32> to vector<1x64xf32>
    %div3A_1391 = vector.broadcast %sub3A_1387 : f32 to vector<1x64xf32>
    %div3A_1392 = arith.divf %broadcast_in_dim3A_1390, %div3A_1391 : vector<1x64xf32>
    %gt3A_1393 = arith.constant 0.000000e+00 : f32
    %gt3A_1394 = arith.cmpf ogt, %sub3A_1387, %gt3A_1393 : f32
    %jit3A_1395 = arith.constant 0x7FC00000 : f32
    %broadcast_in_dim3A_1396 = vector.broadcast %jit3A_1395 : f32 to vector<1x64xf32>
    %select_n3A_1397 = arith.select %gt3A_1394, %div3A_1392, %broadcast_in_dim3A_1396 : vector<1x64xf32>
    %sub3A_1398 = vector.broadcast %div3A_1374 : vector<1x64xf32> to vector<4096x64xf32>
    %sub3A_1399 = arith.subf %add3A_1368, %sub3A_1398 : vector<4096x64xf32>
    %add3A_1400 = arith.constant 9.99999974E-6 : f32
    %add3A_1401 = vector.broadcast %add3A_1400 : f32 to vector<1x64xf32>
    %add3A_1402 = arith.addf %select_n3A_1397, %add3A_1401 : vector<1x64xf32>
    %sqrt3A_1403 = math.sqrt %add3A_1402 : vector<1x64xf32>
    %div3A_1404 = vector.broadcast %sqrt3A_1403 : vector<1x64xf32> to vector<4096x64xf32>
    %div3A_1405 = arith.divf %sub3A_1399, %div3A_1404 : vector<4096x64xf32>
    %max3A_1406 = arith.constant 0.000000e+00 : f32
    %max3A_1407 = vector.broadcast %max3A_1406 : f32 to vector<4096x64xf32>
    %max3A_1408 = arith.maximumf %div3A_1405, %max3A_1407 : vector<4096x64xf32>
    %dot_general3A_1409 = arith.constant dense<0.000000e+00> : vector<4096x7xf32>
    %dot_general3A_1410 = tpu.matmul %max3A_1408, %get3A_157, %dot_general3A_1409 {dimension_numbers = #tpu.dot_dimension_numbers<[1], [0], [0], [1], [0, 0, 1, 1], [], []>, transpose_lhs_hint = false} : vector<4096x64xf32>, vector<64x7xf32>, vector<4096x7xf32> -> vector<4096x7xf32>
    %add3A_1411 = vector.broadcast %get3A_160 : vector<1x7xf32> to vector<4096x7xf32>
    %add3A_1412 = arith.addf %dot_general3A_1410, %add3A_1411 : vector<4096x7xf32>
    %reduce_sum3A_1413 = arith.constant dense<0.000000e+00> : vector<7xf32>
    %reduce_sum3A_1414 = vector.multi_reduction <add>, %add3A_1412, %reduce_sum3A_1413 [0] : vector<4096x7xf32> to vector<7xf32>
    %broadcast_in_dim3A_1415 = vector.shape_cast %reduce_sum3A_1414 : vector<7xf32> to vector<1x7xf32>
    %div3A_1416 = arith.constant 4.096000e+03 : f32
    %div3A_1417 = vector.broadcast %div3A_1416 : f32 to vector<1x7xf32>
    %div3A_1418 = arith.divf %broadcast_in_dim3A_1415, %div3A_1417 : vector<1x7xf32>
    %jit3A_1419 = arith.constant 0 : i32
    %reduce_sum3A_1420 = arith.constant dense<0.000000e+00> : vector<7xf32>
    %reduce_sum3A_1421 = vector.multi_reduction <add>, %add3A_1412, %reduce_sum3A_1420 [0] : vector<4096x7xf32> to vector<7xf32>
    %broadcast_in_dim3A_1422 = vector.shape_cast %reduce_sum3A_1421 : vector<7xf32> to vector<1x7xf32>
    %div3A_1423 = arith.constant 4.096000e+03 : f32
    %div3A_1424 = vector.broadcast %div3A_1423 : f32 to vector<1x7xf32>
    %div3A_1425 = arith.divf %broadcast_in_dim3A_1422, %div3A_1424 : vector<1x7xf32>
    %sub3A_1426 = vector.broadcast %div3A_1425 : vector<1x7xf32> to vector<4096x7xf32>
    %sub3A_1427 = arith.subf %add3A_1412, %sub3A_1426 : vector<4096x7xf32>
    %square3A_1428 = arith.mulf %sub3A_1427, %sub3A_1427 : vector<4096x7xf32>
    %convert_element_type3A_1429 = arith.sitofp %jit3A_1419 : i32 to f32
    %sub3A_1430 = arith.constant 4.096000e+03 : f32
    %sub3A_1431 = arith.subf %sub3A_1430, %convert_element_type3A_1429 : f32
    %reduce_sum3A_1432 = arith.constant dense<0.000000e+00> : vector<7xf32>
    %reduce_sum3A_1433 = vector.multi_reduction <add>, %square3A_1428, %reduce_sum3A_1432 [0] : vector<4096x7xf32> to vector<7xf32>
    %broadcast_in_dim3A_1434 = vector.shape_cast %reduce_sum3A_1433 : vector<7xf32> to vector<1x7xf32>
    %div3A_1435 = vector.broadcast %sub3A_1431 : f32 to vector<1x7xf32>
    %div3A_1436 = arith.divf %broadcast_in_dim3A_1434, %div3A_1435 : vector<1x7xf32>
    %gt3A_1437 = arith.constant 0.000000e+00 : f32
    %gt3A_1438 = arith.cmpf ogt, %sub3A_1431, %gt3A_1437 : f32
    %jit3A_1439 = arith.constant 0x7FC00000 : f32
    %broadcast_in_dim3A_1440 = vector.broadcast %jit3A_1439 : f32 to vector<1x7xf32>
    %select_n3A_1441 = arith.select %gt3A_1438, %div3A_1436, %broadcast_in_dim3A_1440 : vector<1x7xf32>
    %sub3A_1442 = vector.broadcast %div3A_1418 : vector<1x7xf32> to vector<4096x7xf32>
    %sub3A_1443 = arith.subf %add3A_1412, %sub3A_1442 : vector<4096x7xf32>
    %add3A_1444 = arith.constant 9.99999974E-6 : f32
    %add3A_1445 = vector.broadcast %add3A_1444 : f32 to vector<1x7xf32>
    %add3A_1446 = arith.addf %select_n3A_1441, %add3A_1445 : vector<1x7xf32>
    %sqrt3A_1447 = math.sqrt %add3A_1446 : vector<1x7xf32>
    %div3A_1448 = vector.broadcast %sqrt3A_1447 : vector<1x7xf32> to vector<4096x7xf32>
    %div3A_1449 = arith.divf %sub3A_1443, %div3A_1448 : vector<4096x7xf32>
    %reduce_max3A = arith.constant dense<0xFF800000> : vector<4096xf32>
    %reduce_max3A_1450 = vector.multi_reduction <maximumf>, %div3A_1449, %reduce_max3A [1] : vector<4096x7xf32> to vector<4096xf32>
    %broadcast_in_dim3A_1451 = vector.shape_cast %reduce_max3A_1450 : vector<4096xf32> to vector<4096x1xf32>
    %sub3A_1452 = vector.broadcast %broadcast_in_dim3A_1451 : vector<4096x1xf32> to vector<4096x7xf32>
    %sub3A_1453 = arith.subf %div3A_1449, %sub3A_1452 : vector<4096x7xf32>
    %exp3A = math.exp %sub3A_1453 : vector<4096x7xf32>
    %reduce_sum3A_1454 = arith.constant dense<0.000000e+00> : vector<4096xf32>
    %reduce_sum3A_1455 = vector.multi_reduction <add>, %exp3A, %reduce_sum3A_1454 [1] : vector<4096x7xf32> to vector<4096xf32>
    %broadcast_in_dim3A_1456 = vector.shape_cast %reduce_sum3A_1455 : vector<4096xf32> to vector<4096x1xf32>
    %div3A_1457 = vector.broadcast %broadcast_in_dim3A_1456 : vector<4096x1xf32> to vector<4096x7xf32>
    %div3A_1458 = arith.divf %exp3A, %div3A_1457 : vector<4096x7xf32>
    %swap3A_1459 = arith.constant 0 : index
    %swap3A_1460 = arith.constant 0 : index
    %swap3A_1461 = vector.load %arg63[%swap3A_1459, %swap3A_1460] : memref<4096x7xf32, #tpu.memory_space<vmem>>, vector<4096x7xf32>
    tpu.vector_store %arg63[%swap3A_1459, %swap3A_1460], %div3A_1458 {strides = array<i32>} : memref<4096x7xf32, #tpu.memory_space<vmem>>, vector<4096x7xf32>,
    return
  }
}

</mosaic_0001>

<sc_bundles>
// kernel: kernel.5.cloned.1.call-start
scs
__scs_entry_jumppad:
0x0: {  	(pc) =	sbr.rel $0x88, $3  }
0x1: {  	(tag) =	ssettag $0x0;
	lr =	simm.s32 $0x1  }
0x2: {  	[smem:$0x3F69] =	sst lr;
	_ =	strace $0xD0000000  }
0x3: {  	_ = 	snop  }
0x4: {  	_ = 	snop  }
0x5: {  	_ = 	snop  }
0x6: {  	_ = 	snop  }
0x7: {  	_ = 	snop  }
__scs_overlays_trampoline_lowered:
0x8: {  	[smem:$0x3F78] =	sst s0  }
0x9: {  	[smem:$0x3F79] =	sst s1  }
0xa: {  	[smem:$0x3F7A] =	sst s2  }
0xb: {  	[smem:$0x3F7B] =	sst s3  }
0xc: {  	[smem:$0x3F7C] =	sst s4  }
0xd: {  	[smem:$0x3F7D] =	sst s5  }
0xe: {  	[smem:$0x3F7E] =	sst s6  }
0xf: {  	[smem:$0x3F7F] =	sst s7  }
0x10: {  	[smem:$0x3F80] =	sst s8  }
0x11: {  	[smem:$0x3F81] =	sst s9;
	s0 =	simm.s32 @!p0 $0x0  }
0x12: {  	s1 =	sld [smem:$0x3F67];
	s0 =	simm.s32 @p0 $0x1  }
0x13: {  	[smem:$0x3F82] =	sst s0;
	s0 =	simm.s32 @!p1 $0x0  }
0x14: {  	s2 =	sld [smem:$0x3F66];
	s0 =	simm.s32 @p1 $0x1  }
0x15: {  	[smem:$0x3F83] =	sst s0;
	s0 =	simm.s32 @!p2 $0x0  }
0x16: {  	s3 =	sld [smem:$0x3FDB];
	s0 =	simm.s32 @p2 $0x1  }
0x17: {  	s4 =	simm.s32 $0x1BF5;
	[smem:$0x3F85] =	sst s0  }
0x18: {  	s0 =	sld [smem:$0x3F68];
	_ =	swait.ge [sflag:s4], $0x0  }
0x19: {  	s7 =	sld [smem:$0x3F69]  }
0x1a: {  	s8 =	sadd.s32 $0xFFFFE003, lr  }
0x1b: {  	s9 =	sadd.s32 $0xFFFFFEF7, lr;
	s5 =	simm.s32 $0xFFFFFFFF;
	p2 =	slt.u32 s8, $0xFFFFF086  }
0x1c: {  	p1 =	slt.u32 s9, $0xF7A;
	s5 =	simm.s32 @!p2 $0x0  }
0x1d: {  	s5 =	simm.s32 @p1 $0x1;
	p0 =	seq.s32 s7, s2  }
0x1e: {  	s7 =	smul.u32 @!p0 $0xF7A, s2;
	p2 =	seq.s32 @!p0 s5, $0x0  }
0x1f: {  	s9 =	smul.u32 $0xF7A, s1;
	s8 =	simm.s32 @!p0 $0x1BF5;
	p2 =	por !p2, p0  }
0x20: {  	[sflag:s8] =	ssyncset.s32 @!p0 $0xFFFFF086;
	s6 =	sadd.s32 @!p0 s3, s7;
	s7 =	simm.s32 @!p0 $0x108  }
0x21: {  	s3 =	sadd.s32 s3, s9;
	s6 =	sadd.s32 @!p0 $0x88, s6;
	s7 =	simm.s32 @p2 $0x1082  }
0x22: {  	[simem:s7], [sflag:s8] =	dma.local @!p0 [hbm:s6], $0xF7A  }
0x23: {  	s9 =	sor.u32 $0xD0000000, s2;
	s6 =	simm.s32 $0x108;
	_ =	swait.ge @!p0 [sflag:s8], $0x0  }
0x24: {  	s3 =	sadd.s32 $0x88, s3;
	s6 =	simm.s32 @!p1 $0x1082;
	[sflag:s4] =	ssyncset.s32 $0xFFFFF086  }
0x25: {  	[simem:s6], [sflag:s4] =	dma.local [hbm:s3], $0xF7A  }
0x26: {  	[smem:$0x3F69] =	sst s1;
	(tag) =	ssettag s2;
	_ =	strace s9  }
0x27: {  	s1 =	sld [smem:$0x3F79]  }
0x28: {  	s2 =	sld [smem:$0x3F7A]  }
0x29: {  	s4 =	sld [smem:$0x3F7C]  }
0x2a: {  	p0 =	seq.s32 s5, $0x0;
	s5 =	sld [smem:$0x3F7D]  }
0x2b: {  	s6 =	sld [smem:$0x3F7E]  }
0x2c: {  	s7 =	sld [smem:$0x3F7F]  }
0x2d: {  	s3 =	simm.s32 $0x108;
	s8 =	sld [smem:$0x3F80]  }
0x2e: {  	s3 =	simm.s32 @!p0 $0x1082;
	s9 =	sld [smem:$0x3F81]  }
0x2f: {  	lr =	sadd.s32 s0, s3;
	s0 =	sld [smem:$0x3F78]  }
0x30: {  	s3 =	sld [smem:$0x3F7B]  }
0x31: {  	[smem:$0x3F84] =	sst s10  }
0x32: {  	s10 =	sld [smem:$0x3F82];
	_ =	sdelay $0x3  }
0x33: {  	p0 =	seq.s32 s10, $0x1;
	s10 =	sld [smem:$0x3F84];
	_ =	sdelay $0x3  }
0x34: {  	[smem:$0x3F84] =	sst s10  }
0x35: {  	s10 =	sld [smem:$0x3F83];
	_ =	sdelay $0x3  }
0x36: {  	p1 =	seq.s32 s10, $0x1;
	s10 =	sld [smem:$0x3F84];
	_ =	sdelay $0x3  }
0x37: {  	[smem:$0x3F84] =	sst s10  }
0x38: {  	s10 =	sld [smem:$0x3F85]  }
0x39: {  	_ = 	snop;
	(pc) =	sbr.ind lr, $3  }
0x3a: {  	_ = 	snop  }
0x3b: {  	_ = 	snop  }
0x3c: {  	p2 =	seq.s32 s10, $0x1;
	s10 =	sld [smem:$0x3F84]  }
0x3d: {  	_ =	shalt  }
0x3e: {  	_ =	shalt  }
0x3f: {  	_ =	shalt  }
0x40: {  	_ =	shalt  }
0x41: {  	_ =	shalt  }
0x42: {  	_ =	shalt  }
0x43: {  	_ =	shalt  }
0x44: {  	_ =	shalt  }
0x45: {  	_ =	shalt  }
0x46: {  	_ =	shalt  }
0x47: {  	_ =	shalt  }
0x48: {  	_ =	shalt  }
0x49: {  	_ =	shalt  }
0x4a: {  	_ =	shalt  }
0x4b: {  	_ =	shalt  }
0x4c: {  	_ =	shalt  }
0x4d: {  	_ =	shalt  }
0x4e: {  	_ =	shalt  }
0x4f: {  	_ =	shalt  }
0x50: {  	_ =	shalt  }
0x51: {  	_ =	shalt  }
0x52: {  	_ =	shalt  }
0x53: {  	_ =	shalt  }
0x54: {  	_ =	shalt  }
0x55: {  	_ =	shalt  }
0x56: {  	_ =	shalt  }
0x57: {  	_ =	shalt  }
0x58: {  	_ =	shalt  }
0x59: {  	_ =	shalt  }
0x5a: {  	_ =	shalt  }
0x5b: {  	_ =	shalt  }
0x5c: {  	_ =	shalt  }
0x5d: {  	_ =	shalt  }
0x5e: {  	_ =	shalt  }
0x5f: {  	_ =	shalt  }
0x60: {  	_ =	shalt  }
0x61: {  	_ =	shalt  }
0x62: {  	_ =	shalt  }
0x63: {  	_ =	shalt  }
0x64: {  	_ =	shalt  }
0x65: {  	_ =	shalt  }
0x66: {  	_ =	shalt  }
0x67: {  	_ =	shalt  }
0x68: {  	_ =	shalt  }
0x69: {  	_ =	shalt  }
0x6a: {  	_ =	shalt  }
0x6b: {  	_ =	shalt  }
0x6c: {  	_ =	shalt  }
0x6d: {  	_ =	shalt  }
0x6e: {  	_ =	shalt  }
0x6f: {  	_ =	shalt  }
0x70: {  	_ =	shalt  }
0x71: {  	_ =	shalt  }
0x72: {  	_ =	shalt  }
0x73: {  	_ =	shalt  }
0x74: {  	_ =	shalt  }
0x75: {  	_ =	shalt  }
0x76: {  	_ =	shalt  }
0x77: {  	_ =	shalt  }
0x78: {  	_ =	shalt  }
0x79: {  	_ =	shalt  }
0x7a: {  	_ =	shalt  }
0x7b: {  	_ =	shalt  }
0x7c: {  	_ =	shalt  }
0x7d: {  	_ =	shalt  }
0x7e: {  	_ =	shalt  }
0x7f: {  	_ =	shalt  }
0x80: {  	_ =	shalt  }
0x81: {  	_ =	shalt  }
0x82: {  	_ =	shalt  }
0x83: {  	_ =	shalt  }
0x84: {  	_ =	shalt  }
0x85: {  	_ =	shalt  }
0x86: {  	_ =	shalt  }
0x87: {  	_ =	shalt  }
.Lfunc_end0:
.L_simem_size_0:
called_computation_lowered:
.L_overlay_start_0:
0x88: {  	s2 =	sld [smem:$0x3FD9]  }
0x89: {  	s3 =	sld [smem:$0x3FFE];
	_ =	sdelay $0x1  }
0x8a: {  	s1 =	srdreg.scid  }
0x8b: {  	s0 =	sand.u32 $0x1, s1  }
0x8c: {  	s16 =	sshll.u32 s0, $0xA;
	s2 =	sadd.s32 s3, s2  }
0x8d: {  	s2 =	sadd.s32 s2, s16  }
0x8e: {  	[smem:$0x3F90] =	sst s2  }
0x8f: {  	_ = 	snop  }
0x90: {  	(tm) =	ssettm $0x1  }
0x91: {  	s17 =	sld [smem:$0x3FFB];
	_ =	sdelay $0x3  }
0x92: {  	_ =	strace s17  }
0x93: {  	s2 =	sld [smem:$0x3FFC];
	_ =	sdelay $0x3  }
0x94: {  	_ =	strace s2  }
0x95: {  	s2 =	sld [smem:$0x3FFD];
	_ =	sdelay $0x3  }
0x96: {  	_ =	strace s2  }
0x97: {  	_ =	strace $0x8FFFFFFF  }
0x98: {  	s18 =	sld [smem:$0x3FDB];
	_ =	sdelay $0x1  }
0x99: {  	s19 =	simm.s32 $_scs_section_size  }
0x9a: {  	s4 =	simm.s32 $_size__tile_overlayer_lowered;
	s5 =	simm.s32 $_tile_overlayer_lowered  }
0x9b: {  	s22 =	simm.s32 $0x1BFF;
	s21 =	sshll.u32 s5, $0x1;
	s2 =	sadd.s32 s19, s18  }
0x9c: {  	s6 =	simm.s32 $0x0;
	s20 =	sshll.u32 s4, $0x1;
	s4 =	sadd.s32 s21, s2  }
0x9d: {  	[timem:s6], [sflag:s22] =	dma.local [hbm:s4], s20  }
0x9e: {  	_ =	swait.ge [sflag:s22], s20  }
0x9f: {  	s3 =	ssub.s32 $0x0, s20;
	[sflag:s22] =	ssyncset.done $0x0  }
0xa0: {  	[sflag:s22] =	ssyncadd.s32 s3;
	_ =	sdelay $0x1  }
0xa1: {  	s23 =	simm.s32 $0x1B8B  }
0xa2: {  	_ =	swait.ge [sflag:s23], $0x1  }
0xa3: {  	[sflag:s23] =	ssyncset.done $0x0  }
0xa4: {  	s25 =	simm.s32 $0x1B8E;
	s24 =	sld [smem:$0x3FFE];
	[sflag:s23] =	ssyncadd.s32 $0xFFFFFFFF  }
0xa5: {  	s26 =	simm.s32 $execute0_lowered;
	[smem:$0x3FD2] =	sst s25  }
0xa6: {  	s4 =	sshll.u32 s26, $0x1;
	_ =	strace $0x80000046;
	[dreg:$0x1] =	wrdreg $0xFFFFFFFF  }
0xa7: {  	s28 =	simm.s32 $_size_execute0_lowered;
	s2 =	sadd.s32 s2, s4;
	[dreg:$0x0] =	wrdreg $0x0  }
0xa8: {  	s4 =	sshll.u32 s28, $0x1;
	[dreg:$0x2] =	wrdreg s2  }
0xa9: {  	[dreg:$0x3] =	wrdreg s4  }
0xaa: {  	[dreg:$0x4] =	wrdreg $0xC0  }
0xab: {  	_ =	task [dreg:s6], $0x5FFFF  }
0xac: {  	[dreg:$0x1] =	wrdreg $0xFFFFFFFF  }
0xad: {  	[dreg:$0x0] =	wrdreg $0x60  }
0xae: {  	[dreg:$0x2] =	wrdreg s24  }
0xaf: {  	[dreg:$0x3] =	wrdreg $0x9  }
0xb0: {  	_ =	task.clear_ibuf [dreg:s6], $0x4FFFF;
	_ =	strace $0x90000046  }
0xb1: {  	s29 =	simm.s32 $0x9;
	_ =	strace $0x80000048  }
0xb2: {  	_ =	swait.ge [sflag:s29], $0x1  }
0xb3: {  	[sflag:s29] =	ssyncadd.s32 $0xFFFFFFFF  }
0xb4: {  	_ =	strace $0x90000048  }
0xb5: {  	_ =	sfence  }
0xb6: {  	s30 =	sld [smem:$0x0];
	_ =	sdelay $0x2  }
0xb7: {  	s31 =	sshll.u32 s1, $0xD;
	s1 =	sshrl.u32 s1, $0x2  }
0xb8: {  	s3 =	sand.u32 $0x4000, s31;
	s1 =	sadd.s32 s1, s30  }
0xb9: {  	s0 =	sor.u32 s3, s0;
	s1 =	sshll.u32 s1, $0x11  }
0xba: {  	s0 =	sor.u32 s1, s0  }
0xbb: {  	s0 =	sadd.s32 $0x8F2B, s0  }
0xbc: {  	[sflag:s0] =	ssyncadd.remote.s32 $0x1  }
0xbd: {  	_ =	sfence.sel $0xFFFF  }
0xbe: {  	[dreg:$0x0] =	wrdreg $0xFFFFFFFF;
	(pc) =	sbr.abs _section_cstart, $3  }
0xbf: {  	[dreg:$0x1] =	wrdreg $0xFFFFFFFF  }
0xc0: {  	_ =	task.clear_ibuf [dreg:s6], $0x2FFFF;
	_ =	strace $0x9FFFFFFF  }
0xc1: {  	(tm) =	ssettm $0x7FFFFFFF  }
tec
execute0_lowered:
.L_overlay_start_1:
0x0: {  	(tag) =	ssettag $0x1  }
0x1: {  	s0 =	srdreg.scid  }
0x2: {  	s2 =	stileid.u32;
	s1 =	sand.u32 $0x1, s0  }
0x3: {  	s20 =	sshll.u32 s2, $0x1;
	s0 =	rddreg [dreg:$0x0];
	s2 =	simm.s32 $0x0  }
0x4: {  	s21 =	simm.s32 $0x1500;
	[smem:$0x7FF] =	sst s2  }
0x5: {  	s22 =	simm.s32 $0x100;
	_ =	strace $0x80000047;
	[dreg:$0x4] =	wrdreg s21  }
0x6: {  	s23 =	simm.s32 $0x1D00;
	[dreg:$0x5] =	wrdreg s22  }
0x7: {  	s24 =	simm.s32 $0x180;
	[dreg:$0x6] =	wrdreg s23  }
0x8: {  	s25 =	simm.s32 $0x2500;
	[dreg:$0x7] =	wrdreg s24  }
0x9: {  	s26 =	simm.s32 $0x200;
	[dreg:$0x8] =	wrdreg s25  }
0xa: {  	s5 =	simm.s32 $0x280;
	[dreg:$0x9] =	wrdreg s26  }
0xb: {  	s6 =	simm.s32 $0x3500;
	[dreg:$0xb] =	wrdreg s5  }
0xc: {  	s7 =	simm.s32 $0x300;
	[dreg:$0xc] =	wrdreg s6  }
0xd: {  	s8 =	simm.s32 $0x3D00;
	[dreg:$0xd] =	wrdreg s7  }
0xe: {  	s9 =	simm.s32 $0x380;
	[dreg:$0xe] =	wrdreg s8  }
0xf: {  	s10 =	simm.s32 $0x4500;
	[dreg:$0xf] =	wrdreg s9  }
0x10: {  	s11 =	simm.s32 $0x400;
	[dreg:$0x10] =	wrdreg s10  }
0x11: {  	s12 =	simm.s32 $0x4D00;
	[dreg:$0x11] =	wrdreg s11  }
0x12: {  	s13 =	simm.s32 $0x480;
	[dreg:$0x12] =	wrdreg s12  }
0x13: {  	s14 =	simm.s32 $0x5500;
	[dreg:$0x13] =	wrdreg s13  }
0x14: {  	s15 =	simm.s32 $0x500;
	[dreg:$0x14] =	wrdreg s14  }
0x15: {  	s16 =	simm.s32 $0x5D00;
	[dreg:$0x15] =	wrdreg s15  }
0x16: {  	s17 =	simm.s32 $0x580;
	[dreg:$0x16] =	wrdreg s16  }
0x17: {  	s18 =	simm.s32 $0x6500;
	[dreg:$0x17] =	wrdreg s17  }
0x18: {  	s19 =	simm.s32 $0x600;
	[dreg:$0x18] =	wrdreg s18  }
0x19: {  	s3 =	sor.u32 s1, s20;
	s20 =	simm.s32 $0x6D00;
	[dreg:$0x19] =	wrdreg s19  }
0x1a: {  	s4 =	smul.u32 $0x1A0, s3;
	[dreg:$0x1a] =	wrdreg s20;
	s21 =	simm.s32 $0x680  }
0x1b: {  	s3 =	smul.u32 $0x1A00, s3;
	s22 =	simm.s32 $0x7500;
	[dreg:$0x1b] =	wrdreg s21  }
0x1c: {  	s5 =	simm.s32 $0x700;
	[dreg:$0x1c] =	wrdreg s22;
	s4 =	sadd.s32 s4, s0  }
0x1d: {  	[dreg:$0x1d] =	wrdreg s5;
	s3 =	sadd.s32 s3, s0;
	s4 =	sadd.s32 $0x1F2400, s4  }
0x1e: {  	s3 =	sadd.s32 $0x1F5800, s3;
	[dreg:$0x2] =	wrdreg s4  }
0x1f: {  	[dreg:$0x3] =	wrdreg s3;
	s4 =	simm.s32 $0x2D00  }
0x20: {  	[dreg:$0xa] =	wrdreg s4  }
0x21: {  	s3 =	simm.s32 $0x2;
	s4 =	rddreg [dreg:$0x2]  }
0x22: {  	[tilespmem:s2], [sflag:$0x2] =	stream.linear.gather [hbm4b:s4+s2], $0xD00, $0x38;
	[tilespmem:$0xDD00] =	vst v63  }
0x23: {  	_ =	swait.ge [sflag:s3], $0xD00  }
0x24: {  	s7 =	rddreg [dreg:$0x1c]  }
0x25: {  	s8 =	rddreg [dreg:$0x1a]  }
0x26: {  	s9 =	rddreg [dreg:$0x18]  }
0x27: {  	s10 =	rddreg [dreg:$0x16]  }
0x28: {  	s11 =	rddreg [dreg:$0x14]  }
0x29: {  	s12 =	rddreg [dreg:$0x12]  }
0x2a: {  	s13 =	rddreg [dreg:$0x10]  }
0x2b: {  	s14 =	rddreg [dreg:$0xe]  }
0x2c: {  	s15 =	rddreg [dreg:$0xc]  }
0x2d: {  	s6 =	simm.s32 $0x80;
	s16 =	rddreg [dreg:$0xa]  }
0x2e: {  	s5 =	sadd.s32 $0x6400, s0;
	s23 =	rddreg [dreg:$0x5];
	[sflag:s3] =	ssyncset.done $0x0  }
0x2f: {  	s4 =	simm.s32 $0xD00;
	s17 =	rddreg [dreg:$0x4];
	[sflag:s3] =	ssyncadd.s32 $0xFFFFF300  }
0x30: {  	[tilespmem:s4], [sflag:$0x1] =	stream.indirect.gather [hbm4b:s5+s6], $0x10, s2, s6, $0xb8;
	[tilespmem:$0xDD00] =	vst v63  }
0x31: {  	s18 =	rddreg [dreg:$0x6]  }
0x32: {  	[tilespmem:s17], [sflag:$0x1] =	stream.indirect.gather [hbm4b:s5+s6], $0x10, s6, s6, $0xb8;
	[tilespmem:$0xDD00] =	vst v63  }
0x33: {  	s19 =	rddreg [dreg:$0x8]  }
0x34: {  	[tilespmem:s18], [sflag:$0x1] =	stream.indirect.gather [hbm4b:s5+s6], $0x10, s23, s6, $0xb8;
	[tilespmem:$0xDD00] =	vst v63  }
0x35: {  	s24 =	rddreg [dreg:$0x7]  }
0x36: {  	[tilespmem:s19], [sflag:$0x1] =	stream.indirect.gather [hbm4b:s5+s6], $0x10, s24, s6, $0xb8;
	[tilespmem:$0xDD00] =	vst v63  }
0x37: {  	s25 =	rddreg [dreg:$0x9]  }
0x38: {  	[tilespmem:s16], [sflag:$0x1] =	stream.indirect.gather [hbm4b:s5+s6], $0x10, s25, s6, $0xb8;
	[tilespmem:$0xDD00] =	vst v63  }
0x39: {  	s26 =	rddreg [dreg:$0xb]  }
0x3a: {  	[tilespmem:s15], [sflag:$0x1] =	stream.indirect.gather [hbm4b:s5+s6], $0x10, s26, s6, $0xb8;
	[tilespmem:$0xDD00] =	vst v63  }
0x3b: {  	s16 =	rddreg [dreg:$0xd]  }
0x3c: {  	[tilespmem:s14], [sflag:$0x1] =	stream.indirect.gather [hbm4b:s5+s6], $0x10, s16, s6, $0xb8;
	[tilespmem:$0xDD00] =	vst v63  }
0x3d: {  	s18 =	rddreg [dreg:$0xf]  }
0x3e: {  	[tilespmem:s13], [sflag:$0x1] =	stream.indirect.gather [hbm4b:s5+s6], $0x10, s18, s6, $0xb8;
	[tilespmem:$0xDD00] =	vst v63  }
0x3f: {  	s19 =	rddreg [dreg:$0x11]  }
0x40: {  	[tilespmem:s12], [sflag:$0x1] =	stream.indirect.gather [hbm4b:s5+s6], $0x10, s19, s6, $0xb8;
	[tilespmem:$0xDD00] =	vst v63  }
0x41: {  	s20 =	rddreg [dreg:$0x13]  }
0x42: {  	[tilespmem:s11], [sflag:$0x1] =	stream.indirect.gather [hbm4b:s5+s6], $0x10, s20, s6, $0xb8;
	[tilespmem:$0xDD00] =	vst v63  }
0x43: {  	s21 =	rddreg [dreg:$0x15]  }
0x44: {  	[tilespmem:s10], [sflag:$0x1] =	stream.indirect.gather [hbm4b:s5+s6], $0x10, s21, s6, $0xb8;
	[tilespmem:$0xDD00] =	vst v63  }
0x45: {  	s22 =	rddreg [dreg:$0x17]  }
0x46: {  	[tilespmem:s9], [sflag:$0x1] =	stream.indirect.gather [hbm4b:s5+s6], $0x10, s22, s6, $0xb8;
	[tilespmem:$0xDD00] =	vst v63  }
0x47: {  	s23 =	rddreg [dreg:$0x19]  }
0x48: {  	[tilespmem:s8], [sflag:$0x1] =	stream.indirect.gather [hbm4b:s5+s6], $0x10, s23, s6, $0xb8;
	[tilespmem:$0xDD00] =	vst v63  }
0x49: {  	s24 =	rddreg [dreg:$0x1b]  }
0x4a: {  	[tilespmem:s7], [sflag:$0x1] =	stream.indirect.gather [hbm4b:s5+s6], $0x10, s24, s6, $0xb8;
	[tilespmem:$0xDD00] =	vst v63  }
0x4b: {  	s25 =	rddreg [dreg:$0x1d];
	s26 =	simm.s32 $0x7D00  }
0x4c: {  	[tilespmem:s26], [sflag:$0x1] =	stream.indirect.gather [hbm4b:s5+s6], $0x10, s25, s6, $0xb8;
	[tilespmem:$0xDD00] =	vst v63  }
0x4d: {  	s8 =	simm.s32 $0x8500;
	s7 =	simm.s32 $0x780  }
0x4e: {  	[tilespmem:s8], [sflag:$0x1] =	stream.indirect.gather [hbm4b:s5+s6], $0x10, s7, s6, $0xb8;
	[tilespmem:$0xDD00] =	vst v63  }
0x4f: {  	s10 =	simm.s32 $0x8D00;
	s9 =	simm.s32 $0x800  }
0x50: {  	[tilespmem:s10], [sflag:$0x1] =	stream.indirect.gather [hbm4b:s5+s6], $0x10, s9, s6, $0xb8;
	[tilespmem:$0xDD00] =	vst v63  }
0x51: {  	s12 =	simm.s32 $0x9500;
	s11 =	simm.s32 $0x880  }
0x52: {  	[tilespmem:s12], [sflag:$0x1] =	stream.indirect.gather [hbm4b:s5+s6], $0x10, s11, s6, $0xb8;
	[tilespmem:$0xDD00] =	vst v63  }
0x53: {  	s14 =	simm.s32 $0x9D00;
	s13 =	simm.s32 $0x900  }
0x54: {  	[tilespmem:s14], [sflag:$0x1] =	stream.indirect.gather [hbm4b:s5+s6], $0x10, s13, s6, $0xb8;
	[tilespmem:$0xDD00] =	vst v63  }
0x55: {  	s15 =	simm.s32 $0x980;
	s16 =	simm.s32 $0xA500  }
0x56: {  	[tilespmem:s16], [sflag:$0x1] =	stream.indirect.gather [hbm4b:s5+s6], $0x10, s15, s6, $0xb8;
	[tilespmem:$0xDD00] =	vst v63  }
0x57: {  	s17 =	simm.s32 $0xA00;
	s18 =	simm.s32 $0xAD00  }
0x58: {  	[tilespmem:s18], [sflag:$0x1] =	stream.indirect.gather [hbm4b:s5+s6], $0x10, s17, s6, $0xb8;
	[tilespmem:$0xDD00] =	vst v63  }
0x59: {  	s20 =	simm.s32 $0xA80;
	s21 =	simm.s32 $0xB500  }
0x5a: {  	[tilespmem:s21], [sflag:$0x1] =	stream.indirect.gather [hbm4b:s5+s6], $0x10, s20, s6, $0xb8;
	[tilespmem:$0xDD00] =	vst v63  }
0x5b: {  	s22 =	simm.s32 $0xB00;
	s23 =	simm.s32 $0xBD00  }
0x5c: {  	[tilespmem:s23], [sflag:$0x1] =	stream.indirect.gather [hbm4b:s5+s6], $0x10, s22, s6, $0xb8;
	[tilespmem:$0xDD00] =	vst v63  }
0x5d: {  	s25 =	simm.s32 $0xB80;
	s26 =	simm.s32 $0xC500  }
0x5e: {  	[tilespmem:s26], [sflag:$0x1] =	stream.indirect.gather [hbm4b:s5+s6], $0x10, s25, s6, $0xb8;
	[tilespmem:$0xDD00] =	vst v63  }
0x5f: {  	s28 =	simm.s32 $0xC00;
	s29 =	simm.s32 $0xCD00  }
0x60: {  	[tilespmem:s29], [sflag:$0x1] =	stream.indirect.gather [hbm4b:s5+s6], $0x10, s28, s6, $0xb8;
	[tilespmem:$0xDD00] =	vst v63  }
0x61: {  	s30 =	simm.s32 $0xC80;
	s31 =	simm.s32 $0xD500;
	s24 =	simm.s32 $0x1  }
0x62: {  	[tilespmem:s31], [sflag:$0x1] =	stream.indirect.gather [hbm4b:s5+s6], $0x10, s30, s6, $0xb8;
	[tilespmem:$0xDD00] =	vst v63  }
0x63: {  	_ =	swait.ge [sflag:s24], $0x800  }
0x64: {  	[sflag:s24] =	ssyncset.done $0x0  }
0x65: {  	[sflag:s24] =	ssyncadd.s32 $0xFFFFF800  }
0x66: {  	_ =	swait.ge [sflag:s24], $0x800  }
0x67: {  	[sflag:s24] =	ssyncset.done $0x0  }
0x68: {  	[sflag:s24] =	ssyncadd.s32 $0xFFFFF800  }
0x69: {  	_ =	swait.ge [sflag:s24], $0x800  }
0x6a: {  	[sflag:s24] =	ssyncset.done $0x0  }
0x6b: {  	[sflag:s24] =	ssyncadd.s32 $0xFFFFF800  }
0x6c: {  	_ =	swait.ge [sflag:s24], $0x800  }
0x6d: {  	[sflag:s24] =	ssyncset.done $0x0  }
0x6e: {  	[sflag:s24] =	ssyncadd.s32 $0xFFFFF800  }
0x6f: {  	_ =	swait.ge [sflag:s24], $0x800  }
0x70: {  	[sflag:s24] =	ssyncset.done $0x0  }
0x71: {  	[sflag:s24] =	ssyncadd.s32 $0xFFFFF800  }
0x72: {  	_ =	swait.ge [sflag:s24], $0x800  }
0x73: {  	[sflag:s24] =	ssyncset.done $0x0  }
0x74: {  	[sflag:s24] =	ssyncadd.s32 $0xFFFFF800  }
0x75: {  	_ =	swait.ge [sflag:s24], $0x800  }
0x76: {  	[sflag:s24] =	ssyncset.done $0x0  }
0x77: {  	[sflag:s24] =	ssyncadd.s32 $0xFFFFF800  }
0x78: {  	_ =	swait.ge [sflag:s24], $0x800  }
0x79: {  	[sflag:s24] =	ssyncset.done $0x0  }
0x7a: {  	[sflag:s24] =	ssyncadd.s32 $0xFFFFF800  }
0x7b: {  	_ =	swait.ge [sflag:s24], $0x800  }
0x7c: {  	[sflag:s24] =	ssyncset.done $0x0  }
0x7d: {  	[sflag:s24] =	ssyncadd.s32 $0xFFFFF800  }
0x7e: {  	_ =	swait.ge [sflag:s24], $0x800  }
0x7f: {  	[sflag:s24] =	ssyncset.done $0x0  }
0x80: {  	[sflag:s24] =	ssyncadd.s32 $0xFFFFF800  }
0x81: {  	_ =	swait.ge [sflag:s24], $0x800  }
0x82: {  	[sflag:s24] =	ssyncset.done $0x0  }
0x83: {  	[sflag:s24] =	ssyncadd.s32 $0xFFFFF800  }
0x84: {  	_ =	swait.ge [sflag:s24], $0x800  }
0x85: {  	[sflag:s24] =	ssyncset.done $0x0  }
0x86: {  	[sflag:s24] =	ssyncadd.s32 $0xFFFFF800  }
0x87: {  	_ =	swait.ge [sflag:s24], $0x800  }
0x88: {  	[sflag:s24] =	ssyncset.done $0x0  }
0x89: {  	[sflag:s24] =	ssyncadd.s32 $0xFFFFF800  }
0x8a: {  	_ =	swait.ge [sflag:s24], $0x800  }
0x8b: {  	[sflag:s24] =	ssyncset.done $0x0  }
0x8c: {  	[sflag:s24] =	ssyncadd.s32 $0xFFFFF800  }
0x8d: {  	_ =	swait.ge [sflag:s24], $0x800  }
0x8e: {  	[sflag:s24] =	ssyncset.done $0x0  }
0x8f: {  	[sflag:s24] =	ssyncadd.s32 $0xFFFFF800  }
0x90: {  	_ =	swait.ge [sflag:s24], $0x800  }
0x91: {  	[sflag:s24] =	ssyncset.done $0x0  }
0x92: {  	[sflag:s24] =	ssyncadd.s32 $0xFFFFF800  }
0x93: {  	_ =	swait.ge [sflag:s24], $0x800  }
0x94: {  	[sflag:s24] =	ssyncset.done $0x0  }
0x95: {  	[sflag:s24] =	ssyncadd.s32 $0xFFFFF800  }
0x96: {  	_ =	swait.ge [sflag:s24], $0x800  }
0x97: {  	[sflag:s24] =	ssyncset.done $0x0  }
0x98: {  	[sflag:s24] =	ssyncadd.s32 $0xFFFFF800  }
0x99: {  	_ =	swait.ge [sflag:s24], $0x800  }
0x9a: {  	[sflag:s24] =	ssyncset.done $0x0  }
0x9b: {  	[sflag:s24] =	ssyncadd.s32 $0xFFFFF800  }
0x9c: {  	_ =	swait.ge [sflag:s24], $0x800  }
0x9d: {  	[sflag:s24] =	ssyncset.done $0x0  }
0x9e: {  	[sflag:s24] =	ssyncadd.s32 $0xFFFFF800  }
0x9f: {  	s19 =	ssub.s32 $0x2, s1;
	_ =	swait.ge [sflag:s24], $0x800  }
0xa0: {  	s1 =	sshrl.u32 s19, $0x1;
	[sflag:s24] =	ssyncset.done $0x0  }
0xa1: {  	s0 =	ssub.s32 s19, s1;
	[sflag:s24] =	ssyncadd.s32 $0xFFFFF800  }
0xa2: {  	s0 =	smax.u32 s0, $0x1;
	_ =	swait.ge [sflag:s24], $0x800  }
0xa3: {  	p0 =	sne.s32 s0, $0x1;
	[sflag:s24] =	ssyncset.done $0x0  }
.Ltmp0:
0xa4: {  	[sflag:s24] =	ssyncadd.s32 $0xFFFFF800;
	(pc) =	sbr.rel @!p0 .LBB2_2-.Ltmp0, $4  }
0xa5: {  	_ =	swait.ge [sflag:s24], $0x800  }
0xa6: {  	[sflag:s24] =	ssyncset.done $0x0  }
0xa7: {  	[sflag:s24] =	ssyncadd.s32 $0xFFFFF800  }
0xa8: {  	s1 =	sadd.s32 $0xFFFFFFFF, s0;
	_ =	swait.ge [sflag:s24], $0x800  }
.LBB2_1:
0xa9: {  	[sflag:s24] =	ssyncset.done $0x0  }
0xaa: {  	[sflag:s24] =	ssyncadd.s32 $0xFFFFF800  }
0xab: {  	_ =	swait.ge [sflag:s24], $0x800  }
0xac: {  	[sflag:s24] =	ssyncset.done $0x0  }
0xad: {  	[sflag:s24] =	ssyncadd.s32 $0xFFFFF800  }
0xae: {  	_ =	swait.ge [sflag:s24], $0x800  }
0xaf: {  	[sflag:s24] =	ssyncset.done $0x0  }
0xb0: {  	s0 =	rddreg [dreg:$0x3];
	[sflag:s24] =	ssyncadd.s32 $0xFFFFF800  }
0xb1: {  	[hbm4b:s0+s2] =	stream.linear.scatter [tilespmem:s4], [sflag:$0x2], $0xD000, $0x38;
	[tilespmem:$0xDD00] =	vst v63  }
0xb2: {  	_ =	swait.ge [sflag:s3], $0xD000  }
0xb3: {  	[sflag:s3] =	ssyncset.done $0x0  }
0xb4: {  	s17 =	rddreg [dreg:$0x2];
	[sflag:s3] =	ssyncadd.s32 $0xFFFF3000  }
0xb5: {  	[tilespmem:s2], [sflag:$0x2] =	stream.linear.gather [hbm4b:s17+s2], $0xD00, $0x38;
	[tilespmem:$0xDD00] =	vst v63  }
0xb6: {  	_ =	swait.ge [sflag:s3], $0xD00  }
0xb7: {  	s0 =	rddreg [dreg:$0x1c]  }
0xb8: {  	s7 =	rddreg [dreg:$0x1a]  }
0xb9: {  	s8 =	rddreg [dreg:$0x18]  }
0xba: {  	s9 =	rddreg [dreg:$0x16]  }
0xbb: {  	s10 =	rddreg [dreg:$0x14]  }
0xbc: {  	s11 =	rddreg [dreg:$0x12]  }
0xbd: {  	s12 =	rddreg [dreg:$0x10]  }
0xbe: {  	s13 =	rddreg [dreg:$0xe]  }
0xbf: {  	s14 =	rddreg [dreg:$0xc]  }
0xc0: {  	s15 =	rddreg [dreg:$0xa]  }
0xc1: {  	s16 =	rddreg [dreg:$0x5];
	[sflag:s3] =	ssyncset.done $0x0  }
0xc2: {  	s17 =	rddreg [dreg:$0x4];
	[sflag:s3] =	ssyncadd.s32 $0xFFFFF300  }
0xc3: {  	[tilespmem:s4], [sflag:$0x1] =	stream.indirect.gather [hbm4b:s5+s6], $0x10, s2, s6, $0xb8;
	[tilespmem:$0xDD00] =	vst v63  }
0xc4: {  	s18 =	rddreg [dreg:$0x6]  }
0xc5: {  	[tilespmem:s17], [sflag:$0x1] =	stream.indirect.gather [hbm4b:s5+s6], $0x10, s6, s6, $0xb8;
	[tilespmem:$0xDD00] =	vst v63  }
0xc6: {  	s19 =	rddreg [dreg:$0x8]  }
0xc7: {  	[tilespmem:s18], [sflag:$0x1] =	stream.indirect.gather [hbm4b:s5+s6], $0x10, s16, s6, $0xb8;
	[tilespmem:$0xDD00] =	vst v63  }
0xc8: {  	s17 =	rddreg [dreg:$0x7]  }
0xc9: {  	[tilespmem:s19], [sflag:$0x1] =	stream.indirect.gather [hbm4b:s5+s6], $0x10, s17, s6, $0xb8;
	[tilespmem:$0xDD00] =	vst v63  }
0xca: {  	s18 =	rddreg [dreg:$0x9]  }
0xcb: {  	[tilespmem:s15], [sflag:$0x1] =	stream.indirect.gather [hbm4b:s5+s6], $0x10, s18, s6, $0xb8;
	[tilespmem:$0xDD00] =	vst v63  }
0xcc: {  	s19 =	rddreg [dreg:$0xb]  }
0xcd: {  	[tilespmem:s14], [sflag:$0x1] =	stream.indirect.gather [hbm4b:s5+s6], $0x10, s19, s6, $0xb8;
	[tilespmem:$0xDD00] =	vst v63  }
0xce: {  	s16 =	rddreg [dreg:$0xd]  }
0xcf: {  	[tilespmem:s13], [sflag:$0x1] =	stream.indirect.gather [hbm4b:s5+s6], $0x10, s16, s6, $0xb8;
	[tilespmem:$0xDD00] =	vst v63  }
0xd0: {  	s17 =	rddreg [dreg:$0xf]  }
0xd1: {  	[tilespmem:s12], [sflag:$0x1] =	stream.indirect.gather [hbm4b:s5+s6], $0x10, s17, s6, $0xb8;
	[tilespmem:$0xDD00] =	vst v63  }
0xd2: {  	s18 =	rddreg [dreg:$0x11]  }
0xd3: {  	[tilespmem:s11], [sflag:$0x1] =	stream.indirect.gather [hbm4b:s5+s6], $0x10, s18, s6, $0xb8;
	[tilespmem:$0xDD00] =	vst v63  }
0xd4: {  	s19 =	rddreg [dreg:$0x13]  }
0xd5: {  	[tilespmem:s10], [sflag:$0x1] =	stream.indirect.gather [hbm4b:s5+s6], $0x10, s19, s6, $0xb8;
	[tilespmem:$0xDD00] =	vst v63  }
0xd6: {  	s14 =	rddreg [dreg:$0x15]  }
0xd7: {  	[tilespmem:s9], [sflag:$0x1] =	stream.indirect.gather [hbm4b:s5+s6], $0x10, s14, s6, $0xb8;
	[tilespmem:$0xDD00] =	vst v63  }
0xd8: {  	s15 =	rddreg [dreg:$0x17]  }
0xd9: {  	[tilespmem:s8], [sflag:$0x1] =	stream.indirect.gather [hbm4b:s5+s6], $0x10, s15, s6, $0xb8;
	[tilespmem:$0xDD00] =	vst v63  }
0xda: {  	s16 =	rddreg [dreg:$0x19]  }
0xdb: {  	[tilespmem:s7], [sflag:$0x1] =	stream.indirect.gather [hbm4b:s5+s6], $0x10, s16, s6, $0xb8;
	[tilespmem:$0xDD00] =	vst v63  }
0xdc: {  	s17 =	rddreg [dreg:$0x1b]  }
0xdd: {  	[tilespmem:s0], [sflag:$0x1] =	stream.indirect.gather [hbm4b:s5+s6], $0x10, s17, s6, $0xb8;
	[tilespmem:$0xDD00] =	vst v63  }
0xde: {  	s18 =	rddreg [dreg:$0x1d];
	s19 =	simm.s32 $0x7D00  }
0xdf: {  	[tilespmem:s19], [sflag:$0x1] =	stream.indirect.gather [hbm4b:s5+s6], $0x10, s18, s6, $0xb8;
	[tilespmem:$0xDD00] =	vst v63  }
0xe0: {  	s9 =	simm.s32 $0x8500;
	s8 =	simm.s32 $0x780  }
0xe1: {  	[tilespmem:s9], [sflag:$0x1] =	stream.indirect.gather [hbm4b:s5+s6], $0x10, s8, s6, $0xb8;
	[tilespmem:$0xDD00] =	vst v63  }
0xe2: {  	s11 =	simm.s32 $0x8D00;
	s10 =	simm.s32 $0x800  }
0xe3: {  	[tilespmem:s11], [sflag:$0x1] =	stream.indirect.gather [hbm4b:s5+s6], $0x10, s10, s6, $0xb8;
	[tilespmem:$0xDD00] =	vst v63  }
0xe4: {  	s13 =	simm.s32 $0x9500;
	s12 =	simm.s32 $0x880  }
0xe5: {  	[tilespmem:s13], [sflag:$0x1] =	stream.indirect.gather [hbm4b:s5+s6], $0x10, s12, s6, $0xb8;
	[tilespmem:$0xDD00] =	vst v63  }
0xe6: {  	s14 =	simm.s32 $0x900;
	s15 =	simm.s32 $0x9D00  }
0xe7: {  	[tilespmem:s15], [sflag:$0x1] =	stream.indirect.gather [hbm4b:s5+s6], $0x10, s14, s6, $0xb8;
	[tilespmem:$0xDD00] =	vst v63  }
0xe8: {  	s16 =	simm.s32 $0x980;
	s17 =	simm.s32 $0xA500  }
0xe9: {  	[tilespmem:s17], [sflag:$0x1] =	stream.indirect.gather [hbm4b:s5+s6], $0x10, s16, s6, $0xb8;
	[tilespmem:$0xDD00] =	vst v63  }
0xea: {  	s18 =	simm.s32 $0xA00;
	s19 =	simm.s32 $0xAD00  }
0xeb: {  	[tilespmem:s19], [sflag:$0x1] =	stream.indirect.gather [hbm4b:s5+s6], $0x10, s18, s6, $0xb8;
	[tilespmem:$0xDD00] =	vst v63  }
0xec: {  	_ = 	snop  }
0xed: {  	[tilespmem:s21], [sflag:$0x1] =	stream.indirect.gather [hbm4b:s5+s6], $0x10, s20, s6, $0xb8;
	[tilespmem:$0xDD00] =	vst v63  }
0xee: {  	_ = 	snop  }
0xef: {  	[tilespmem:s23], [sflag:$0x1] =	stream.indirect.gather [hbm4b:s5+s6], $0x10, s22, s6, $0xb8;
	[tilespmem:$0xDD00] =	vst v63  }
0xf0: {  	_ = 	snop  }
0xf1: {  	[tilespmem:s26], [sflag:$0x1] =	stream.indirect.gather [hbm4b:s5+s6], $0x10, s25, s6, $0xb8;
	[tilespmem:$0xDD00] =	vst v63  }
0xf2: {  	_ = 	snop  }
0xf3: {  	[tilespmem:s29], [sflag:$0x1] =	stream.indirect.gather [hbm4b:s5+s6], $0x10, s28, s6, $0xb8;
	[tilespmem:$0xDD00] =	vst v63  }
0xf4: {  	_ = 	snop  }
0xf5: {  	[tilespmem:s31], [sflag:$0x1] =	stream.indirect.gather [hbm4b:s5+s6], $0x10, s30, s6, $0xb8;
	[tilespmem:$0xDD00] =	vst v63  }
0xf6: {  	_ =	swait.ge [sflag:s24], $0x800  }
0xf7: {  	[sflag:s24] =	ssyncset.done $0x0  }
0xf8: {  	[sflag:s24] =	ssyncadd.s32 $0xFFFFF800  }
0xf9: {  	_ =	swait.ge [sflag:s24], $0x800  }
0xfa: {  	[sflag:s24] =	ssyncset.done $0x0  }
0xfb: {  	[sflag:s24] =	ssyncadd.s32 $0xFFFFF800  }
0xfc: {  	_ =	swait.ge [sflag:s24], $0x800  }
0xfd: {  	[sflag:s24] =	ssyncset.done $0x0  }
0xfe: {  	[sflag:s24] =	ssyncadd.s32 $0xFFFFF800  }
0xff: {  	_ =	swait.ge [sflag:s24], $0x800  }
0x100: {  	[sflag:s24] =	ssyncset.done $0x0  }
0x101: {  	[sflag:s24] =	ssyncadd.s32 $0xFFFFF800  }
0x102: {  	_ =	swait.ge [sflag:s24], $0x800  }
0x103: {  	[sflag:s24] =	ssyncset.done $0x0  }
0x104: {  	[sflag:s24] =	ssyncadd.s32 $0xFFFFF800  }
0x105: {  	_ =	swait.ge [sflag:s24], $0x800  }
0x106: {  	[sflag:s24] =	ssyncset.done $0x0  }
0x107: {  	[sflag:s24] =	ssyncadd.s32 $0xFFFFF800  }
0x108: {  	_ =	swait.ge [sflag:s24], $0x800  }
0x109: {  	[sflag:s24] =	ssyncset.done $0x0  }
0x10a: {  	[sflag:s24] =	ssyncadd.s32 $0xFFFFF800  }
0x10b: {  	_ =	swait.ge [sflag:s24], $0x800  }
0x10c: {  	[sflag:s24] =	ssyncset.done $0x0  }
0x10d: {  	[sflag:s24] =	ssyncadd.s32 $0xFFFFF800  }
0x10e: {  	_ =	swait.ge [sflag:s24], $0x800  }
0x10f: {  	[sflag:s24] =	ssyncset.done $0x0  }
0x110: {  	[sflag:s24] =	ssyncadd.s32 $0xFFFFF800  }
0x111: {  	_ =	swait.ge [sflag:s24], $0x800  }
0x112: {  	[sflag:s24] =	ssyncset.done $0x0  }
0x113: {  	[sflag:s24] =	ssyncadd.s32 $0xFFFFF800  }
0x114: {  	_ =	swait.ge [sflag:s24], $0x800  }
0x115: {  	[sflag:s24] =	ssyncset.done $0x0  }
0x116: {  	[sflag:s24] =	ssyncadd.s32 $0xFFFFF800  }
0x117: {  	_ =	swait.ge [sflag:s24], $0x800  }
0x118: {  	[sflag:s24] =	ssyncset.done $0x0  }
0x119: {  	[sflag:s24] =	ssyncadd.s32 $0xFFFFF800  }
0x11a: {  	_ =	swait.ge [sflag:s24], $0x800  }
0x11b: {  	[sflag:s24] =	ssyncset.done $0x0  }
0x11c: {  	[sflag:s24] =	ssyncadd.s32 $0xFFFFF800  }
0x11d: {  	_ =	swait.ge [sflag:s24], $0x800  }
0x11e: {  	[sflag:s24] =	ssyncset.done $0x0  }
0x11f: {  	[sflag:s24] =	ssyncadd.s32 $0xFFFFF800  }
0x120: {  	_ =	swait.ge [sflag:s24], $0x800  }
0x121: {  	[sflag:s24] =	ssyncset.done $0x0  }
0x122: {  	[sflag:s24] =	ssyncadd.s32 $0xFFFFF800  }
0x123: {  	_ =	swait.ge [sflag:s24], $0x800  }
0x124: {  	[sflag:s24] =	ssyncset.done $0x0  }
0x125: {  	[sflag:s24] =	ssyncadd.s32 $0xFFFFF800  }
0x126: {  	_ =	swait.ge [sflag:s24], $0x800  }
0x127: {  	[sflag:s24] =	ssyncset.done $0x0  }
0x128: {  	[sflag:s24] =	ssyncadd.s32 $0xFFFFF800  }
0x129: {  	_ =	swait.ge [sflag:s24], $0x800  }
0x12a: {  	[sflag:s24] =	ssyncset.done $0x0  }
0x12b: {  	[sflag:s24] =	ssyncadd.s32 $0xFFFFF800  }
0x12c: {  	_ =	swait.ge [sflag:s24], $0x800  }
0x12d: {  	[sflag:s24] =	ssyncset.done $0x0  }
0x12e: {  	[sflag:s24] =	ssyncadd.s32 $0xFFFFF800  }
0x12f: {  	_ =	swait.ge [sflag:s24], $0x800  }
0x130: {  	[sflag:s24] =	ssyncset.done $0x0  }
0x131: {  	[sflag:s24] =	ssyncadd.s32 $0xFFFFF800  }
0x132: {  	_ =	swait.ge [sflag:s24], $0x800  }
0x133: {  	[sflag:s24] =	ssyncset.done $0x0  }
0x134: {  	[sflag:s24] =	ssyncadd.s32 $0xFFFFF800  }
0x135: {  	_ =	swait.ge [sflag:s24], $0x800  }
0x136: {  	p0 =	sne.s32 s1, $0x1;
	[sflag:s24] =	ssyncset.done $0x0  }
.Ltmp1:
0x137: {  	[sflag:s24] =	ssyncadd.s32 $0xFFFFF800;
	(pc) =	sbr.rel @p0 .LBB2_1-.Ltmp1, $4  }
0x138: {  	_ =	swait.ge [sflag:s24], $0x800  }
0x139: {  	[sflag:s24] =	ssyncset.done $0x0  }
0x13a: {  	[sflag:s24] =	ssyncadd.s32 $0xFFFFF800  }
0x13b: {  	s1 =	sadd.s32 $0xFFFFFFFF, s1;
	_ =	swait.ge [sflag:s24], $0x800  }
.LBB2_2:
0x13c: {  	[sflag:s24] =	ssyncset.done $0x0  }
0x13d: {  	[sflag:s24] =	ssyncadd.s32 $0xFFFFF800  }
0x13e: {  	_ =	swait.ge [sflag:s24], $0x800  }
0x13f: {  	[sflag:s24] =	ssyncset.done $0x0  }
0x140: {  	[sflag:s24] =	ssyncadd.s32 $0xFFFFF800  }
0x141: {  	_ =	swait.ge [sflag:s24], $0x800  }
0x142: {  	[sflag:s24] =	ssyncset.done $0x0  }
0x143: {  	s0 =	rddreg [dreg:$0x3];
	[sflag:s24] =	ssyncadd.s32 $0xFFFFF800  }
0x144: {  	[hbm4b:s0+s2] =	stream.linear.scatter [tilespmem:s4], [sflag:$0x2], $0xD000, $0x38;
	[tilespmem:$0xDD00] =	vst v63  }
0x145: {  	_ =	swait.ge [sflag:s3], $0xD000  }
0x146: {  	[sflag:s3] =	ssyncset.done $0x0  }
0x147: {  	[sflag:s3] =	ssyncadd.s32 $0xFFFF3000  }
0x148: {  	_ =	sfence.sel $0x180000  }
0x149: {  	[bflag:$0x0] =	sbarrier.arrive $0xFFFF  }
0x14a: {  	_ =	strace $0x90000047  }
0x14b: {  	s31 =	stileid.u32;
	[bflag:$0x2] =	sbarrier.arrive $0xFFFF  }
0x14c: {  	p0 =	sne.s32 s31, $0x0;
	s0 =	rddreg [dreg:$0x1]  }
0x14d: {  	s0 =	sadd.s32 @!p0 $0x100000, s0  }
0x14e: {  	[sflag:s0] =	ssyncadd.tile.s32 @!p0 $0x1;
	_ =	shalt  }
.Lfunc_end2:
_tile_overlayer_lowered:
.L_overlay_start_2:
0x14f: {  	(tag) =	ssettag $0x2  }
0x150: {  	s0 =	rddreg [dreg:$0x0];
	s2 =	stileid.u32  }
0x151: {  	s1 =	rddreg [dreg:$0x1];
	p0 =	sne.s32 s2, $0x0  }
0x152: {  	s3 =	rddreg [dreg:$0x2];
	[bflag:$0x3] =	sbarrier.arrive $0xFFFF;
	s2 =	simm.s32 @!p0 $0x1C02  }
0x153: {  	[timem:s3], [sflag:s2] =	dma.local @!p0 [hbm:s0], s1  }
0x154: {  	s0 =	simm.s32 @!p0 $0x2  }
0x155: {  	_ =	swait.ge @!p0 [sflag:s0], s1  }
0x156: {  	s1 =	ssub.s32 @!p0 $0x0, s1;
	[sflag:s0] =	ssyncset.done @!p0 $0x0  }
0x157: {  	[sflag:s0] =	ssyncadd.s32 @!p0 s1  }
0x158: {  	[bflag:$0x3] =	sbarrier.arrive $0xFFFF  }
0x159: {  	_ =	shalt  }

</sc_bundles>
